<compile_context>
chip_gen: v7x
topology: tpu7x:2x2x1
jax: 0.10.2.dev20260603
libtpu: 0.0.44.dev20260713+nightly
codegen_flags: <defaults>
</compile_context>

<pallas_src>
import functools

import jax
import jax.numpy as jnp
from jax import lax
from jax.experimental import pallas as pl
from jax.experimental.pallas import tpu as pltpu
from jax.experimental.pallas import tpu_sc as plsc

_NC = 2
_NS = 16
_NW = _NC * _NS
_CH = 80
_B = 64


def _sc_mesh():
    return plsc.VectorSubcoreMesh(core_axis_name="c", subcore_axis_name="s")


def _sc_ea_pass(ei5, ea4, n_pad, de):
    _, nw, nseg, seg, ch = ei5.shape
    nch = nseg * seg
    per_row = 128 // de
    nrow = ch // per_row
    rps = n_pad // _NS

    assert nch % 2 == 1

    @functools.partial(
        pl.kernel,
        out_type=jax.ShapeDtypeStruct((_NC, n_pad, 128), jnp.float32),
        mesh=_sc_mesh(),
        scratch_types=[
            pltpu.VMEM((nseg, seg, ch), jnp.int32),
            pltpu.VMEM((nrow, 128), jnp.float32),
            pltpu.VMEM((nrow, 128), jnp.float32),
            pltpu.VMEM((ch, 128), jnp.float32),
            pltpu.VMEM((ch, 128), jnp.float32),
            pltpu.VMEM_SHARED((n_pad, 128), jnp.float32),
            pltpu.SemaphoreType.DMA,
            pltpu.SemaphoreType.DMA,
            pltpu.SemaphoreType.DMA,
            pltpu.SemaphoreType.DMA,
        ],
    )
    def k(ei_hbm, ea_hbm, out_hbm, didx_v, pk_a, pk_b, ea_a, ea_b, acc_sh,
          sem_la, sem_lb, sem_sa, sem_sb):
        cid = lax.axis_index("c")
        sid = lax.axis_index("s")
        wid = sid * _NC + cid

        for buf in (ea_a, ea_b):
            @pl.loop(0, ch)
            def _zr(r, buf=buf):
                @pl.loop(0, 128, step=16)
                def _zc(c):
                    buf[r, pl.ds(c, 16)] = jnp.zeros((16,), jnp.float32)

        @pl.loop(0, rps // ch)
        def _zt(t):
            pltpu.sync_copy(ea_a, acc_sh.at[pl.ds(sid * rps + t * ch, ch)])

        plsc.subcore_barrier()

        pltpu.sync_copy(ei_hbm.at[1, wid], didx_v)

        def start_load(j, pk, sem):
            pltpu.async_copy(ea_hbm.at[wid, j], pk, sem)

        def wait_load(pk, sem):
            pltpu.make_async_copy(ea_hbm.at[wid, 0], pk, sem).wait()

        def spread(pk, ea_v):
            @pl.loop(0, nrow)
            def _spread(q):
                for u in range(per_row):
                    ea_v[q * per_row + u, pl.ds(0, de)] = \
                        pk[q, pl.ds(u * de, de)]

        def start_scatter(j, ea_v, sem):
            pltpu.async_copy(
                ea_v, acc_sh.at[didx_v.at[lax.div(j, seg), lax.rem(j, seg)]],
                sem, add=True)

        def wait_scatter(ea_v, sem):
            pltpu.make_async_copy(ea_v, acc_sh.at[didx_v.at[0, 0]], sem).wait()

        def pair(j, first):
            if not first:
                wait_scatter(ea_a, sem_sa)
            wait_load(pk_a, sem_la)
            spread(pk_a, ea_a)
            start_scatter(j, ea_a, sem_sa)

            @pl.when(j + 2 < nch)
            def _la():
                start_load(j + 2, pk_a, sem_la)

            if not first:
                wait_scatter(ea_b, sem_sb)
            wait_load(pk_b, sem_lb)
            spread(pk_b, ea_b)
            start_scatter(j + 1, ea_b, sem_sb)

            @pl.when(j + 3 < nch)
            def _lb():
                start_load(j + 3, pk_b, sem_lb)

        start_load(0, pk_a, sem_la)
        start_load(1, pk_b, sem_lb)
        pair(0, True)

        @pl.loop(1, (nch - 1) // 2)
        def _ring(t):
            pair(2 * t, False)

        wait_scatter(ea_a, sem_sa)
        wait_load(pk_a, sem_la)
        spread(pk_a, ea_a)
        start_scatter(nch - 1, ea_a, sem_sa)
        wait_scatter(ea_a, sem_sa)
        wait_scatter(ea_b, sem_sb)

        plsc.subcore_barrier()
        pltpu.sync_copy(acc_sh.at[pl.ds(sid * rps, rps)],
                        out_hbm.at[cid, pl.ds(sid * rps, rps)])

    return k(ei5, ea4)


def _sc_gather_pass(table, ei5, n_pad):
    n_nodes, d = table.shape
    _, nw, nseg, seg, ch = ei5.shape
    nch = nseg * seg
    rps = n_pad // _NS
    assert nch % 2 == 1

    @functools.partial(
        pl.kernel,
        out_type=jax.ShapeDtypeStruct((_NC, n_pad, d), jnp.float32),
        mesh=_sc_mesh(),
        scratch_types=[
            pltpu.VMEM((nseg, seg, ch), jnp.int32),
            pltpu.VMEM((seg, ch), jnp.int32),
            pltpu.VMEM((ch, d), jnp.float32),
            pltpu.VMEM((ch, d), jnp.float32),
            pltpu.VMEM_SHARED((n_pad, d), jnp.float32),
            pltpu.SemaphoreType.DMA,
            pltpu.SemaphoreType.DMA,
        ],
    )
    def k(tbl_hbm, ei_hbm, out_hbm,
          sidx_v, didx_v, rows_a, rows_b, acc_sh, sem_ga, sem_gb):
        cid = lax.axis_index("c")
        sid = lax.axis_index("s")
        wid = sid * _NC + cid

        @pl.loop(0, ch)
        def _zr(r):
            @pl.loop(0, d, step=16)
            def _zc(c):
                rows_a[r, pl.ds(c, 16)] = jnp.zeros((16,), jnp.float32)

        @pl.loop(0, rps // ch)
        def _zt(t):
            pltpu.sync_copy(rows_a, acc_sh.at[pl.ds(sid * rps + t * ch, ch)])

        plsc.subcore_barrier()

        pltpu.sync_copy(ei_hbm.at[0, wid], sidx_v)

        def start_gather(j, buf, sem):
            pltpu.async_copy(
                tbl_hbm.at[sidx_v.at[lax.div(j, seg), lax.rem(j, seg)]],
                buf, sem)

        def wait_gather(buf, sem):
            pltpu.make_async_copy(tbl_hbm.at[sidx_v.at[0, 0]], buf, sem).wait()

        def scatter_step(j, buf):
            @pl.when(lax.rem(j, seg) == 0)
            def _seg():
                pltpu.sync_copy(ei_hbm.at[1, wid, lax.div(j, seg)], didx_v)

            pltpu.sync_copy(buf, acc_sh.at[didx_v.at[lax.rem(j, seg)]],
                            add=True)

        start_gather(0, rows_a, sem_ga)

        @pl.loop(0, (nch - 1) // 2)
        def _ring(t):
            j = 2 * t
            start_gather(j + 1, rows_b, sem_gb)
            wait_gather(rows_a, sem_ga)
            scatter_step(j, rows_a)
            start_gather(j + 2, rows_a, sem_ga)
            wait_gather(rows_b, sem_gb)
            scatter_step(j + 1, rows_b)

        wait_gather(rows_a, sem_ga)
        scatter_step(nch - 1, rows_a)

        plsc.subcore_barrier()
        pltpu.sync_copy(acc_sh.at[pl.ds(sid * rps, rps)],
                        out_hbm.at[cid, pl.ds(sid * rps, rps)])

    return k(table, ei5)


def _tc_linear(x, w, b, rb):
    n, d = x.shape
    kdim = w.shape[1]

    def body(x_ref, w_ref, b_ref, o_ref):
        o_ref[...] = (
            jnp.dot(x_ref[...], w_ref[...], preferred_element_type=jnp.float32)
            + b_ref[...]
        )

    return pl.pallas_call(
        body,
        grid=(n // rb,),
        in_specs=[
            pl.BlockSpec((rb, d), lambda i: (i, 0)),
            pl.BlockSpec((d, kdim), lambda i: (0, 0)),
            pl.BlockSpec((1, kdim), lambda i: (0, 0)),
        ],
        out_specs=pl.BlockSpec((rb, kdim), lambda i: (i, 0)),
        out_shape=jax.ShapeDtypeStruct((n, kdim), jnp.float32),
    )(x, w, b)


def _tc_mid(p1, ea, we1, w2, b2, n, rb):
    d = p1.shape[2]
    de = we1.shape[0]

    def body(p_ref, ea_ref, we1_ref, w2_ref, b2_ref, o_ref):
        agg = p_ref[0] + p_ref[1] + jnp.dot(
            ea_ref[0, :, :de] + ea_ref[1, :, :de], we1_ref[...],
            preferred_element_type=jnp.float32)
        h = jnp.maximum(agg, 0.0)
        o_ref[...] = (
            jnp.dot(h, w2_ref[...], preferred_element_type=jnp.float32)
            + b2_ref[...]
        )

    return pl.pallas_call(
        body,
        grid=(n // rb,),
        in_specs=[
            pl.BlockSpec((2, rb, d), lambda i: (0, i, 0)),
            pl.BlockSpec((2, rb, 128), lambda i: (0, i, 0)),
            pl.BlockSpec((de, d), lambda i: (0, 0)),
            pl.BlockSpec((d, d), lambda i: (0, 0)),
            pl.BlockSpec((1, d), lambda i: (0, 0)),
        ],
        out_specs=pl.BlockSpec((rb, d), lambda i: (i, 0)),
        out_shape=jax.ShapeDtypeStruct((n, d), jnp.float32),
    )(p1, ea, we1, w2, b2)


def _tc_final(p2, ea, we2, batch3, wlin, blin, n, nb):
    d = p2.shape[2]
    de = we2.shape[0]
    c = wlin.shape[1]
    rb = n // nb

    def body(p_ref, ea_ref, we2_ref, b_ref, wlin_ref, blin_ref, o_ref, acc):
        i = pl.program_id(0)

        @pl.when(i == 0)
        def _init():
            acc[...] = jnp.zeros_like(acc)

        hf = p_ref[0] + p_ref[1] + jnp.dot(
            ea_ref[0, :, :de] + ea_ref[1, :, :de], we2_ref[...],
            preferred_element_type=jnp.float32)
        bv = b_ref[0, 0, :]
        onehot = (bv[None, :] ==
                  lax.broadcasted_iota(jnp.int32, (_B, rb), 0)
                  ).astype(jnp.float32)
        acc[...] += jnp.dot(onehot, hf, preferred_element_type=jnp.float32)

        @pl.when(i == nb - 1)
        def _fin():
            o_ref[...] = (
                jnp.dot(acc[...], wlin_ref[...],
                        preferred_element_type=jnp.float32)
                + blin_ref[...]
            )

    return pl.pallas_call(
        body,
        grid=(nb,),
        in_specs=[
            pl.BlockSpec((2, rb, d), lambda i: (0, i, 0)),
            pl.BlockSpec((2, rb, 128), lambda i: (0, i, 0)),
            pl.BlockSpec((de, d), lambda i: (0, 0)),
            pl.BlockSpec((1, 1, rb), lambda i: (i, 0, 0)),
            pl.BlockSpec((d, c), lambda i: (0, 0)),
            pl.BlockSpec((1, c), lambda i: (0, 0)),
        ],
        out_specs=pl.BlockSpec((_B, c), lambda i: (0, 0)),
        out_shape=jax.ShapeDtypeStruct((_B, c), jnp.float32),
        scratch_shapes=[pltpu.VMEM((_B, d), jnp.float32)],
    )(p2, ea, we2, batch3, wlin, blin)


def kernel(x, edge_index, edge_attr, batch, W1, b1, We1, W2, b2, We2,
           Wlin, blin):
    n, d = x.shape
    nb = 10
    n_pad = 10240

    e = edge_index.shape[1]
    de = edge_attr.shape[1]
    nseg, seg = 5, 25
    nch = e // (_NW * _CH)
    ei5 = edge_index.reshape(2, _NW, nseg, seg, _CH)
    ea4 = edge_attr.reshape(_NW, nch, (_CH * de) // 128, 128)

    ea_p = _sc_ea_pass(ei5, ea4, n_pad, de)
    h1 = _tc_linear(x, W1, b1.reshape(1, -1), n // 5)
    p1 = _sc_gather_pass(h1, ei5, n_pad)
    h2 = _tc_mid(p1, ea_p, We1, W2, b2.reshape(1, -1), n, n // 5)
    p2 = _sc_gather_pass(h2, ei5, n_pad)
    return _tc_final(p2, ea_p, We2, batch.reshape(nb, 1, -1),
                     Wlin, blin.reshape(1, -1), n, nb)

# --- scband reference (transcript-rebuilt; emitter-appended) ---
"""Pipeline reference for scband-gcn-45561013076142 (READ-ONLY COPY).

The authoritative reference and input builder live on the scoring server;
editing this copy changes nothing except your own understanding.
"""

import jax, jax.numpy as jnp
import numpy as np

N = 10000
E = 320000
D = 128
DE = 16
B = 64
C = 2

def setup_inputs(seed: int = 0) -> dict:
    key = jax.random.key(seed)
    ks = jax.random.split(key, 12)
    x = jax.random.normal(ks[0], (N, D), dtype=jnp.float32)
    edge_index = jax.random.randint(ks[1], (2, E), 0, N, dtype=jnp.int32)
    edge_attr = jax.random.normal(ks[2], (E, DE), dtype=jnp.float32)
    batch = jnp.sort(jax.random.randint(ks[3], (N,), 0, B, dtype=jnp.int32))
    # learned parameters (2-layer message-passing GNN with edge features + final linear head)
    W1 = jax.random.normal(ks[4], (D, D), dtype=jnp.float32) * 0.05
    b1 = jnp.zeros((D,), dtype=jnp.float32)
    We1 = jax.random.normal(ks[5], (DE, D), dtype=jnp.float32) * 0.05
    W2 = jax.random.normal(ks[6], (D, D), dtype=jnp.float32) * 0.05
    b2 = jnp.zeros((D,), dtype=jnp.float32)
    We2 = jax.random.normal(ks[7], (DE, D), dtype=jnp.float32) * 0.05
    Wlin = jax.random.normal(ks[8], (D, C), dtype=jnp.float32) * 0.05
    blin = jnp.zeros((C,), dtype=jnp.float32)
    return {"x": x, "edge_index": edge_index, "edge_attr": edge_attr, "batch": batch,
            "W1": W1, "b1": b1, "We1": We1, "W2": W2, "b2": b2, "We2": We2,
            "Wlin": Wlin, "blin": blin}

def reference(x, edge_index, edge_attr, batch, W1, b1, We1, W2, b2, We2, Wlin, blin):
    src = edge_index[0]
    dst = edge_index[1]
    # --- node_embed (GCNEdge, num_layer=2, JK='last', eval-mode dropout = identity) ---
    # layer 1
    h = x @ W1 + b1
    e = edge_attr @ We1
    msg = h[src] + e                 # gather over src nodes + edge feature embedding
    agg = jax.ops.segment_sum(msg, dst, num_segments=N)  # scatter-add at dst
    h = jax.nn.relu(agg)
    # layer 2 (last layer: no nonlinearity, JK='last')
    h2 = h @ W2 + b2
    e2 = edge_attr @ We2
    msg2 = h2[src] + e2
    h = jax.ops.segment_sum(msg2, dst, num_segments=N)
    # --- global_add_pool_custom (reduce_type='sum', roots_to_embed=None) ---
    pooled = jax.ops.segment_sum(h, batch, num_segments=B)
    # dropout in eval mode is identity
    out = pooled @ Wlin + blin
    return out

if __name__ == "__main__":
    import jax
    _d = setup_inputs()
    print(jax.jit(kernel)(*tuple(_d.values())))

</pallas_src>

<mosaic_0001>
#map = affine_map<(d0, d1) -> (0, 0)>
#map1 = affine_map<(d0, d1) -> (0, 0, 0, 0, 0)>
#map2 = affine_map<(d0, d1) -> (0, 0, 0)>
module attributes {stable_mosaic.version = 14 : i64} {
  func.func @k(%arg0: i32, %arg1: i32, %arg2: memref<10000x128xf32, #tpu.memory_space<hbm>>, %arg3: memref<2x32x5x25x80xi32, #tpu.memory_space<hbm>>, %arg4: memref<2x10240x128xf32, #tpu.memory_space<hbm>>, %arg5: memref<5x25x80xi32, #tpu.memory_space<vmem>>, %arg6: memref<25x80xi32, #tpu.memory_space<vmem>>, %arg7: memref<80x128xf32, #tpu.memory_space<vmem>>, %arg8: memref<80x128xf32, #tpu.memory_space<vmem>>, %arg9: memref<10240x128xf32, #tpu.memory_space<vmem_shared>>, %arg10: memref<!tpu.dma_semaphore, #tpu.memory_space<semaphore_mem>>, %arg11: memref<!tpu.dma_semaphore, #tpu.memory_space<semaphore_mem>>) attributes {dimension_semantics = [#tpu.dimension_semantics<core_parallel>, #tpu.dimension_semantics<subcore_parallel>], iteration_bounds = array<i64: 2, 16>, scalar_prefetch = 0 : i64, scratch_operands = 7 : i64, tpu.core_type = #tpu.core_type<sc_vector_subcore>, window_params = [{transform_indices = #map}, {transform_indices = #map1}, {transform_indices = #map2}]} {
    %mul3A = arith.constant 2 : i32
    %mul3A_0 = arith.muli %arg1, %mul3A : i32
    %add3A = arith.addi %mul3A_0, %arg0 : i32
    %scan3A = arith.constant 0 : i32
    %scan3A_1 = arith.constant 80 : i32
    %scan3A_2 = arith.addi %scan3A, %scan3A_1 : i32
    %scan3A_3 = arith.constant 1 : i32
    scf.for %scan3A_44 = %scan3A to %scan3A_2 step %scan3A_3  : i32 {
      %mul3A_45 = arith.constant 1 : i32
      %mul3A_46 = arith.muli %scan3A_44, %mul3A_45 : i32
      %add3A_47 = arith.constant 0 : i32
      %add3A_48 = arith.addi %add3A_47, %mul3A_46 : i32
      %scan3A_49 = arith.constant 0 : i32
      %scan3A_50 = arith.constant 8 : i32
      %scan3A_51 = arith.addi %scan3A_49, %scan3A_50 : i32
      %scan3A_52 = arith.constant 1 : i32
      scf.for %scan3A_54 = %scan3A_49 to %scan3A_51 step %scan3A_52  : i32 {
        %mul3A_55 = arith.constant 16 : i32
        %mul3A_56 = arith.muli %scan3A_54, %mul3A_55 : i32
        %add3A_57 = arith.constant 0 : i32
        %add3A_58 = arith.addi %add3A_57, %mul3A_56 : i32
        %broadcast_in_dim3A = arith.constant 0.000000e+00 : f32
        %broadcast_in_dim3A_59 = vector.broadcast %broadcast_in_dim3A : f32 to vector<16xf32>
        %swap3A = arith.index_cast %add3A_48 : i32 to index
        %swap3A_60 = arith.index_cast %add3A_58 : i32 to index
        %swap3A_61 = tpu.vector_load %arg7[%swap3A, %swap3A_60] {strides = array<i32>} : memref<80x128xf32, #tpu.memory_space<vmem>>, vector<1x16xf32>,
        %swap3A_62 = vector.shape_cast %swap3A_61 : vector<1x16xf32> to vector<16xf32>
        %swap3A_63 = vector.shape_cast %broadcast_in_dim3A_59 : vector<16xf32> to vector<1x16xf32>
        tpu.vector_store %arg7[%swap3A, %swap3A_60], %swap3A_63 {strides = array<i32>} : memref<80x128xf32, #tpu.memory_space<vmem>>, vector<1x16xf32>,
      }
      %scan3A_53 = arith.constant 8 : i32
    }
    %scan3A_4 = arith.constant 80 : i32
    %scan3A_5 = arith.constant 0 : i32
    %scan3A_6 = arith.constant 8 : i32
    %scan3A_7 = arith.addi %scan3A_5, %scan3A_6 : i32
    %scan3A_8 = arith.constant 1 : i32
    scf.for %scan3A_44 = %scan3A_5 to %scan3A_7 step %scan3A_8  : i32 {
      %mul3A_45 = arith.constant 1 : i32
      %mul3A_46 = arith.muli %scan3A_44, %mul3A_45 : i32
      %add3A_47 = arith.constant 0 : i32
      %add3A_48 = arith.addi %add3A_47, %mul3A_46 : i32
      %mul3A_49 = arith.constant 640 : i32
      %mul3A_50 = arith.muli %arg1, %mul3A_49 : i32
      %mul3A_51 = arith.constant 80 : i32
      %mul3A_52 = arith.muli %add3A_48, %mul3A_51 : i32
      %add3A_53 = arith.addi %mul3A_50, %mul3A_52 : i32
      "tpu.region"() ({
        %run_scoped3A_54 = tpu.sem_alloc : memref<!tpu.dma_semaphore, #tpu.memory_space<semaphore_mem>>
        %dma_start3A_55 = arith.constant 0 : i32
        %dma_start3A_56 = tpu.memref_slice %arg9[%add3A_53, %dma_start3A_55] : memref<10240x128xf32, #tpu.memory_space<vmem_shared>> -> memref<80x128xf32, #tpu.memory_space<vmem_shared>>
        %dma_start3A_57 = arith.constant 0 : i32
        %dma_start3A_58 = tpu.memref_slice %arg9[%add3A_53, %dma_start3A_57] : memref<10240x128xf32, #tpu.memory_space<vmem_shared>> -> memref<80x128xf32, #tpu.memory_space<vmem_shared>>
        tpu.enqueue_dma source(%arg7 : memref<80x128xf32, #tpu.memory_space<vmem>>) target(%dma_start3A_58 : memref<80x128xf32, #tpu.memory_space<vmem_shared>>) target_semaphore(%run_scoped3A_54 : memref<!tpu.dma_semaphore, #tpu.memory_space<semaphore_mem>>)
        %dma_wait3A_59 = arith.constant 0 : i32
        %dma_wait3A_60 = tpu.memref_slice %arg9[%add3A_53, %dma_wait3A_59] : memref<10240x128xf32, #tpu.memory_space<vmem_shared>> -> memref<80x128xf32, #tpu.memory_space<vmem_shared>>
        %dma_wait3A_61 = arith.constant 0 : i32
        %dma_wait3A_62 = tpu.memref_slice %arg9[%add3A_53, %dma_wait3A_61] : memref<10240x128xf32, #tpu.memory_space<vmem_shared>> -> memref<80x128xf32, #tpu.memory_space<vmem_shared>>
        tpu.wait_dma2 semaphore(%run_scoped3A_54 : memref<!tpu.dma_semaphore, #tpu.memory_space<semaphore_mem>>) src(%arg7 : memref<80x128xf32, #tpu.memory_space<vmem>>) dst(%dma_wait3A_62 : memref<80x128xf32, #tpu.memory_space<vmem_shared>>)
        tpu.yield
      }) : () -> ()
    }
    %scan3A_9 = arith.constant 8 : i32
    %barrier3A = arith.constant 0 : index
    tpu.barrier barrier_id(%barrier3A)
    %run_scoped3A = arith.constant 0 : i32
    "tpu.region"() ({
      %run_scoped3A_44 = tpu.sem_alloc : memref<!tpu.dma_semaphore, #tpu.memory_space<semaphore_mem>>
      %dma_start3A_45 = arith.constant 0 : i32
      %dma_start3A_46 = arith.constant 0 : i32
      %dma_start3A_47 = arith.constant 0 : i32
      %dma_start3A_48 = tpu.memref_slice %arg3[%run_scoped3A, %add3A, %dma_start3A_45, %dma_start3A_46, %dma_start3A_47] : memref<2x32x5x25x80xi32, #tpu.memory_space<hbm>> -> memref<1x1x5x25x80xi32, #tpu.memory_space<hbm>>
      %dma_start3A_49 = tpu.memref_squeeze %dma_start3A_48 : memref<1x1x5x25x80xi32, #tpu.memory_space<hbm>> -> memref<5x25x80xi32, #tpu.memory_space<hbm>>
      %dma_start3A_50 = arith.constant 0 : i32
      %dma_start3A_51 = arith.constant 0 : i32
      %dma_start3A_52 = arith.constant 0 : i32
      %dma_start3A_53 = tpu.memref_slice %arg3[%run_scoped3A, %add3A, %dma_start3A_50, %dma_start3A_51, %dma_start3A_52] : memref<2x32x5x25x80xi32, #tpu.memory_space<hbm>> -> memref<1x1x5x25x80xi32, #tpu.memory_space<hbm>>
      %dma_start3A_54 = tpu.memref_squeeze %dma_start3A_53 : memref<1x1x5x25x80xi32, #tpu.memory_space<hbm>> -> memref<5x25x80xi32, #tpu.memory_space<hbm>>
      tpu.enqueue_dma source(%dma_start3A_54 : memref<5x25x80xi32, #tpu.memory_space<hbm>>) target(%arg5 : memref<5x25x80xi32, #tpu.memory_space<vmem>>) target_semaphore(%run_scoped3A_44 : memref<!tpu.dma_semaphore, #tpu.memory_space<semaphore_mem>>)
      %dma_wait3A_55 = arith.constant 0 : i32
      %dma_wait3A_56 = arith.constant 0 : i32
      %dma_wait3A_57 = arith.constant 0 : i32
      %dma_wait3A_58 = tpu.memref_slice %arg3[%run_scoped3A, %add3A, %dma_wait3A_55, %dma_wait3A_56, %dma_wait3A_57] : memref<2x32x5x25x80xi32, #tpu.memory_space<hbm>> -> memref<1x1x5x25x80xi32, #tpu.memory_space<hbm>>
      %dma_wait3A_59 = tpu.memref_squeeze %dma_wait3A_58 : memref<1x1x5x25x80xi32, #tpu.memory_space<hbm>> -> memref<5x25x80xi32, #tpu.memory_space<hbm>>
      %dma_wait3A_60 = arith.constant 0 : i32
      %dma_wait3A_61 = arith.constant 0 : i32
      %dma_wait3A_62 = arith.constant 0 : i32
      %dma_wait3A_63 = tpu.memref_slice %arg3[%run_scoped3A, %add3A, %dma_wait3A_60, %dma_wait3A_61, %dma_wait3A_62] : memref<2x32x5x25x80xi32, #tpu.memory_space<hbm>> -> memref<1x1x5x25x80xi32, #tpu.memory_space<hbm>>
      %dma_wait3A_64 = tpu.memref_squeeze %dma_wait3A_63 : memref<1x1x5x25x80xi32, #tpu.memory_space<hbm>> -> memref<5x25x80xi32, #tpu.memory_space<hbm>>
      tpu.wait_dma2 semaphore(%run_scoped3A_44 : memref<!tpu.dma_semaphore, #tpu.memory_space<semaphore_mem>>) src(%dma_wait3A_64 : memref<5x25x80xi32, #tpu.memory_space<hbm>>) dst(%arg5 : memref<5x25x80xi32, #tpu.memory_space<vmem>>)
      tpu.yield
    }) : () -> ()
    %div3A = arith.constant 0 : i32
    %div3A_10 = arith.constant 25 : i32
    %div3A_11 = arith.divsi %div3A, %div3A_10 : i32
    %rem3A = arith.constant 0 : i32
    %rem3A_12 = arith.constant 25 : i32
    %rem3A_13 = arith.remsi %rem3A, %rem3A_12 : i32
    %dma_start3A = arith.constant 0 : i32
    %dma_start3A_14 = tpu.memref_slice %arg5[%div3A_11, %rem3A_13, %dma_start3A] : memref<5x25x80xi32, #tpu.memory_space<vmem>> -> memref<1x1x80xi32, #tpu.memory_space<vmem>>
    %dma_start3A_15 = tpu.memref_squeeze %dma_start3A_14 : memref<1x1x80xi32, #tpu.memory_space<vmem>> -> memref<80xi32, #tpu.memory_space<vmem>>
    %dma_start3A_16 = arith.constant 0 : i32
    %dma_start3A_17 = arith.constant 0 : i32
    %dma_start3A_18 = tpu.memref_slice %arg2[%dma_start3A_16, %dma_start3A_17] : memref<10000x128xf32, #tpu.memory_space<hbm>> -> memref<10000x128xf32, #tpu.memory_space<hbm>>
    tpu.enqueue_indirect_dma source(%dma_start3A_18 : memref<10000x128xf32, #tpu.memory_space<hbm>>) target(%arg7 : memref<80x128xf32, #tpu.memory_space<vmem>>) offsets(%dma_start3A_15 : memref<80xi32, #tpu.memory_space<vmem>>) semaphore(%arg10 : memref<!tpu.dma_semaphore, #tpu.memory_space<semaphore_mem>>)
    %scan3A_19 = arith.constant 0 : i32
    %scan3A_20 = arith.constant 62 : i32
    %scan3A_21 = arith.addi %scan3A_19, %scan3A_20 : i32
    %scan3A_22 = arith.constant 1 : i32
    scf.for %scan3A_44 = %scan3A_19 to %scan3A_21 step %scan3A_22  : i32 {
      %mul3A_45 = arith.constant 1 : i32
      %mul3A_46 = arith.muli %scan3A_44, %mul3A_45 : i32
      %add3A_47 = arith.constant 0 : i32
      %add3A_48 = arith.addi %add3A_47, %mul3A_46 : i32
      %mul3A_49 = arith.constant 2 : i32
      %mul3A_50 = arith.muli %mul3A_49, %add3A_48 : i32
      %add3A_51 = arith.constant 1 : i32
      %add3A_52 = arith.addi %mul3A_50, %add3A_51 : i32
      %div3A_53 = arith.constant 25 : i32
      %div3A_54 = arith.divsi %add3A_52, %div3A_53 : i32
      %rem3A_55 = arith.constant 25 : i32
      %rem3A_56 = arith.remsi %add3A_52, %rem3A_55 : i32
      %dma_start3A_57 = arith.constant 0 : i32
      %dma_start3A_58 = tpu.memref_slice %arg5[%div3A_54, %rem3A_56, %dma_start3A_57] : memref<5x25x80xi32, #tpu.memory_space<vmem>> -> memref<1x1x80xi32, #tpu.memory_space<vmem>>
      %dma_start3A_59 = tpu.memref_squeeze %dma_start3A_58 : memref<1x1x80xi32, #tpu.memory_space<vmem>> -> memref<80xi32, #tpu.memory_space<vmem>>
      %dma_start3A_60 = arith.constant 0 : i32
      %dma_start3A_61 = arith.constant 0 : i32
      %dma_start3A_62 = tpu.memref_slice %arg2[%dma_start3A_60, %dma_start3A_61] : memref<10000x128xf32, #tpu.memory_space<hbm>> -> memref<10000x128xf32, #tpu.memory_space<hbm>>
      tpu.enqueue_indirect_dma source(%dma_start3A_62 : memref<10000x128xf32, #tpu.memory_space<hbm>>) target(%arg8 : memref<80x128xf32, #tpu.memory_space<vmem>>) offsets(%dma_start3A_59 : memref<80xi32, #tpu.memory_space<vmem>>) semaphore(%arg11 : memref<!tpu.dma_semaphore, #tpu.memory_space<semaphore_mem>>)
      %dma_wait3A_63 = arith.constant 0 : i32
      %dma_wait3A_64 = arith.constant 0 : i32
      %dma_wait3A_65 = arith.constant 0 : i32
      %dma_wait3A_66 = tpu.memref_slice %arg5[%dma_wait3A_63, %dma_wait3A_64, %dma_wait3A_65] : memref<5x25x80xi32, #tpu.memory_space<vmem>> -> memref<1x1x80xi32, #tpu.memory_space<vmem>>
      %dma_wait3A_67 = tpu.memref_squeeze %dma_wait3A_66 : memref<1x1x80xi32, #tpu.memory_space<vmem>> -> memref<80xi32, #tpu.memory_space<vmem>>
      %dma_wait3A_68 = arith.constant 0 : i32
      %dma_wait3A_69 = arith.constant 0 : i32
      %dma_wait3A_70 = tpu.memref_slice %arg2[%dma_wait3A_68, %dma_wait3A_69] : memref<10000x128xf32, #tpu.memory_space<hbm>> -> memref<10000x128xf32, #tpu.memory_space<hbm>>
      tpu.wait_indirect_dma semaphore(%arg10 : memref<!tpu.dma_semaphore, #tpu.memory_space<semaphore_mem>>) src(%dma_wait3A_70 : memref<10000x128xf32, #tpu.memory_space<hbm>>) dst(%arg7 : memref<80x128xf32, #tpu.memory_space<vmem>>)
      %rem3A_71 = arith.constant 25 : i32
      %rem3A_72 = arith.remsi %mul3A_50, %rem3A_71 : i32
      %eq3A_73 = arith.constant 0 : i32
      %eq3A_74 = arith.cmpi eq, %rem3A_72, %eq3A_73 : i32
      %convert_element_type3A_75 = arith.extui %eq3A_74 : i1 to i32
      %cond3A_76 = arith.constant 0 : i32
      %cond3A_77 = arith.cmpi ne, %convert_element_type3A_75, %cond3A_76 : i32
      scf.if %cond3A_77 {
        %div3A_111 = arith.constant 25 : i32
        %div3A_112 = arith.divsi %mul3A_50, %div3A_111 : i32
        %run_scoped3A_113 = arith.constant 1 : i32
        "tpu.region"() ({
          %run_scoped3A_114 = tpu.sem_alloc : memref<!tpu.dma_semaphore, #tpu.memory_space<semaphore_mem>>
          %dma_start3A_115 = arith.constant 0 : i32
          %dma_start3A_116 = arith.constant 0 : i32
          %dma_start3A_117 = tpu.memref_slice %arg3[%run_scoped3A_113, %add3A, %div3A_112, %dma_start3A_115, %dma_start3A_116] : memref<2x32x5x25x80xi32, #tpu.memory_space<hbm>> -> memref<1x1x1x25x80xi32, #tpu.memory_space<hbm>>
          %dma_start3A_118 = tpu.memref_squeeze %dma_start3A_117 : memref<1x1x1x25x80xi32, #tpu.memory_space<hbm>> -> memref<25x80xi32, #tpu.memory_space<hbm>>
          %dma_start3A_119 = arith.constant 0 : i32
          %dma_start3A_120 = arith.constant 0 : i32
          %dma_start3A_121 = tpu.memref_slice %arg3[%run_scoped3A_113, %add3A, %div3A_112, %dma_start3A_119, %dma_start3A_120] : memref<2x32x5x25x80xi32, #tpu.memory_space<hbm>> -> memref<1x1x1x25x80xi32, #tpu.memory_space<hbm>>
          %dma_start3A_122 = tpu.memref_squeeze %dma_start3A_121 : memref<1x1x1x25x80xi32, #tpu.memory_space<hbm>> -> memref<25x80xi32, #tpu.memory_space<hbm>>
          tpu.enqueue_dma source(%dma_start3A_122 : memref<25x80xi32, #tpu.memory_space<hbm>>) target(%arg6 : memref<25x80xi32, #tpu.memory_space<vmem>>) target_semaphore(%run_scoped3A_114 : memref<!tpu.dma_semaphore, #tpu.memory_space<semaphore_mem>>)
          %dma_wait3A_123 = arith.constant 0 : i32
          %dma_wait3A_124 = arith.constant 0 : i32
          %dma_wait3A_125 = tpu.memref_slice %arg3[%run_scoped3A_113, %add3A, %div3A_112, %dma_wait3A_123, %dma_wait3A_124] : memref<2x32x5x25x80xi32, #tpu.memory_space<hbm>> -> memref<1x1x1x25x80xi32, #tpu.memory_space<hbm>>
          %dma_wait3A_126 = tpu.memref_squeeze %dma_wait3A_125 : memref<1x1x1x25x80xi32, #tpu.memory_space<hbm>> -> memref<25x80xi32, #tpu.memory_space<hbm>>
          %dma_wait3A_127 = arith.constant 0 : i32
          %dma_wait3A_128 = arith.constant 0 : i32
          %dma_wait3A_129 = tpu.memref_slice %arg3[%run_scoped3A_113, %add3A, %div3A_112, %dma_wait3A_127, %dma_wait3A_128] : memref<2x32x5x25x80xi32, #tpu.memory_space<hbm>> -> memref<1x1x1x25x80xi32, #tpu.memory_space<hbm>>
          %dma_wait3A_130 = tpu.memref_squeeze %dma_wait3A_129 : memref<1x1x1x25x80xi32, #tpu.memory_space<hbm>> -> memref<25x80xi32, #tpu.memory_space<hbm>>
          tpu.wait_dma2 semaphore(%run_scoped3A_114 : memref<!tpu.dma_semaphore, #tpu.memory_space<semaphore_mem>>) src(%dma_wait3A_130 : memref<25x80xi32, #tpu.memory_space<hbm>>) dst(%arg6 : memref<25x80xi32, #tpu.memory_space<vmem>>)
          tpu.yield
        }) : () -> ()
      } else {
      }
      %rem3A_78 = arith.constant 25 : i32
      %rem3A_79 = arith.remsi %mul3A_50, %rem3A_78 : i32
      "tpu.region"() ({
        %run_scoped3A_111 = tpu.sem_alloc : memref<!tpu.dma_semaphore, #tpu.memory_space<semaphore_mem>>
        %dma_start3A_112 = arith.constant 0 : i32
        %dma_start3A_113 = tpu.memref_slice %arg6[%rem3A_79, %dma_start3A_112] : memref<25x80xi32, #tpu.memory_space<vmem>> -> memref<1x80xi32, #tpu.memory_space<vmem>>
        %dma_start3A_114 = tpu.memref_squeeze %dma_start3A_113 : memref<1x80xi32, #tpu.memory_space<vmem>> -> memref<80xi32, #tpu.memory_space<vmem>>
        %dma_start3A_115 = arith.constant 0 : i32
        %dma_start3A_116 = arith.constant 0 : i32
        %dma_start3A_117 = tpu.memref_slice %arg9[%dma_start3A_115, %dma_start3A_116] : memref<10240x128xf32, #tpu.memory_space<vmem_shared>> -> memref<10240x128xf32, #tpu.memory_space<vmem_shared>>
        tpu.enqueue_indirect_dma source(%arg7 : memref<80x128xf32, #tpu.memory_space<vmem>>) target(%dma_start3A_117 : memref<10240x128xf32, #tpu.memory_space<vmem_shared>>) offsets(%dma_start3A_114 : memref<80xi32, #tpu.memory_space<vmem>>) semaphore(%run_scoped3A_111 : memref<!tpu.dma_semaphore, #tpu.memory_space<semaphore_mem>>) {add = true}
        %dma_wait3A_118 = arith.constant 0 : i32
        %dma_wait3A_119 = tpu.memref_slice %arg6[%rem3A_79, %dma_wait3A_118] : memref<25x80xi32, #tpu.memory_space<vmem>> -> memref<1x80xi32, #tpu.memory_space<vmem>>
        %dma_wait3A_120 = tpu.memref_squeeze %dma_wait3A_119 : memref<1x80xi32, #tpu.memory_space<vmem>> -> memref<80xi32, #tpu.memory_space<vmem>>
        %dma_wait3A_121 = arith.constant 0 : i32
        %dma_wait3A_122 = arith.constant 0 : i32
        %dma_wait3A_123 = tpu.memref_slice %arg9[%dma_wait3A_121, %dma_wait3A_122] : memref<10240x128xf32, #tpu.memory_space<vmem_shared>> -> memref<10240x128xf32, #tpu.memory_space<vmem_shared>>
        tpu.wait_indirect_dma semaphore(%run_scoped3A_111 : memref<!tpu.dma_semaphore, #tpu.memory_space<semaphore_mem>>) src(%arg7 : memref<80x128xf32, #tpu.memory_space<vmem>>) dst(%dma_wait3A_123 : memref<10240x128xf32, #tpu.memory_space<vmem_shared>>)
        tpu.yield
      }) : () -> ()
      %add3A_80 = arith.constant 2 : i32
      %add3A_81 = arith.addi %mul3A_50, %add3A_80 : i32
      %div3A_82 = arith.constant 25 : i32
      %div3A_83 = arith.divsi %add3A_81, %div3A_82 : i32
      %rem3A_84 = arith.constant 25 : i32
      %rem3A_85 = arith.remsi %add3A_81, %rem3A_84 : i32
      %dma_start3A_86 = arith.constant 0 : i32
      %dma_start3A_87 = tpu.memref_slice %arg5[%div3A_83, %rem3A_85, %dma_start3A_86] : memref<5x25x80xi32, #tpu.memory_space<vmem>> -> memref<1x1x80xi32, #tpu.memory_space<vmem>>
      %dma_start3A_88 = tpu.memref_squeeze %dma_start3A_87 : memref<1x1x80xi32, #tpu.memory_space<vmem>> -> memref<80xi32, #tpu.memory_space<vmem>>
      %dma_start3A_89 = arith.constant 0 : i32
      %dma_start3A_90 = arith.constant 0 : i32
      %dma_start3A_91 = tpu.memref_slice %arg2[%dma_start3A_89, %dma_start3A_90] : memref<10000x128xf32, #tpu.memory_space<hbm>> -> memref<10000x128xf32, #tpu.memory_space<hbm>>
      tpu.enqueue_indirect_dma source(%dma_start3A_91 : memref<10000x128xf32, #tpu.memory_space<hbm>>) target(%arg7 : memref<80x128xf32, #tpu.memory_space<vmem>>) offsets(%dma_start3A_88 : memref<80xi32, #tpu.memory_space<vmem>>) semaphore(%arg10 : memref<!tpu.dma_semaphore, #tpu.memory_space<semaphore_mem>>)
      %dma_wait3A_92 = arith.constant 0 : i32
      %dma_wait3A_93 = arith.constant 0 : i32
      %dma_wait3A_94 = arith.constant 0 : i32
      %dma_wait3A_95 = tpu.memref_slice %arg5[%dma_wait3A_92, %dma_wait3A_93, %dma_wait3A_94] : memref<5x25x80xi32, #tpu.memory_space<vmem>> -> memref<1x1x80xi32, #tpu.memory_space<vmem>>
      %dma_wait3A_96 = tpu.memref_squeeze %dma_wait3A_95 : memref<1x1x80xi32, #tpu.memory_space<vmem>> -> memref<80xi32, #tpu.memory_space<vmem>>
      %dma_wait3A_97 = arith.constant 0 : i32
      %dma_wait3A_98 = arith.constant 0 : i32
      %dma_wait3A_99 = tpu.memref_slice %arg2[%dma_wait3A_97, %dma_wait3A_98] : memref<10000x128xf32, #tpu.memory_space<hbm>> -> memref<10000x128xf32, #tpu.memory_space<hbm>>
      tpu.wait_indirect_dma semaphore(%arg11 : memref<!tpu.dma_semaphore, #tpu.memory_space<semaphore_mem>>) src(%dma_wait3A_99 : memref<10000x128xf32, #tpu.memory_space<hbm>>) dst(%arg8 : memref<80x128xf32, #tpu.memory_space<vmem>>)
      %add3A_100 = arith.constant 1 : i32
      %add3A_101 = arith.addi %mul3A_50, %add3A_100 : i32
      %rem3A_102 = arith.constant 25 : i32
      %rem3A_103 = arith.remsi %add3A_101, %rem3A_102 : i32
      %eq3A_104 = arith.constant 0 : i32
      %eq3A_105 = arith.cmpi eq, %rem3A_103, %eq3A_104 : i32
      %convert_element_type3A_106 = arith.extui %eq3A_105 : i1 to i32
      %cond3A_107 = arith.constant 0 : i32
      %cond3A_108 = arith.cmpi ne, %convert_element_type3A_106, %cond3A_107 : i32
      scf.if %cond3A_108 {
        %div3A_111 = arith.constant 25 : i32
        %div3A_112 = arith.divsi %add3A_101, %div3A_111 : i32
        %run_scoped3A_113 = arith.constant 1 : i32
        "tpu.region"() ({
          %run_scoped3A_114 = tpu.sem_alloc : memref<!tpu.dma_semaphore, #tpu.memory_space<semaphore_mem>>
          %dma_start3A_115 = arith.constant 0 : i32
          %dma_start3A_116 = arith.constant 0 : i32
          %dma_start3A_117 = tpu.memref_slice %arg3[%run_scoped3A_113, %add3A, %div3A_112, %dma_start3A_115, %dma_start3A_116] : memref<2x32x5x25x80xi32, #tpu.memory_space<hbm>> -> memref<1x1x1x25x80xi32, #tpu.memory_space<hbm>>
          %dma_start3A_118 = tpu.memref_squeeze %dma_start3A_117 : memref<1x1x1x25x80xi32, #tpu.memory_space<hbm>> -> memref<25x80xi32, #tpu.memory_space<hbm>>
          %dma_start3A_119 = arith.constant 0 : i32
          %dma_start3A_120 = arith.constant 0 : i32
          %dma_start3A_121 = tpu.memref_slice %arg3[%run_scoped3A_113, %add3A, %div3A_112, %dma_start3A_119, %dma_start3A_120] : memref<2x32x5x25x80xi32, #tpu.memory_space<hbm>> -> memref<1x1x1x25x80xi32, #tpu.memory_space<hbm>>
          %dma_start3A_122 = tpu.memref_squeeze %dma_start3A_121 : memref<1x1x1x25x80xi32, #tpu.memory_space<hbm>> -> memref<25x80xi32, #tpu.memory_space<hbm>>
          tpu.enqueue_dma source(%dma_start3A_122 : memref<25x80xi32, #tpu.memory_space<hbm>>) target(%arg6 : memref<25x80xi32, #tpu.memory_space<vmem>>) target_semaphore(%run_scoped3A_114 : memref<!tpu.dma_semaphore, #tpu.memory_space<semaphore_mem>>)
          %dma_wait3A_123 = arith.constant 0 : i32
          %dma_wait3A_124 = arith.constant 0 : i32
          %dma_wait3A_125 = tpu.memref_slice %arg3[%run_scoped3A_113, %add3A, %div3A_112, %dma_wait3A_123, %dma_wait3A_124] : memref<2x32x5x25x80xi32, #tpu.memory_space<hbm>> -> memref<1x1x1x25x80xi32, #tpu.memory_space<hbm>>
          %dma_wait3A_126 = tpu.memref_squeeze %dma_wait3A_125 : memref<1x1x1x25x80xi32, #tpu.memory_space<hbm>> -> memref<25x80xi32, #tpu.memory_space<hbm>>
          %dma_wait3A_127 = arith.constant 0 : i32
          %dma_wait3A_128 = arith.constant 0 : i32
          %dma_wait3A_129 = tpu.memref_slice %arg3[%run_scoped3A_113, %add3A, %div3A_112, %dma_wait3A_127, %dma_wait3A_128] : memref<2x32x5x25x80xi32, #tpu.memory_space<hbm>> -> memref<1x1x1x25x80xi32, #tpu.memory_space<hbm>>
          %dma_wait3A_130 = tpu.memref_squeeze %dma_wait3A_129 : memref<1x1x1x25x80xi32, #tpu.memory_space<hbm>> -> memref<25x80xi32, #tpu.memory_space<hbm>>
          tpu.wait_dma2 semaphore(%run_scoped3A_114 : memref<!tpu.dma_semaphore, #tpu.memory_space<semaphore_mem>>) src(%dma_wait3A_130 : memref<25x80xi32, #tpu.memory_space<hbm>>) dst(%arg6 : memref<25x80xi32, #tpu.memory_space<vmem>>)
          tpu.yield
        }) : () -> ()
      } else {
      }
      %rem3A_109 = arith.constant 25 : i32
      %rem3A_110 = arith.remsi %add3A_101, %rem3A_109 : i32
      "tpu.region"() ({
        %run_scoped3A_111 = tpu.sem_alloc : memref<!tpu.dma_semaphore, #tpu.memory_space<semaphore_mem>>
        %dma_start3A_112 = arith.constant 0 : i32
        %dma_start3A_113 = tpu.memref_slice %arg6[%rem3A_110, %dma_start3A_112] : memref<25x80xi32, #tpu.memory_space<vmem>> -> memref<1x80xi32, #tpu.memory_space<vmem>>
        %dma_start3A_114 = tpu.memref_squeeze %dma_start3A_113 : memref<1x80xi32, #tpu.memory_space<vmem>> -> memref<80xi32, #tpu.memory_space<vmem>>
        %dma_start3A_115 = arith.constant 0 : i32
        %dma_start3A_116 = arith.constant 0 : i32
        %dma_start3A_117 = tpu.memref_slice %arg9[%dma_start3A_115, %dma_start3A_116] : memref<10240x128xf32, #tpu.memory_space<vmem_shared>> -> memref<10240x128xf32, #tpu.memory_space<vmem_shared>>
        tpu.enqueue_indirect_dma source(%arg8 : memref<80x128xf32, #tpu.memory_space<vmem>>) target(%dma_start3A_117 : memref<10240x128xf32, #tpu.memory_space<vmem_shared>>) offsets(%dma_start3A_114 : memref<80xi32, #tpu.memory_space<vmem>>) semaphore(%run_scoped3A_111 : memref<!tpu.dma_semaphore, #tpu.memory_space<semaphore_mem>>) {add = true}
        %dma_wait3A_118 = arith.constant 0 : i32
        %dma_wait3A_119 = tpu.memref_slice %arg6[%rem3A_110, %dma_wait3A_118] : memref<25x80xi32, #tpu.memory_space<vmem>> -> memref<1x80xi32, #tpu.memory_space<vmem>>
        %dma_wait3A_120 = tpu.memref_squeeze %dma_wait3A_119 : memref<1x80xi32, #tpu.memory_space<vmem>> -> memref<80xi32, #tpu.memory_space<vmem>>
        %dma_wait3A_121 = arith.constant 0 : i32
        %dma_wait3A_122 = arith.constant 0 : i32
        %dma_wait3A_123 = tpu.memref_slice %arg9[%dma_wait3A_121, %dma_wait3A_122] : memref<10240x128xf32, #tpu.memory_space<vmem_shared>> -> memref<10240x128xf32, #tpu.memory_space<vmem_shared>>
        tpu.wait_indirect_dma semaphore(%run_scoped3A_111 : memref<!tpu.dma_semaphore, #tpu.memory_space<semaphore_mem>>) src(%arg8 : memref<80x128xf32, #tpu.memory_space<vmem>>) dst(%dma_wait3A_123 : memref<10240x128xf32, #tpu.memory_space<vmem_shared>>)
        tpu.yield
      }) : () -> ()
    }
    %scan3A_23 = arith.constant 62 : i32
    %dma_wait3A = arith.constant 0 : i32
    %dma_wait3A_24 = arith.constant 0 : i32
    %dma_wait3A_25 = arith.constant 0 : i32
    %dma_wait3A_26 = tpu.memref_slice %arg5[%dma_wait3A, %dma_wait3A_24, %dma_wait3A_25] : memref<5x25x80xi32, #tpu.memory_space<vmem>> -> memref<1x1x80xi32, #tpu.memory_space<vmem>>
    %dma_wait3A_27 = tpu.memref_squeeze %dma_wait3A_26 : memref<1x1x80xi32, #tpu.memory_space<vmem>> -> memref<80xi32, #tpu.memory_space<vmem>>
    %dma_wait3A_28 = arith.constant 0 : i32
    %dma_wait3A_29 = arith.constant 0 : i32
    %dma_wait3A_30 = tpu.memref_slice %arg2[%dma_wait3A_28, %dma_wait3A_29] : memref<10000x128xf32, #tpu.memory_space<hbm>> -> memref<10000x128xf32, #tpu.memory_space<hbm>>
    tpu.wait_indirect_dma semaphore(%arg10 : memref<!tpu.dma_semaphore, #tpu.memory_space<semaphore_mem>>) src(%dma_wait3A_30 : memref<10000x128xf32, #tpu.memory_space<hbm>>) dst(%arg7 : memref<80x128xf32, #tpu.memory_space<vmem>>)
    %rem3A_31 = arith.constant 124 : i32
    %rem3A_32 = arith.constant 25 : i32
    %rem3A_33 = arith.remsi %rem3A_31, %rem3A_32 : i32
    %eq3A = arith.constant 0 : i32
    %eq3A_34 = arith.cmpi eq, %rem3A_33, %eq3A : i32
    %convert_element_type3A = arith.extui %eq3A_34 : i1 to i32
    %cond3A = arith.constant 0 : i32
    %cond3A_35 = arith.cmpi ne, %convert_element_type3A, %cond3A : i32
    scf.if %cond3A_35 {
      %div3A_44 = arith.constant 124 : i32
      %div3A_45 = arith.constant 25 : i32
      %div3A_46 = arith.divsi %div3A_44, %div3A_45 : i32
      %run_scoped3A_47 = arith.constant 1 : i32
      "tpu.region"() ({
        %run_scoped3A_48 = tpu.sem_alloc : memref<!tpu.dma_semaphore, #tpu.memory_space<semaphore_mem>>
        %dma_start3A_49 = arith.constant 0 : i32
        %dma_start3A_50 = arith.constant 0 : i32
        %dma_start3A_51 = tpu.memref_slice %arg3[%run_scoped3A_47, %add3A, %div3A_46, %dma_start3A_49, %dma_start3A_50] : memref<2x32x5x25x80xi32, #tpu.memory_space<hbm>> -> memref<1x1x1x25x80xi32, #tpu.memory_space<hbm>>
        %dma_start3A_52 = tpu.memref_squeeze %dma_start3A_51 : memref<1x1x1x25x80xi32, #tpu.memory_space<hbm>> -> memref<25x80xi32, #tpu.memory_space<hbm>>
        %dma_start3A_53 = arith.constant 0 : i32
        %dma_start3A_54 = arith.constant 0 : i32
        %dma_start3A_55 = tpu.memref_slice %arg3[%run_scoped3A_47, %add3A, %div3A_46, %dma_start3A_53, %dma_start3A_54] : memref<2x32x5x25x80xi32, #tpu.memory_space<hbm>> -> memref<1x1x1x25x80xi32, #tpu.memory_space<hbm>>
        %dma_start3A_56 = tpu.memref_squeeze %dma_start3A_55 : memref<1x1x1x25x80xi32, #tpu.memory_space<hbm>> -> memref<25x80xi32, #tpu.memory_space<hbm>>
        tpu.enqueue_dma source(%dma_start3A_56 : memref<25x80xi32, #tpu.memory_space<hbm>>) target(%arg6 : memref<25x80xi32, #tpu.memory_space<vmem>>) target_semaphore(%run_scoped3A_48 : memref<!tpu.dma_semaphore, #tpu.memory_space<semaphore_mem>>)
        %dma_wait3A_57 = arith.constant 0 : i32
        %dma_wait3A_58 = arith.constant 0 : i32
        %dma_wait3A_59 = tpu.memref_slice %arg3[%run_scoped3A_47, %add3A, %div3A_46, %dma_wait3A_57, %dma_wait3A_58] : memref<2x32x5x25x80xi32, #tpu.memory_space<hbm>> -> memref<1x1x1x25x80xi32, #tpu.memory_space<hbm>>
        %dma_wait3A_60 = tpu.memref_squeeze %dma_wait3A_59 : memref<1x1x1x25x80xi32, #tpu.memory_space<hbm>> -> memref<25x80xi32, #tpu.memory_space<hbm>>
        %dma_wait3A_61 = arith.constant 0 : i32
        %dma_wait3A_62 = arith.constant 0 : i32
        %dma_wait3A_63 = tpu.memref_slice %arg3[%run_scoped3A_47, %add3A, %div3A_46, %dma_wait3A_61, %dma_wait3A_62] : memref<2x32x5x25x80xi32, #tpu.memory_space<hbm>> -> memref<1x1x1x25x80xi32, #tpu.memory_space<hbm>>
        %dma_wait3A_64 = tpu.memref_squeeze %dma_wait3A_63 : memref<1x1x1x25x80xi32, #tpu.memory_space<hbm>> -> memref<25x80xi32, #tpu.memory_space<hbm>>
        tpu.wait_dma2 semaphore(%run_scoped3A_48 : memref<!tpu.dma_semaphore, #tpu.memory_space<semaphore_mem>>) src(%dma_wait3A_64 : memref<25x80xi32, #tpu.memory_space<hbm>>) dst(%arg6 : memref<25x80xi32, #tpu.memory_space<vmem>>)
        tpu.yield
      }) : () -> ()
    } else {
    }
    %rem3A_36 = arith.constant 124 : i32
    %rem3A_37 = arith.constant 25 : i32
    %rem3A_38 = arith.remsi %rem3A_36, %rem3A_37 : i32
    "tpu.region"() ({
      %run_scoped3A_44 = tpu.sem_alloc : memref<!tpu.dma_semaphore, #tpu.memory_space<semaphore_mem>>
      %dma_start3A_45 = arith.constant 0 : i32
      %dma_start3A_46 = tpu.memref_slice %arg6[%rem3A_38, %dma_start3A_45] : memref<25x80xi32, #tpu.memory_space<vmem>> -> memref<1x80xi32, #tpu.memory_space<vmem>>
      %dma_start3A_47 = tpu.memref_squeeze %dma_start3A_46 : memref<1x80xi32, #tpu.memory_space<vmem>> -> memref<80xi32, #tpu.memory_space<vmem>>
      %dma_start3A_48 = arith.constant 0 : i32
      %dma_start3A_49 = arith.constant 0 : i32
      %dma_start3A_50 = tpu.memref_slice %arg9[%dma_start3A_48, %dma_start3A_49] : memref<10240x128xf32, #tpu.memory_space<vmem_shared>> -> memref<10240x128xf32, #tpu.memory_space<vmem_shared>>
      tpu.enqueue_indirect_dma source(%arg7 : memref<80x128xf32, #tpu.memory_space<vmem>>) target(%dma_start3A_50 : memref<10240x128xf32, #tpu.memory_space<vmem_shared>>) offsets(%dma_start3A_47 : memref<80xi32, #tpu.memory_space<vmem>>) semaphore(%run_scoped3A_44 : memref<!tpu.dma_semaphore, #tpu.memory_space<semaphore_mem>>) {add = true}
      %dma_wait3A_51 = arith.constant 0 : i32
      %dma_wait3A_52 = tpu.memref_slice %arg6[%rem3A_38, %dma_wait3A_51] : memref<25x80xi32, #tpu.memory_space<vmem>> -> memref<1x80xi32, #tpu.memory_space<vmem>>
      %dma_wait3A_53 = tpu.memref_squeeze %dma_wait3A_52 : memref<1x80xi32, #tpu.memory_space<vmem>> -> memref<80xi32, #tpu.memory_space<vmem>>
      %dma_wait3A_54 = arith.constant 0 : i32
      %dma_wait3A_55 = arith.constant 0 : i32
      %dma_wait3A_56 = tpu.memref_slice %arg9[%dma_wait3A_54, %dma_wait3A_55] : memref<10240x128xf32, #tpu.memory_space<vmem_shared>> -> memref<10240x128xf32, #tpu.memory_space<vmem_shared>>
      tpu.wait_indirect_dma semaphore(%run_scoped3A_44 : memref<!tpu.dma_semaphore, #tpu.memory_space<semaphore_mem>>) src(%arg7 : memref<80x128xf32, #tpu.memory_space<vmem>>) dst(%dma_wait3A_56 : memref<10240x128xf32, #tpu.memory_space<vmem_shared>>)
      tpu.yield
    }) : () -> ()
    %barrier3A_39 = arith.constant 0 : index
    tpu.barrier barrier_id(%barrier3A_39)
    %mul3A_40 = arith.constant 640 : i32
    %mul3A_41 = arith.muli %arg1, %mul3A_40 : i32
    %mul3A_42 = arith.constant 640 : i32
    %mul3A_43 = arith.muli %arg1, %mul3A_42 : i32
    "tpu.region"() ({
      %run_scoped3A_44 = tpu.sem_alloc : memref<!tpu.dma_semaphore, #tpu.memory_space<semaphore_mem>>
      %dma_start3A_45 = arith.constant 0 : i32
      %dma_start3A_46 = tpu.memref_slice %arg4[%arg0, %mul3A_43, %dma_start3A_45] : memref<2x10240x128xf32, #tpu.memory_space<hbm>> -> memref<1x640x128xf32, #tpu.memory_space<hbm>>
      %dma_start3A_47 = tpu.memref_squeeze %dma_start3A_46 : memref<1x640x128xf32, #tpu.memory_space<hbm>> -> memref<640x128xf32, #tpu.memory_space<hbm>>
      %dma_start3A_48 = arith.constant 0 : i32
      %dma_start3A_49 = tpu.memref_slice %arg9[%mul3A_41, %dma_start3A_48] : memref<10240x128xf32, #tpu.memory_space<vmem_shared>> -> memref<640x128xf32, #tpu.memory_space<vmem_shared>>
      tpu.enqueue_dma source(%dma_start3A_49 : memref<640x128xf32, #tpu.memory_space<vmem_shared>>) target(%dma_start3A_47 : memref<640x128xf32, #tpu.memory_space<hbm>>) target_semaphore(%run_scoped3A_44 : memref<!tpu.dma_semaphore, #tpu.memory_space<semaphore_mem>>)
      %dma_wait3A_50 = arith.constant 0 : i32
      %dma_wait3A_51 = tpu.memref_slice %arg4[%arg0, %mul3A_43, %dma_wait3A_50] : memref<2x10240x128xf32, #tpu.memory_space<hbm>> -> memref<1x640x128xf32, #tpu.memory_space<hbm>>
      %dma_wait3A_52 = tpu.memref_squeeze %dma_wait3A_51 : memref<1x640x128xf32, #tpu.memory_space<hbm>> -> memref<640x128xf32, #tpu.memory_space<hbm>>
      %dma_wait3A_53 = arith.constant 0 : i32
      %dma_wait3A_54 = tpu.memref_slice %arg9[%mul3A_41, %dma_wait3A_53] : memref<10240x128xf32, #tpu.memory_space<vmem_shared>> -> memref<640x128xf32, #tpu.memory_space<vmem_shared>>
      tpu.wait_dma2 semaphore(%run_scoped3A_44 : memref<!tpu.dma_semaphore, #tpu.memory_space<semaphore_mem>>) src(%dma_wait3A_54 : memref<640x128xf32, #tpu.memory_space<vmem_shared>>) dst(%dma_wait3A_52 : memref<640x128xf32, #tpu.memory_space<hbm>>)
      tpu.yield
    }) : () -> ()
    return
  }
}

#map = affine_map<(d0, d1) -> (0, 0, 0, 0, 0)>
#map1 = affine_map<(d0, d1) -> (0, 0, 0, 0)>
#map2 = affine_map<(d0, d1) -> (0, 0, 0)>
module attributes {stable_mosaic.version = 14 : i64} {
  func.func @k(%arg0: i32, %arg1: i32, %arg2: memref<2x32x5x25x80xi32, #tpu.memory_space<hbm>>, %arg3: memref<32x125x10x128xf32, #tpu.memory_space<hbm>>, %arg4: memref<2x10240x128xf32, #tpu.memory_space<hbm>>, %arg5: memref<5x25x80xi32, #tpu.memory_space<vmem>>, %arg6: memref<10x128xf32, #tpu.memory_space<vmem>>, %arg7: memref<10x128xf32, #tpu.memory_space<vmem>>, %arg8: memref<80x128xf32, #tpu.memory_space<vmem>>, %arg9: memref<80x128xf32, #tpu.memory_space<vmem>>, %arg10: memref<10240x128xf32, #tpu.memory_space<vmem_shared>>, %arg11: memref<!tpu.dma_semaphore, #tpu.memory_space<semaphore_mem>>, %arg12: memref<!tpu.dma_semaphore, #tpu.memory_space<semaphore_mem>>, %arg13: memref<!tpu.dma_semaphore, #tpu.memory_space<semaphore_mem>>, %arg14: memref<!tpu.dma_semaphore, #tpu.memory_space<semaphore_mem>>) attributes {dimension_semantics = [#tpu.dimension_semantics<core_parallel>, #tpu.dimension_semantics<subcore_parallel>], iteration_bounds = array<i64: 2, 16>, scalar_prefetch = 0 : i64, scratch_operands = 10 : i64, tpu.core_type = #tpu.core_type<sc_vector_subcore>, window_params = [{transform_indices = #map}, {transform_indices = #map1}, {transform_indices = #map2}]} {
    %mul3A = arith.constant 2 : i32
    %mul3A_0 = arith.muli %arg1, %mul3A : i32
    %add3A = arith.addi %mul3A_0, %arg0 : i32
    %scan3A = arith.constant 0 : i32
    %scan3A_1 = arith.constant 80 : i32
    %scan3A_2 = arith.addi %scan3A, %scan3A_1 : i32
    %scan3A_3 = arith.constant 1 : i32
    scf.for %scan3A_159 = %scan3A to %scan3A_2 step %scan3A_3  : i32 {
      %mul3A_160 = arith.constant 1 : i32
      %mul3A_161 = arith.muli %scan3A_159, %mul3A_160 : i32
      %add3A_162 = arith.constant 0 : i32
      %add3A_163 = arith.addi %add3A_162, %mul3A_161 : i32
      %scan3A_164 = arith.constant 0 : i32
      %scan3A_165 = arith.constant 8 : i32
      %scan3A_166 = arith.addi %scan3A_164, %scan3A_165 : i32
      %scan3A_167 = arith.constant 1 : i32
      scf.for %scan3A_169 = %scan3A_164 to %scan3A_166 step %scan3A_167  : i32 {
        %mul3A_170 = arith.constant 16 : i32
        %mul3A_171 = arith.muli %scan3A_169, %mul3A_170 : i32
        %add3A_172 = arith.constant 0 : i32
        %add3A_173 = arith.addi %add3A_172, %mul3A_171 : i32
        %broadcast_in_dim3A = arith.constant 0.000000e+00 : f32
        %broadcast_in_dim3A_174 = vector.broadcast %broadcast_in_dim3A : f32 to vector<16xf32>
        %swap3A = arith.index_cast %add3A_163 : i32 to index
        %swap3A_175 = arith.index_cast %add3A_173 : i32 to index
        %swap3A_176 = tpu.vector_load %arg8[%swap3A, %swap3A_175] {strides = array<i32>} : memref<80x128xf32, #tpu.memory_space<vmem>>, vector<1x16xf32>,
        %swap3A_177 = vector.shape_cast %swap3A_176 : vector<1x16xf32> to vector<16xf32>
        %swap3A_178 = vector.shape_cast %broadcast_in_dim3A_174 : vector<16xf32> to vector<1x16xf32>
        tpu.vector_store %arg8[%swap3A, %swap3A_175], %swap3A_178 {strides = array<i32>} : memref<80x128xf32, #tpu.memory_space<vmem>>, vector<1x16xf32>,
      }
      %scan3A_168 = arith.constant 8 : i32
    }
    %scan3A_4 = arith.constant 80 : i32
    %scan3A_5 = arith.constant 0 : i32
    %scan3A_6 = arith.constant 80 : i32
    %scan3A_7 = arith.addi %scan3A_5, %scan3A_6 : i32
    %scan3A_8 = arith.constant 1 : i32
    scf.for %scan3A_159 = %scan3A_5 to %scan3A_7 step %scan3A_8  : i32 {
      %mul3A_160 = arith.constant 1 : i32
      %mul3A_161 = arith.muli %scan3A_159, %mul3A_160 : i32
      %add3A_162 = arith.constant 0 : i32
      %add3A_163 = arith.addi %add3A_162, %mul3A_161 : i32
      %scan3A_164 = arith.constant 0 : i32
      %scan3A_165 = arith.constant 8 : i32
      %scan3A_166 = arith.addi %scan3A_164, %scan3A_165 : i32
      %scan3A_167 = arith.constant 1 : i32
      scf.for %scan3A_169 = %scan3A_164 to %scan3A_166 step %scan3A_167  : i32 {
        %mul3A_170 = arith.constant 16 : i32
        %mul3A_171 = arith.muli %scan3A_169, %mul3A_170 : i32
        %add3A_172 = arith.constant 0 : i32
        %add3A_173 = arith.addi %add3A_172, %mul3A_171 : i32
        %broadcast_in_dim3A = arith.constant 0.000000e+00 : f32
        %broadcast_in_dim3A_174 = vector.broadcast %broadcast_in_dim3A : f32 to vector<16xf32>
        %swap3A = arith.index_cast %add3A_163 : i32 to index
        %swap3A_175 = arith.index_cast %add3A_173 : i32 to index
        %swap3A_176 = tpu.vector_load %arg9[%swap3A, %swap3A_175] {strides = array<i32>} : memref<80x128xf32, #tpu.memory_space<vmem>>, vector<1x16xf32>,
        %swap3A_177 = vector.shape_cast %swap3A_176 : vector<1x16xf32> to vector<16xf32>
        %swap3A_178 = vector.shape_cast %broadcast_in_dim3A_174 : vector<16xf32> to vector<1x16xf32>
        tpu.vector_store %arg9[%swap3A, %swap3A_175], %swap3A_178 {strides = array<i32>} : memref<80x128xf32, #tpu.memory_space<vmem>>, vector<1x16xf32>,
      }
      %scan3A_168 = arith.constant 8 : i32
    }
    %scan3A_9 = arith.constant 80 : i32
    %scan3A_10 = arith.constant 0 : i32
    %scan3A_11 = arith.constant 8 : i32
    %scan3A_12 = arith.addi %scan3A_10, %scan3A_11 : i32
    %scan3A_13 = arith.constant 1 : i32
    scf.for %scan3A_159 = %scan3A_10 to %scan3A_12 step %scan3A_13  : i32 {
      %mul3A_160 = arith.constant 1 : i32
      %mul3A_161 = arith.muli %scan3A_159, %mul3A_160 : i32
      %add3A_162 = arith.constant 0 : i32
      %add3A_163 = arith.addi %add3A_162, %mul3A_161 : i32
      %mul3A_164 = arith.constant 640 : i32
      %mul3A_165 = arith.muli %arg1, %mul3A_164 : i32
      %mul3A_166 = arith.constant 80 : i32
      %mul3A_167 = arith.muli %add3A_163, %mul3A_166 : i32
      %add3A_168 = arith.addi %mul3A_165, %mul3A_167 : i32
      "tpu.region"() ({
        %run_scoped3A_169 = tpu.sem_alloc : memref<!tpu.dma_semaphore, #tpu.memory_space<semaphore_mem>>
        %dma_start3A_170 = arith.constant 0 : i32
        %dma_start3A_171 = tpu.memref_slice %arg10[%add3A_168, %dma_start3A_170] : memref<10240x128xf32, #tpu.memory_space<vmem_shared>> -> memref<80x128xf32, #tpu.memory_space<vmem_shared>>
        %dma_start3A_172 = arith.constant 0 : i32
        %dma_start3A_173 = tpu.memref_slice %arg10[%add3A_168, %dma_start3A_172] : memref<10240x128xf32, #tpu.memory_space<vmem_shared>> -> memref<80x128xf32, #tpu.memory_space<vmem_shared>>
        tpu.enqueue_dma source(%arg8 : memref<80x128xf32, #tpu.memory_space<vmem>>) target(%dma_start3A_173 : memref<80x128xf32, #tpu.memory_space<vmem_shared>>) target_semaphore(%run_scoped3A_169 : memref<!tpu.dma_semaphore, #tpu.memory_space<semaphore_mem>>)
        %dma_wait3A_174 = arith.constant 0 : i32
        %dma_wait3A_175 = tpu.memref_slice %arg10[%add3A_168, %dma_wait3A_174] : memref<10240x128xf32, #tpu.memory_space<vmem_shared>> -> memref<80x128xf32, #tpu.memory_space<vmem_shared>>
        %dma_wait3A_176 = arith.constant 0 : i32
        %dma_wait3A_177 = tpu.memref_slice %arg10[%add3A_168, %dma_wait3A_176] : memref<10240x128xf32, #tpu.memory_space<vmem_shared>> -> memref<80x128xf32, #tpu.memory_space<vmem_shared>>
        tpu.wait_dma2 semaphore(%run_scoped3A_169 : memref<!tpu.dma_semaphore, #tpu.memory_space<semaphore_mem>>) src(%arg8 : memref<80x128xf32, #tpu.memory_space<vmem>>) dst(%dma_wait3A_177 : memref<80x128xf32, #tpu.memory_space<vmem_shared>>)
        tpu.yield
      }) : () -> ()
    }
    %scan3A_14 = arith.constant 8 : i32
    %barrier3A = arith.constant 0 : index
    tpu.barrier barrier_id(%barrier3A)
    %run_scoped3A = arith.constant 1 : i32
    "tpu.region"() ({
      %run_scoped3A_159 = tpu.sem_alloc : memref<!tpu.dma_semaphore, #tpu.memory_space<semaphore_mem>>
      %dma_start3A_160 = arith.constant 0 : i32
      %dma_start3A_161 = arith.constant 0 : i32
      %dma_start3A_162 = arith.constant 0 : i32
      %dma_start3A_163 = tpu.memref_slice %arg2[%run_scoped3A, %add3A, %dma_start3A_160, %dma_start3A_161, %dma_start3A_162] : memref<2x32x5x25x80xi32, #tpu.memory_space<hbm>> -> memref<1x1x5x25x80xi32, #tpu.memory_space<hbm>>
      %dma_start3A_164 = tpu.memref_squeeze %dma_start3A_163 : memref<1x1x5x25x80xi32, #tpu.memory_space<hbm>> -> memref<5x25x80xi32, #tpu.memory_space<hbm>>
      %dma_start3A_165 = arith.constant 0 : i32
      %dma_start3A_166 = arith.constant 0 : i32
      %dma_start3A_167 = arith.constant 0 : i32
      %dma_start3A_168 = tpu.memref_slice %arg2[%run_scoped3A, %add3A, %dma_start3A_165, %dma_start3A_166, %dma_start3A_167] : memref<2x32x5x25x80xi32, #tpu.memory_space<hbm>> -> memref<1x1x5x25x80xi32, #tpu.memory_space<hbm>>
      %dma_start3A_169 = tpu.memref_squeeze %dma_start3A_168 : memref<1x1x5x25x80xi32, #tpu.memory_space<hbm>> -> memref<5x25x80xi32, #tpu.memory_space<hbm>>
      tpu.enqueue_dma source(%dma_start3A_169 : memref<5x25x80xi32, #tpu.memory_space<hbm>>) target(%arg5 : memref<5x25x80xi32, #tpu.memory_space<vmem>>) target_semaphore(%run_scoped3A_159 : memref<!tpu.dma_semaphore, #tpu.memory_space<semaphore_mem>>)
      %dma_wait3A_170 = arith.constant 0 : i32
      %dma_wait3A_171 = arith.constant 0 : i32
      %dma_wait3A_172 = arith.constant 0 : i32
      %dma_wait3A_173 = tpu.memref_slice %arg2[%run_scoped3A, %add3A, %dma_wait3A_170, %dma_wait3A_171, %dma_wait3A_172] : memref<2x32x5x25x80xi32, #tpu.memory_space<hbm>> -> memref<1x1x5x25x80xi32, #tpu.memory_space<hbm>>
      %dma_wait3A_174 = tpu.memref_squeeze %dma_wait3A_173 : memref<1x1x5x25x80xi32, #tpu.memory_space<hbm>> -> memref<5x25x80xi32, #tpu.memory_space<hbm>>
      %dma_wait3A_175 = arith.constant 0 : i32
      %dma_wait3A_176 = arith.constant 0 : i32
      %dma_wait3A_177 = arith.constant 0 : i32
      %dma_wait3A_178 = tpu.memref_slice %arg2[%run_scoped3A, %add3A, %dma_wait3A_175, %dma_wait3A_176, %dma_wait3A_177] : memref<2x32x5x25x80xi32, #tpu.memory_space<hbm>> -> memref<1x1x5x25x80xi32, #tpu.memory_space<hbm>>
      %dma_wait3A_179 = tpu.memref_squeeze %dma_wait3A_178 : memref<1x1x5x25x80xi32, #tpu.memory_space<hbm>> -> memref<5x25x80xi32, #tpu.memory_space<hbm>>
      tpu.wait_dma2 semaphore(%run_scoped3A_159 : memref<!tpu.dma_semaphore, #tpu.memory_space<semaphore_mem>>) src(%dma_wait3A_179 : memref<5x25x80xi32, #tpu.memory_space<hbm>>) dst(%arg5 : memref<5x25x80xi32, #tpu.memory_space<vmem>>)
      tpu.yield
    }) : () -> ()
    %dma_start3A = arith.constant 0 : i32
    %dma_start3A_15 = arith.constant 0 : i32
    %dma_start3A_16 = arith.constant 0 : i32
    %dma_start3A_17 = tpu.memref_slice %arg3[%add3A, %dma_start3A, %dma_start3A_15, %dma_start3A_16] : memref<32x125x10x128xf32, #tpu.memory_space<hbm>> -> memref<1x1x10x128xf32, #tpu.memory_space<hbm>>
    %dma_start3A_18 = tpu.memref_squeeze %dma_start3A_17 : memref<1x1x10x128xf32, #tpu.memory_space<hbm>> -> memref<10x128xf32, #tpu.memory_space<hbm>>
    %dma_start3A_19 = arith.constant 0 : i32
    %dma_start3A_20 = arith.constant 0 : i32
    %dma_start3A_21 = tpu.memref_slice %arg3[%add3A, %dma_start3A, %dma_start3A_19, %dma_start3A_20] : memref<32x125x10x128xf32, #tpu.memory_space<hbm>> -> memref<1x1x10x128xf32, #tpu.memory_space<hbm>>
    %dma_start3A_22 = tpu.memref_squeeze %dma_start3A_21 : memref<1x1x10x128xf32, #tpu.memory_space<hbm>> -> memref<10x128xf32, #tpu.memory_space<hbm>>
    tpu.enqueue_dma source(%dma_start3A_22 : memref<10x128xf32, #tpu.memory_space<hbm>>) target(%arg6 : memref<10x128xf32, #tpu.memory_space<vmem>>) target_semaphore(%arg11 : memref<!tpu.dma_semaphore, #tpu.memory_space<semaphore_mem>>)
    %dma_start3A_23 = arith.constant 1 : i32
    %dma_start3A_24 = arith.constant 0 : i32
    %dma_start3A_25 = arith.constant 0 : i32
    %dma_start3A_26 = tpu.memref_slice %arg3[%add3A, %dma_start3A_23, %dma_start3A_24, %dma_start3A_25] : memref<32x125x10x128xf32, #tpu.memory_space<hbm>> -> memref<1x1x10x128xf32, #tpu.memory_space<hbm>>
    %dma_start3A_27 = tpu.memref_squeeze %dma_start3A_26 : memref<1x1x10x128xf32, #tpu.memory_space<hbm>> -> memref<10x128xf32, #tpu.memory_space<hbm>>
    %dma_start3A_28 = arith.constant 0 : i32
    %dma_start3A_29 = arith.constant 0 : i32
    %dma_start3A_30 = tpu.memref_slice %arg3[%add3A, %dma_start3A_23, %dma_start3A_28, %dma_start3A_29] : memref<32x125x10x128xf32, #tpu.memory_space<hbm>> -> memref<1x1x10x128xf32, #tpu.memory_space<hbm>>
    %dma_start3A_31 = tpu.memref_squeeze %dma_start3A_30 : memref<1x1x10x128xf32, #tpu.memory_space<hbm>> -> memref<10x128xf32, #tpu.memory_space<hbm>>
    tpu.enqueue_dma source(%dma_start3A_31 : memref<10x128xf32, #tpu.memory_space<hbm>>) target(%arg7 : memref<10x128xf32, #tpu.memory_space<vmem>>) target_semaphore(%arg12 : memref<!tpu.dma_semaphore, #tpu.memory_space<semaphore_mem>>)
    %dma_wait3A = arith.constant 0 : i32
    %dma_wait3A_32 = arith.constant 0 : i32
    %dma_wait3A_33 = arith.constant 0 : i32
    %dma_wait3A_34 = tpu.memref_slice %arg3[%add3A, %dma_wait3A, %dma_wait3A_32, %dma_wait3A_33] : memref<32x125x10x128xf32, #tpu.memory_space<hbm>> -> memref<1x1x10x128xf32, #tpu.memory_space<hbm>>
    %dma_wait3A_35 = tpu.memref_squeeze %dma_wait3A_34 : memref<1x1x10x128xf32, #tpu.memory_space<hbm>> -> memref<10x128xf32, #tpu.memory_space<hbm>>
    %dma_wait3A_36 = arith.constant 0 : i32
    %dma_wait3A_37 = arith.constant 0 : i32
    %dma_wait3A_38 = tpu.memref_slice %arg3[%add3A, %dma_wait3A, %dma_wait3A_36, %dma_wait3A_37] : memref<32x125x10x128xf32, #tpu.memory_space<hbm>> -> memref<1x1x10x128xf32, #tpu.memory_space<hbm>>
    %dma_wait3A_39 = tpu.memref_squeeze %dma_wait3A_38 : memref<1x1x10x128xf32, #tpu.memory_space<hbm>> -> memref<10x128xf32, #tpu.memory_space<hbm>>
    tpu.wait_dma2 semaphore(%arg11 : memref<!tpu.dma_semaphore, #tpu.memory_space<semaphore_mem>>) src(%dma_wait3A_39 : memref<10x128xf32, #tpu.memory_space<hbm>>) dst(%arg6 : memref<10x128xf32, #tpu.memory_space<vmem>>)
    %scan3A_40 = arith.constant 0 : i32
    %scan3A_41 = arith.constant 10 : i32
    %scan3A_42 = arith.addi %scan3A_40, %scan3A_41 : i32
    %scan3A_43 = arith.constant 1 : i32
    scf.for %scan3A_159 = %scan3A_40 to %scan3A_42 step %scan3A_43  : i32 {
      %mul3A_160 = arith.constant 1 : i32
      %mul3A_161 = arith.muli %scan3A_159, %mul3A_160 : i32
      %add3A_162 = arith.constant 0 : i32
      %add3A_163 = arith.addi %add3A_162, %mul3A_161 : i32
      %get3A = arith.index_cast %add3A_163 : i32 to index
      %get3A_164 = arith.constant 0 : index
      %get3A_165 = tpu.vector_load %arg6[%get3A, %get3A_164] {strides = array<i32>} : memref<10x128xf32, #tpu.memory_space<vmem>>, vector<1x16xf32>,
      %get3A_166 = vector.shape_cast %get3A_165 : vector<1x16xf32> to vector<16xf32>
      %mul3A_167 = arith.constant 8 : i32
      %mul3A_168 = arith.muli %add3A_163, %mul3A_167 : i32
      %add3A_169 = arith.constant 0 : i32
      %add3A_170 = arith.addi %mul3A_168, %add3A_169 : i32
      %swap3A = arith.index_cast %add3A_170 : i32 to index
      %swap3A_171 = arith.constant 0 : index
      %swap3A_172 = tpu.vector_load %arg8[%swap3A, %swap3A_171] {strides = array<i32>} : memref<80x128xf32, #tpu.memory_space<vmem>>, vector<1x16xf32>,
      %swap3A_173 = vector.shape_cast %swap3A_172 : vector<1x16xf32> to vector<16xf32>
      %swap3A_174 = vector.shape_cast %get3A_166 : vector<16xf32> to vector<1x16xf32>
      tpu.vector_store %arg8[%swap3A, %swap3A_171], %swap3A_174 {strides = array<i32>} : memref<80x128xf32, #tpu.memory_space<vmem>>, vector<1x16xf32>,
      %get3A_175 = arith.index_cast %add3A_163 : i32 to index
      %get3A_176 = arith.constant 16 : index
      %get3A_177 = tpu.vector_load %arg6[%get3A_175, %get3A_176] {strides = array<i32>} : memref<10x128xf32, #tpu.memory_space<vmem>>, vector<1x16xf32>,
      %get3A_178 = vector.shape_cast %get3A_177 : vector<1x16xf32> to vector<16xf32>
      %mul3A_179 = arith.constant 8 : i32
      %mul3A_180 = arith.muli %add3A_163, %mul3A_179 : i32
      %add3A_181 = arith.constant 1 : i32
      %add3A_182 = arith.addi %mul3A_180, %add3A_181 : i32
      %swap3A_183 = arith.index_cast %add3A_182 : i32 to index
      %swap3A_184 = arith.constant 0 : index
      %swap3A_185 = tpu.vector_load %arg8[%swap3A_183, %swap3A_184] {strides = array<i32>} : memref<80x128xf32, #tpu.memory_space<vmem>>, vector<1x16xf32>,
      %swap3A_186 = vector.shape_cast %swap3A_185 : vector<1x16xf32> to vector<16xf32>
      %swap3A_187 = vector.shape_cast %get3A_178 : vector<16xf32> to vector<1x16xf32>
      tpu.vector_store %arg8[%swap3A_183, %swap3A_184], %swap3A_187 {strides = array<i32>} : memref<80x128xf32, #tpu.memory_space<vmem>>, vector<1x16xf32>,
      %get3A_188 = arith.index_cast %add3A_163 : i32 to index
      %get3A_189 = arith.constant 32 : index
      %get3A_190 = tpu.vector_load %arg6[%get3A_188, %get3A_189] {strides = array<i32>} : memref<10x128xf32, #tpu.memory_space<vmem>>, vector<1x16xf32>,
      %get3A_191 = vector.shape_cast %get3A_190 : vector<1x16xf32> to vector<16xf32>
      %mul3A_192 = arith.constant 8 : i32
      %mul3A_193 = arith.muli %add3A_163, %mul3A_192 : i32
      %add3A_194 = arith.constant 2 : i32
      %add3A_195 = arith.addi %mul3A_193, %add3A_194 : i32
      %swap3A_196 = arith.index_cast %add3A_195 : i32 to index
      %swap3A_197 = arith.constant 0 : index
      %swap3A_198 = tpu.vector_load %arg8[%swap3A_196, %swap3A_197] {strides = array<i32>} : memref<80x128xf32, #tpu.memory_space<vmem>>, vector<1x16xf32>,
      %swap3A_199 = vector.shape_cast %swap3A_198 : vector<1x16xf32> to vector<16xf32>
      %swap3A_200 = vector.shape_cast %get3A_191 : vector<16xf32> to vector<1x16xf32>
      tpu.vector_store %arg8[%swap3A_196, %swap3A_197], %swap3A_200 {strides = array<i32>} : memref<80x128xf32, #tpu.memory_space<vmem>>, vector<1x16xf32>,
      %get3A_201 = arith.index_cast %add3A_163 : i32 to index
      %get3A_202 = arith.constant 48 : index
      %get3A_203 = tpu.vector_load %arg6[%get3A_201, %get3A_202] {strides = array<i32>} : memref<10x128xf32, #tpu.memory_space<vmem>>, vector<1x16xf32>,
      %get3A_204 = vector.shape_cast %get3A_203 : vector<1x16xf32> to vector<16xf32>
      %mul3A_205 = arith.constant 8 : i32
      %mul3A_206 = arith.muli %add3A_163, %mul3A_205 : i32
      %add3A_207 = arith.constant 3 : i32
      %add3A_208 = arith.addi %mul3A_206, %add3A_207 : i32
      %swap3A_209 = arith.index_cast %add3A_208 : i32 to index
      %swap3A_210 = arith.constant 0 : index
      %swap3A_211 = tpu.vector_load %arg8[%swap3A_209, %swap3A_210] {strides = array<i32>} : memref<80x128xf32, #tpu.memory_space<vmem>>, vector<1x16xf32>,
      %swap3A_212 = vector.shape_cast %swap3A_211 : vector<1x16xf32> to vector<16xf32>
      %swap3A_213 = vector.shape_cast %get3A_204 : vector<16xf32> to vector<1x16xf32>
      tpu.vector_store %arg8[%swap3A_209, %swap3A_210], %swap3A_213 {strides = array<i32>} : memref<80x128xf32, #tpu.memory_space<vmem>>, vector<1x16xf32>,
      %get3A_214 = arith.index_cast %add3A_163 : i32 to index
      %get3A_215 = arith.constant 64 : index
      %get3A_216 = tpu.vector_load %arg6[%get3A_214, %get3A_215] {strides = array<i32>} : memref<10x128xf32, #tpu.memory_space<vmem>>, vector<1x16xf32>,
      %get3A_217 = vector.shape_cast %get3A_216 : vector<1x16xf32> to vector<16xf32>
      %mul3A_218 = arith.constant 8 : i32
      %mul3A_219 = arith.muli %add3A_163, %mul3A_218 : i32
      %add3A_220 = arith.constant 4 : i32
      %add3A_221 = arith.addi %mul3A_219, %add3A_220 : i32
      %swap3A_222 = arith.index_cast %add3A_221 : i32 to index
      %swap3A_223 = arith.constant 0 : index
      %swap3A_224 = tpu.vector_load %arg8[%swap3A_222, %swap3A_223] {strides = array<i32>} : memref<80x128xf32, #tpu.memory_space<vmem>>, vector<1x16xf32>,
      %swap3A_225 = vector.shape_cast %swap3A_224 : vector<1x16xf32> to vector<16xf32>
      %swap3A_226 = vector.shape_cast %get3A_217 : vector<16xf32> to vector<1x16xf32>
      tpu.vector_store %arg8[%swap3A_222, %swap3A_223], %swap3A_226 {strides = array<i32>} : memref<80x128xf32, #tpu.memory_space<vmem>>, vector<1x16xf32>,
      %get3A_227 = arith.index_cast %add3A_163 : i32 to index
      %get3A_228 = arith.constant 80 : index
      %get3A_229 = tpu.vector_load %arg6[%get3A_227, %get3A_228] {strides = array<i32>} : memref<10x128xf32, #tpu.memory_space<vmem>>, vector<1x16xf32>,
      %get3A_230 = vector.shape_cast %get3A_229 : vector<1x16xf32> to vector<16xf32>
      %mul3A_231 = arith.constant 8 : i32
      %mul3A_232 = arith.muli %add3A_163, %mul3A_231 : i32
      %add3A_233 = arith.constant 5 : i32
      %add3A_234 = arith.addi %mul3A_232, %add3A_233 : i32
      %swap3A_235 = arith.index_cast %add3A_234 : i32 to index
      %swap3A_236 = arith.constant 0 : index
      %swap3A_237 = tpu.vector_load %arg8[%swap3A_235, %swap3A_236] {strides = array<i32>} : memref<80x128xf32, #tpu.memory_space<vmem>>, vector<1x16xf32>,
      %swap3A_238 = vector.shape_cast %swap3A_237 : vector<1x16xf32> to vector<16xf32>
      %swap3A_239 = vector.shape_cast %get3A_230 : vector<16xf32> to vector<1x16xf32>
      tpu.vector_store %arg8[%swap3A_235, %swap3A_236], %swap3A_239 {strides = array<i32>} : memref<80x128xf32, #tpu.memory_space<vmem>>, vector<1x16xf32>,
      %get3A_240 = arith.index_cast %add3A_163 : i32 to index
      %get3A_241 = arith.constant 96 : index
      %get3A_242 = tpu.vector_load %arg6[%get3A_240, %get3A_241] {strides = array<i32>} : memref<10x128xf32, #tpu.memory_space<vmem>>, vector<1x16xf32>,
      %get3A_243 = vector.shape_cast %get3A_242 : vector<1x16xf32> to vector<16xf32>
      %mul3A_244 = arith.constant 8 : i32
      %mul3A_245 = arith.muli %add3A_163, %mul3A_244 : i32
      %add3A_246 = arith.constant 6 : i32
      %add3A_247 = arith.addi %mul3A_245, %add3A_246 : i32
      %swap3A_248 = arith.index_cast %add3A_247 : i32 to index
      %swap3A_249 = arith.constant 0 : index
      %swap3A_250 = tpu.vector_load %arg8[%swap3A_248, %swap3A_249] {strides = array<i32>} : memref<80x128xf32, #tpu.memory_space<vmem>>, vector<1x16xf32>,
      %swap3A_251 = vector.shape_cast %swap3A_250 : vector<1x16xf32> to vector<16xf32>
      %swap3A_252 = vector.shape_cast %get3A_243 : vector<16xf32> to vector<1x16xf32>
      tpu.vector_store %arg8[%swap3A_248, %swap3A_249], %swap3A_252 {strides = array<i32>} : memref<80x128xf32, #tpu.memory_space<vmem>>, vector<1x16xf32>,
      %get3A_253 = arith.index_cast %add3A_163 : i32 to index
      %get3A_254 = arith.constant 112 : index
      %get3A_255 = tpu.vector_load %arg6[%get3A_253, %get3A_254] {strides = array<i32>} : memref<10x128xf32, #tpu.memory_space<vmem>>, vector<1x16xf32>,
      %get3A_256 = vector.shape_cast %get3A_255 : vector<1x16xf32> to vector<16xf32>
      %mul3A_257 = arith.constant 8 : i32
      %mul3A_258 = arith.muli %add3A_163, %mul3A_257 : i32
      %add3A_259 = arith.constant 7 : i32
      %add3A_260 = arith.addi %mul3A_258, %add3A_259 : i32
      %swap3A_261 = arith.index_cast %add3A_260 : i32 to index
      %swap3A_262 = arith.constant 0 : index
      %swap3A_263 = tpu.vector_load %arg8[%swap3A_261, %swap3A_262] {strides = array<i32>} : memref<80x128xf32, #tpu.memory_space<vmem>>, vector<1x16xf32>,
      %swap3A_264 = vector.shape_cast %swap3A_263 : vector<1x16xf32> to vector<16xf32>
      %swap3A_265 = vector.shape_cast %get3A_256 : vector<16xf32> to vector<1x16xf32>
      tpu.vector_store %arg8[%swap3A_261, %swap3A_262], %swap3A_265 {strides = array<i32>} : memref<80x128xf32, #tpu.memory_space<vmem>>, vector<1x16xf32>,
    }
    %scan3A_44 = arith.constant 10 : i32
    %div3A = arith.constant 0 : i32
    %div3A_45 = arith.constant 25 : i32
    %div3A_46 = arith.divsi %div3A, %div3A_45 : i32
    %rem3A = arith.constant 0 : i32
    %rem3A_47 = arith.constant 25 : i32
    %rem3A_48 = arith.remsi %rem3A, %rem3A_47 : i32
    %dma_start3A_49 = arith.constant 0 : i32
    %dma_start3A_50 = tpu.memref_slice %arg5[%div3A_46, %rem3A_48, %dma_start3A_49] : memref<5x25x80xi32, #tpu.memory_space<vmem>> -> memref<1x1x80xi32, #tpu.memory_space<vmem>>
    %dma_start3A_51 = tpu.memref_squeeze %dma_start3A_50 : memref<1x1x80xi32, #tpu.memory_space<vmem>> -> memref<80xi32, #tpu.memory_space<vmem>>
    %dma_start3A_52 = arith.constant 0 : i32
    %dma_start3A_53 = arith.constant 0 : i32
    %dma_start3A_54 = tpu.memref_slice %arg10[%dma_start3A_52, %dma_start3A_53] : memref<10240x128xf32, #tpu.memory_space<vmem_shared>> -> memref<10240x128xf32, #tpu.memory_space<vmem_shared>>
    tpu.enqueue_indirect_dma source(%arg8 : memref<80x128xf32, #tpu.memory_space<vmem>>) target(%dma_start3A_54 : memref<10240x128xf32, #tpu.memory_space<vmem_shared>>) offsets(%dma_start3A_51 : memref<80xi32, #tpu.memory_space<vmem>>) semaphore(%arg13 : memref<!tpu.dma_semaphore, #tpu.memory_space<semaphore_mem>>) {add = true}
    %dma_start3A_55 = arith.constant 2 : i32
    %dma_start3A_56 = arith.constant 0 : i32
    %dma_start3A_57 = arith.constant 0 : i32
    %dma_start3A_58 = tpu.memref_slice %arg3[%add3A, %dma_start3A_55, %dma_start3A_56, %dma_start3A_57] : memref<32x125x10x128xf32, #tpu.memory_space<hbm>> -> memref<1x1x10x128xf32, #tpu.memory_space<hbm>>
    %dma_start3A_59 = tpu.memref_squeeze %dma_start3A_58 : memref<1x1x10x128xf32, #tpu.memory_space<hbm>> -> memref<10x128xf32, #tpu.memory_space<hbm>>
    %dma_start3A_60 = arith.constant 0 : i32
    %dma_start3A_61 = arith.constant 0 : i32
    %dma_start3A_62 = tpu.memref_slice %arg3[%add3A, %dma_start3A_55, %dma_start3A_60, %dma_start3A_61] : memref<32x125x10x128xf32, #tpu.memory_space<hbm>> -> memref<1x1x10x128xf32, #tpu.memory_space<hbm>>
    %dma_start3A_63 = tpu.memref_squeeze %dma_start3A_62 : memref<1x1x10x128xf32, #tpu.memory_space<hbm>> -> memref<10x128xf32, #tpu.memory_space<hbm>>
    tpu.enqueue_dma source(%dma_start3A_63 : memref<10x128xf32, #tpu.memory_space<hbm>>) target(%arg6 : memref<10x128xf32, #tpu.memory_space<vmem>>) target_semaphore(%arg11 : memref<!tpu.dma_semaphore, #tpu.memory_space<semaphore_mem>>)
    %dma_wait3A_64 = arith.constant 0 : i32
    %dma_wait3A_65 = arith.constant 0 : i32
    %dma_wait3A_66 = arith.constant 0 : i32
    %dma_wait3A_67 = tpu.memref_slice %arg3[%add3A, %dma_wait3A_64, %dma_wait3A_65, %dma_wait3A_66] : memref<32x125x10x128xf32, #tpu.memory_space<hbm>> -> memref<1x1x10x128xf32, #tpu.memory_space<hbm>>
    %dma_wait3A_68 = tpu.memref_squeeze %dma_wait3A_67 : memref<1x1x10x128xf32, #tpu.memory_space<hbm>> -> memref<10x128xf32, #tpu.memory_space<hbm>>
    %dma_wait3A_69 = arith.constant 0 : i32
    %dma_wait3A_70 = arith.constant 0 : i32
    %dma_wait3A_71 = tpu.memref_slice %arg3[%add3A, %dma_wait3A_64, %dma_wait3A_69, %dma_wait3A_70] : memref<32x125x10x128xf32, #tpu.memory_space<hbm>> -> memref<1x1x10x128xf32, #tpu.memory_space<hbm>>
    %dma_wait3A_72 = tpu.memref_squeeze %dma_wait3A_71 : memref<1x1x10x128xf32, #tpu.memory_space<hbm>> -> memref<10x128xf32, #tpu.memory_space<hbm>>
    tpu.wait_dma2 semaphore(%arg12 : memref<!tpu.dma_semaphore, #tpu.memory_space<semaphore_mem>>) src(%dma_wait3A_72 : memref<10x128xf32, #tpu.memory_space<hbm>>) dst(%arg7 : memref<10x128xf32, #tpu.memory_space<vmem>>)
    %scan3A_73 = arith.constant 0 : i32
    %scan3A_74 = arith.constant 10 : i32
    %scan3A_75 = arith.addi %scan3A_73, %scan3A_74 : i32
    %scan3A_76 = arith.constant 1 : i32
    scf.for %scan3A_159 = %scan3A_73 to %scan3A_75 step %scan3A_76  : i32 {
      %mul3A_160 = arith.constant 1 : i32
      %mul3A_161 = arith.muli %scan3A_159, %mul3A_160 : i32
      %add3A_162 = arith.constant 0 : i32
      %add3A_163 = arith.addi %add3A_162, %mul3A_161 : i32
      %get3A = arith.index_cast %add3A_163 : i32 to index
      %get3A_164 = arith.constant 0 : index
      %get3A_165 = tpu.vector_load %arg7[%get3A, %get3A_164] {strides = array<i32>} : memref<10x128xf32, #tpu.memory_space<vmem>>, vector<1x16xf32>,
      %get3A_166 = vector.shape_cast %get3A_165 : vector<1x16xf32> to vector<16xf32>
      %mul3A_167 = arith.constant 8 : i32
      %mul3A_168 = arith.muli %add3A_163, %mul3A_167 : i32
      %add3A_169 = arith.constant 0 : i32
      %add3A_170 = arith.addi %mul3A_168, %add3A_169 : i32
      %swap3A = arith.index_cast %add3A_170 : i32 to index
      %swap3A_171 = arith.constant 0 : index
      %swap3A_172 = tpu.vector_load %arg9[%swap3A, %swap3A_171] {strides = array<i32>} : memref<80x128xf32, #tpu.memory_space<vmem>>, vector<1x16xf32>,
      %swap3A_173 = vector.shape_cast %swap3A_172 : vector<1x16xf32> to vector<16xf32>
      %swap3A_174 = vector.shape_cast %get3A_166 : vector<16xf32> to vector<1x16xf32>
      tpu.vector_store %arg9[%swap3A, %swap3A_171], %swap3A_174 {strides = array<i32>} : memref<80x128xf32, #tpu.memory_space<vmem>>, vector<1x16xf32>,
      %get3A_175 = arith.index_cast %add3A_163 : i32 to index
      %get3A_176 = arith.constant 16 : index
      %get3A_177 = tpu.vector_load %arg7[%get3A_175, %get3A_176] {strides = array<i32>} : memref<10x128xf32, #tpu.memory_space<vmem>>, vector<1x16xf32>,
      %get3A_178 = vector.shape_cast %get3A_177 : vector<1x16xf32> to vector<16xf32>
      %mul3A_179 = arith.constant 8 : i32
      %mul3A_180 = arith.muli %add3A_163, %mul3A_179 : i32
      %add3A_181 = arith.constant 1 : i32
      %add3A_182 = arith.addi %mul3A_180, %add3A_181 : i32
      %swap3A_183 = arith.index_cast %add3A_182 : i32 to index
      %swap3A_184 = arith.constant 0 : index
      %swap3A_185 = tpu.vector_load %arg9[%swap3A_183, %swap3A_184] {strides = array<i32>} : memref<80x128xf32, #tpu.memory_space<vmem>>, vector<1x16xf32>,
      %swap3A_186 = vector.shape_cast %swap3A_185 : vector<1x16xf32> to vector<16xf32>
      %swap3A_187 = vector.shape_cast %get3A_178 : vector<16xf32> to vector<1x16xf32>
      tpu.vector_store %arg9[%swap3A_183, %swap3A_184], %swap3A_187 {strides = array<i32>} : memref<80x128xf32, #tpu.memory_space<vmem>>, vector<1x16xf32>,
      %get3A_188 = arith.index_cast %add3A_163 : i32 to index
      %get3A_189 = arith.constant 32 : index
      %get3A_190 = tpu.vector_load %arg7[%get3A_188, %get3A_189] {strides = array<i32>} : memref<10x128xf32, #tpu.memory_space<vmem>>, vector<1x16xf32>,
      %get3A_191 = vector.shape_cast %get3A_190 : vector<1x16xf32> to vector<16xf32>
      %mul3A_192 = arith.constant 8 : i32
      %mul3A_193 = arith.muli %add3A_163, %mul3A_192 : i32
      %add3A_194 = arith.constant 2 : i32
      %add3A_195 = arith.addi %mul3A_193, %add3A_194 : i32
      %swap3A_196 = arith.index_cast %add3A_195 : i32 to index
      %swap3A_197 = arith.constant 0 : index
      %swap3A_198 = tpu.vector_load %arg9[%swap3A_196, %swap3A_197] {strides = array<i32>} : memref<80x128xf32, #tpu.memory_space<vmem>>, vector<1x16xf32>,
      %swap3A_199 = vector.shape_cast %swap3A_198 : vector<1x16xf32> to vector<16xf32>
      %swap3A_200 = vector.shape_cast %get3A_191 : vector<16xf32> to vector<1x16xf32>
      tpu.vector_store %arg9[%swap3A_196, %swap3A_197], %swap3A_200 {strides = array<i32>} : memref<80x128xf32, #tpu.memory_space<vmem>>, vector<1x16xf32>,
      %get3A_201 = arith.index_cast %add3A_163 : i32 to index
      %get3A_202 = arith.constant 48 : index
      %get3A_203 = tpu.vector_load %arg7[%get3A_201, %get3A_202] {strides = array<i32>} : memref<10x128xf32, #tpu.memory_space<vmem>>, vector<1x16xf32>,
      %get3A_204 = vector.shape_cast %get3A_203 : vector<1x16xf32> to vector<16xf32>
      %mul3A_205 = arith.constant 8 : i32
      %mul3A_206 = arith.muli %add3A_163, %mul3A_205 : i32
      %add3A_207 = arith.constant 3 : i32
      %add3A_208 = arith.addi %mul3A_206, %add3A_207 : i32
      %swap3A_209 = arith.index_cast %add3A_208 : i32 to index
      %swap3A_210 = arith.constant 0 : index
      %swap3A_211 = tpu.vector_load %arg9[%swap3A_209, %swap3A_210] {strides = array<i32>} : memref<80x128xf32, #tpu.memory_space<vmem>>, vector<1x16xf32>,
      %swap3A_212 = vector.shape_cast %swap3A_211 : vector<1x16xf32> to vector<16xf32>
      %swap3A_213 = vector.shape_cast %get3A_204 : vector<16xf32> to vector<1x16xf32>
      tpu.vector_store %arg9[%swap3A_209, %swap3A_210], %swap3A_213 {strides = array<i32>} : memref<80x128xf32, #tpu.memory_space<vmem>>, vector<1x16xf32>,
      %get3A_214 = arith.index_cast %add3A_163 : i32 to index
      %get3A_215 = arith.constant 64 : index
      %get3A_216 = tpu.vector_load %arg7[%get3A_214, %get3A_215] {strides = array<i32>} : memref<10x128xf32, #tpu.memory_space<vmem>>, vector<1x16xf32>,
      %get3A_217 = vector.shape_cast %get3A_216 : vector<1x16xf32> to vector<16xf32>
      %mul3A_218 = arith.constant 8 : i32
      %mul3A_219 = arith.muli %add3A_163, %mul3A_218 : i32
      %add3A_220 = arith.constant 4 : i32
      %add3A_221 = arith.addi %mul3A_219, %add3A_220 : i32
      %swap3A_222 = arith.index_cast %add3A_221 : i32 to index
      %swap3A_223 = arith.constant 0 : index
      %swap3A_224 = tpu.vector_load %arg9[%swap3A_222, %swap3A_223] {strides = array<i32>} : memref<80x128xf32, #tpu.memory_space<vmem>>, vector<1x16xf32>,
      %swap3A_225 = vector.shape_cast %swap3A_224 : vector<1x16xf32> to vector<16xf32>
      %swap3A_226 = vector.shape_cast %get3A_217 : vector<16xf32> to vector<1x16xf32>
      tpu.vector_store %arg9[%swap3A_222, %swap3A_223], %swap3A_226 {strides = array<i32>} : memref<80x128xf32, #tpu.memory_space<vmem>>, vector<1x16xf32>,
      %get3A_227 = arith.index_cast %add3A_163 : i32 to index
      %get3A_228 = arith.constant 80 : index
      %get3A_229 = tpu.vector_load %arg7[%get3A_227, %get3A_228] {strides = array<i32>} : memref<10x128xf32, #tpu.memory_space<vmem>>, vector<1x16xf32>,
      %get3A_230 = vector.shape_cast %get3A_229 : vector<1x16xf32> to vector<16xf32>
      %mul3A_231 = arith.constant 8 : i32
      %mul3A_232 = arith.muli %add3A_163, %mul3A_231 : i32
      %add3A_233 = arith.constant 5 : i32
      %add3A_234 = arith.addi %mul3A_232, %add3A_233 : i32
      %swap3A_235 = arith.index_cast %add3A_234 : i32 to index
      %swap3A_236 = arith.constant 0 : index
      %swap3A_237 = tpu.vector_load %arg9[%swap3A_235, %swap3A_236] {strides = array<i32>} : memref<80x128xf32, #tpu.memory_space<vmem>>, vector<1x16xf32>,
      %swap3A_238 = vector.shape_cast %swap3A_237 : vector<1x16xf32> to vector<16xf32>
      %swap3A_239 = vector.shape_cast %get3A_230 : vector<16xf32> to vector<1x16xf32>
      tpu.vector_store %arg9[%swap3A_235, %swap3A_236], %swap3A_239 {strides = array<i32>} : memref<80x128xf32, #tpu.memory_space<vmem>>, vector<1x16xf32>,
      %get3A_240 = arith.index_cast %add3A_163 : i32 to index
      %get3A_241 = arith.constant 96 : index
      %get3A_242 = tpu.vector_load %arg7[%get3A_240, %get3A_241] {strides = array<i32>} : memref<10x128xf32, #tpu.memory_space<vmem>>, vector<1x16xf32>,
      %get3A_243 = vector.shape_cast %get3A_242 : vector<1x16xf32> to vector<16xf32>
      %mul3A_244 = arith.constant 8 : i32
      %mul3A_245 = arith.muli %add3A_163, %mul3A_244 : i32
      %add3A_246 = arith.constant 6 : i32
      %add3A_247 = arith.addi %mul3A_245, %add3A_246 : i32
      %swap3A_248 = arith.index_cast %add3A_247 : i32 to index
      %swap3A_249 = arith.constant 0 : index
      %swap3A_250 = tpu.vector_load %arg9[%swap3A_248, %swap3A_249] {strides = array<i32>} : memref<80x128xf32, #tpu.memory_space<vmem>>, vector<1x16xf32>,
      %swap3A_251 = vector.shape_cast %swap3A_250 : vector<1x16xf32> to vector<16xf32>
      %swap3A_252 = vector.shape_cast %get3A_243 : vector<16xf32> to vector<1x16xf32>
      tpu.vector_store %arg9[%swap3A_248, %swap3A_249], %swap3A_252 {strides = array<i32>} : memref<80x128xf32, #tpu.memory_space<vmem>>, vector<1x16xf32>,
      %get3A_253 = arith.index_cast %add3A_163 : i32 to index
      %get3A_254 = arith.constant 112 : index
      %get3A_255 = tpu.vector_load %arg7[%get3A_253, %get3A_254] {strides = array<i32>} : memref<10x128xf32, #tpu.memory_space<vmem>>, vector<1x16xf32>,
      %get3A_256 = vector.shape_cast %get3A_255 : vector<1x16xf32> to vector<16xf32>
      %mul3A_257 = arith.constant 8 : i32
      %mul3A_258 = arith.muli %add3A_163, %mul3A_257 : i32
      %add3A_259 = arith.constant 7 : i32
      %add3A_260 = arith.addi %mul3A_258, %add3A_259 : i32
      %swap3A_261 = arith.index_cast %add3A_260 : i32 to index
      %swap3A_262 = arith.constant 0 : index
      %swap3A_263 = tpu.vector_load %arg9[%swap3A_261, %swap3A_262] {strides = array<i32>} : memref<80x128xf32, #tpu.memory_space<vmem>>, vector<1x16xf32>,
      %swap3A_264 = vector.shape_cast %swap3A_263 : vector<1x16xf32> to vector<16xf32>
      %swap3A_265 = vector.shape_cast %get3A_256 : vector<16xf32> to vector<1x16xf32>
      tpu.vector_store %arg9[%swap3A_261, %swap3A_262], %swap3A_265 {strides = array<i32>} : memref<80x128xf32, #tpu.memory_space<vmem>>, vector<1x16xf32>,
    }
    %scan3A_77 = arith.constant 10 : i32
    %div3A_78 = arith.constant 1 : i32
    %div3A_79 = arith.constant 25 : i32
    %div3A_80 = arith.divsi %div3A_78, %div3A_79 : i32
    %rem3A_81 = arith.constant 1 : i32
    %rem3A_82 = arith.constant 25 : i32
    %rem3A_83 = arith.remsi %rem3A_81, %rem3A_82 : i32
    %dma_start3A_84 = arith.constant 0 : i32
    %dma_start3A_85 = tpu.memref_slice %arg5[%div3A_80, %rem3A_83, %dma_start3A_84] : memref<5x25x80xi32, #tpu.memory_space<vmem>> -> memref<1x1x80xi32, #tpu.memory_space<vmem>>
    %dma_start3A_86 = tpu.memref_squeeze %dma_start3A_85 : memref<1x1x80xi32, #tpu.memory_space<vmem>> -> memref<80xi32, #tpu.memory_space<vmem>>
    %dma_start3A_87 = arith.constant 0 : i32
    %dma_start3A_88 = arith.constant 0 : i32
    %dma_start3A_89 = tpu.memref_slice %arg10[%dma_start3A_87, %dma_start3A_88] : memref<10240x128xf32, #tpu.memory_space<vmem_shared>> -> memref<10240x128xf32, #tpu.memory_space<vmem_shared>>
    tpu.enqueue_indirect_dma source(%arg9 : memref<80x128xf32, #tpu.memory_space<vmem>>) target(%dma_start3A_89 : memref<10240x128xf32, #tpu.memory_space<vmem_shared>>) offsets(%dma_start3A_86 : memref<80xi32, #tpu.memory_space<vmem>>) semaphore(%arg14 : memref<!tpu.dma_semaphore, #tpu.memory_space<semaphore_mem>>) {add = true}
    %dma_start3A_90 = arith.constant 3 : i32
    %dma_start3A_91 = arith.constant 0 : i32
    %dma_start3A_92 = arith.constant 0 : i32
    %dma_start3A_93 = tpu.memref_slice %arg3[%add3A, %dma_start3A_90, %dma_start3A_91, %dma_start3A_92] : memref<32x125x10x128xf32, #tpu.memory_space<hbm>> -> memref<1x1x10x128xf32, #tpu.memory_space<hbm>>
    %dma_start3A_94 = tpu.memref_squeeze %dma_start3A_93 : memref<1x1x10x128xf32, #tpu.memory_space<hbm>> -> memref<10x128xf32, #tpu.memory_space<hbm>>
    %dma_start3A_95 = arith.constant 0 : i32
    %dma_start3A_96 = arith.constant 0 : i32
    %dma_start3A_97 = tpu.memref_slice %arg3[%add3A, %dma_start3A_90, %dma_start3A_95, %dma_start3A_96] : memref<32x125x10x128xf32, #tpu.memory_space<hbm>> -> memref<1x1x10x128xf32, #tpu.memory_space<hbm>>
    %dma_start3A_98 = tpu.memref_squeeze %dma_start3A_97 : memref<1x1x10x128xf32, #tpu.memory_space<hbm>> -> memref<10x128xf32, #tpu.memory_space<hbm>>
    tpu.enqueue_dma source(%dma_start3A_98 : memref<10x128xf32, #tpu.memory_space<hbm>>) target(%arg7 : memref<10x128xf32, #tpu.memory_space<vmem>>) target_semaphore(%arg12 : memref<!tpu.dma_semaphore, #tpu.memory_space<semaphore_mem>>)
    %scan3A_99 = arith.constant 0 : i32
    %scan3A_100 = arith.constant 61 : i32
    %scan3A_101 = arith.addi %scan3A_99, %scan3A_100 : i32
    %scan3A_102 = arith.constant 1 : i32
    scf.for %scan3A_159 = %scan3A_99 to %scan3A_101 step %scan3A_102  : i32 {
      %mul3A_160 = arith.constant 1 : i32
      %mul3A_161 = arith.muli %scan3A_159, %mul3A_160 : i32
      %add3A_162 = arith.constant 1 : i32
      %add3A_163 = arith.addi %add3A_162, %mul3A_161 : i32
      %mul3A_164 = arith.constant 2 : i32
      %mul3A_165 = arith.muli %mul3A_164, %add3A_163 : i32
      %dma_wait3A_166 = arith.constant 0 : i32
      %dma_wait3A_167 = arith.constant 0 : i32
      %dma_wait3A_168 = arith.constant 0 : i32
      %dma_wait3A_169 = tpu.memref_slice %arg5[%dma_wait3A_166, %dma_wait3A_167, %dma_wait3A_168] : memref<5x25x80xi32, #tpu.memory_space<vmem>> -> memref<1x1x80xi32, #tpu.memory_space<vmem>>
      %dma_wait3A_170 = tpu.memref_squeeze %dma_wait3A_169 : memref<1x1x80xi32, #tpu.memory_space<vmem>> -> memref<80xi32, #tpu.memory_space<vmem>>
      %dma_wait3A_171 = arith.constant 0 : i32
      %dma_wait3A_172 = arith.constant 0 : i32
      %dma_wait3A_173 = tpu.memref_slice %arg10[%dma_wait3A_171, %dma_wait3A_172] : memref<10240x128xf32, #tpu.memory_space<vmem_shared>> -> memref<10240x128xf32, #tpu.memory_space<vmem_shared>>
      tpu.wait_indirect_dma semaphore(%arg13 : memref<!tpu.dma_semaphore, #tpu.memory_space<semaphore_mem>>) src(%arg8 : memref<80x128xf32, #tpu.memory_space<vmem>>) dst(%dma_wait3A_173 : memref<10240x128xf32, #tpu.memory_space<vmem_shared>>)
      %dma_wait3A_174 = arith.constant 0 : i32
      %dma_wait3A_175 = arith.constant 0 : i32
      %dma_wait3A_176 = arith.constant 0 : i32
      %dma_wait3A_177 = tpu.memref_slice %arg3[%add3A, %dma_wait3A_174, %dma_wait3A_175, %dma_wait3A_176] : memref<32x125x10x128xf32, #tpu.memory_space<hbm>> -> memref<1x1x10x128xf32, #tpu.memory_space<hbm>>
      %dma_wait3A_178 = tpu.memref_squeeze %dma_wait3A_177 : memref<1x1x10x128xf32, #tpu.memory_space<hbm>> -> memref<10x128xf32, #tpu.memory_space<hbm>>
      %dma_wait3A_179 = arith.constant 0 : i32
      %dma_wait3A_180 = arith.constant 0 : i32
      %dma_wait3A_181 = tpu.memref_slice %arg3[%add3A, %dma_wait3A_174, %dma_wait3A_179, %dma_wait3A_180] : memref<32x125x10x128xf32, #tpu.memory_space<hbm>> -> memref<1x1x10x128xf32, #tpu.memory_space<hbm>>
      %dma_wait3A_182 = tpu.memref_squeeze %dma_wait3A_181 : memref<1x1x10x128xf32, #tpu.memory_space<hbm>> -> memref<10x128xf32, #tpu.memory_space<hbm>>
      tpu.wait_dma2 semaphore(%arg11 : memref<!tpu.dma_semaphore, #tpu.memory_space<semaphore_mem>>) src(%dma_wait3A_182 : memref<10x128xf32, #tpu.memory_space<hbm>>) dst(%arg6 : memref<10x128xf32, #tpu.memory_space<vmem>>)
      %scan3A_183 = arith.constant 0 : i32
      %scan3A_184 = arith.constant 10 : i32
      %scan3A_185 = arith.addi %scan3A_183, %scan3A_184 : i32
      %scan3A_186 = arith.constant 1 : i32
      scf.for %scan3A_243 = %scan3A_183 to %scan3A_185 step %scan3A_186  : i32 {
        %mul3A_244 = arith.constant 1 : i32
        %mul3A_245 = arith.muli %scan3A_243, %mul3A_244 : i32
        %add3A_246 = arith.constant 0 : i32
        %add3A_247 = arith.addi %add3A_246, %mul3A_245 : i32
        %get3A = arith.index_cast %add3A_247 : i32 to index
        %get3A_248 = arith.constant 0 : index
        %get3A_249 = tpu.vector_load %arg6[%get3A, %get3A_248] {strides = array<i32>} : memref<10x128xf32, #tpu.memory_space<vmem>>, vector<1x16xf32>,
        %get3A_250 = vector.shape_cast %get3A_249 : vector<1x16xf32> to vector<16xf32>
        %mul3A_251 = arith.constant 8 : i32
        %mul3A_252 = arith.muli %add3A_247, %mul3A_251 : i32
        %add3A_253 = arith.constant 0 : i32
        %add3A_254 = arith.addi %mul3A_252, %add3A_253 : i32
        %swap3A = arith.index_cast %add3A_254 : i32 to index
        %swap3A_255 = arith.constant 0 : index
        %swap3A_256 = tpu.vector_load %arg8[%swap3A, %swap3A_255] {strides = array<i32>} : memref<80x128xf32, #tpu.memory_space<vmem>>, vector<1x16xf32>,
        %swap3A_257 = vector.shape_cast %swap3A_256 : vector<1x16xf32> to vector<16xf32>
        %swap3A_258 = vector.shape_cast %get3A_250 : vector<16xf32> to vector<1x16xf32>
        tpu.vector_store %arg8[%swap3A, %swap3A_255], %swap3A_258 {strides = array<i32>} : memref<80x128xf32, #tpu.memory_space<vmem>>, vector<1x16xf32>,
        %get3A_259 = arith.index_cast %add3A_247 : i32 to index
        %get3A_260 = arith.constant 16 : index
        %get3A_261 = tpu.vector_load %arg6[%get3A_259, %get3A_260] {strides = array<i32>} : memref<10x128xf32, #tpu.memory_space<vmem>>, vector<1x16xf32>,
        %get3A_262 = vector.shape_cast %get3A_261 : vector<1x16xf32> to vector<16xf32>
        %mul3A_263 = arith.constant 8 : i32
        %mul3A_264 = arith.muli %add3A_247, %mul3A_263 : i32
        %add3A_265 = arith.constant 1 : i32
        %add3A_266 = arith.addi %mul3A_264, %add3A_265 : i32
        %swap3A_267 = arith.index_cast %add3A_266 : i32 to index
        %swap3A_268 = arith.constant 0 : index
        %swap3A_269 = tpu.vector_load %arg8[%swap3A_267, %swap3A_268] {strides = array<i32>} : memref<80x128xf32, #tpu.memory_space<vmem>>, vector<1x16xf32>,
        %swap3A_270 = vector.shape_cast %swap3A_269 : vector<1x16xf32> to vector<16xf32>
        %swap3A_271 = vector.shape_cast %get3A_262 : vector<16xf32> to vector<1x16xf32>
        tpu.vector_store %arg8[%swap3A_267, %swap3A_268], %swap3A_271 {strides = array<i32>} : memref<80x128xf32, #tpu.memory_space<vmem>>, vector<1x16xf32>,
        %get3A_272 = arith.index_cast %add3A_247 : i32 to index
        %get3A_273 = arith.constant 32 : index
        %get3A_274 = tpu.vector_load %arg6[%get3A_272, %get3A_273] {strides = array<i32>} : memref<10x128xf32, #tpu.memory_space<vmem>>, vector<1x16xf32>,
        %get3A_275 = vector.shape_cast %get3A_274 : vector<1x16xf32> to vector<16xf32>
        %mul3A_276 = arith.constant 8 : i32
        %mul3A_277 = arith.muli %add3A_247, %mul3A_276 : i32
        %add3A_278 = arith.constant 2 : i32
        %add3A_279 = arith.addi %mul3A_277, %add3A_278 : i32
        %swap3A_280 = arith.index_cast %add3A_279 : i32 to index
        %swap3A_281 = arith.constant 0 : index
        %swap3A_282 = tpu.vector_load %arg8[%swap3A_280, %swap3A_281] {strides = array<i32>} : memref<80x128xf32, #tpu.memory_space<vmem>>, vector<1x16xf32>,
        %swap3A_283 = vector.shape_cast %swap3A_282 : vector<1x16xf32> to vector<16xf32>
        %swap3A_284 = vector.shape_cast %get3A_275 : vector<16xf32> to vector<1x16xf32>
        tpu.vector_store %arg8[%swap3A_280, %swap3A_281], %swap3A_284 {strides = array<i32>} : memref<80x128xf32, #tpu.memory_space<vmem>>, vector<1x16xf32>,
        %get3A_285 = arith.index_cast %add3A_247 : i32 to index
        %get3A_286 = arith.constant 48 : index
        %get3A_287 = tpu.vector_load %arg6[%get3A_285, %get3A_286] {strides = array<i32>} : memref<10x128xf32, #tpu.memory_space<vmem>>, vector<1x16xf32>,
        %get3A_288 = vector.shape_cast %get3A_287 : vector<1x16xf32> to vector<16xf32>
        %mul3A_289 = arith.constant 8 : i32
        %mul3A_290 = arith.muli %add3A_247, %mul3A_289 : i32
        %add3A_291 = arith.constant 3 : i32
        %add3A_292 = arith.addi %mul3A_290, %add3A_291 : i32
        %swap3A_293 = arith.index_cast %add3A_292 : i32 to index
        %swap3A_294 = arith.constant 0 : index
        %swap3A_295 = tpu.vector_load %arg8[%swap3A_293, %swap3A_294] {strides = array<i32>} : memref<80x128xf32, #tpu.memory_space<vmem>>, vector<1x16xf32>,
        %swap3A_296 = vector.shape_cast %swap3A_295 : vector<1x16xf32> to vector<16xf32>
        %swap3A_297 = vector.shape_cast %get3A_288 : vector<16xf32> to vector<1x16xf32>
        tpu.vector_store %arg8[%swap3A_293, %swap3A_294], %swap3A_297 {strides = array<i32>} : memref<80x128xf32, #tpu.memory_space<vmem>>, vector<1x16xf32>,
        %get3A_298 = arith.index_cast %add3A_247 : i32 to index
        %get3A_299 = arith.constant 64 : index
        %get3A_300 = tpu.vector_load %arg6[%get3A_298, %get3A_299] {strides = array<i32>} : memref<10x128xf32, #tpu.memory_space<vmem>>, vector<1x16xf32>,
        %get3A_301 = vector.shape_cast %get3A_300 : vector<1x16xf32> to vector<16xf32>
        %mul3A_302 = arith.constant 8 : i32
        %mul3A_303 = arith.muli %add3A_247, %mul3A_302 : i32
        %add3A_304 = arith.constant 4 : i32
        %add3A_305 = arith.addi %mul3A_303, %add3A_304 : i32
        %swap3A_306 = arith.index_cast %add3A_305 : i32 to index
        %swap3A_307 = arith.constant 0 : index
        %swap3A_308 = tpu.vector_load %arg8[%swap3A_306, %swap3A_307] {strides = array<i32>} : memref<80x128xf32, #tpu.memory_space<vmem>>, vector<1x16xf32>,
        %swap3A_309 = vector.shape_cast %swap3A_308 : vector<1x16xf32> to vector<16xf32>
        %swap3A_310 = vector.shape_cast %get3A_301 : vector<16xf32> to vector<1x16xf32>
        tpu.vector_store %arg8[%swap3A_306, %swap3A_307], %swap3A_310 {strides = array<i32>} : memref<80x128xf32, #tpu.memory_space<vmem>>, vector<1x16xf32>,
        %get3A_311 = arith.index_cast %add3A_247 : i32 to index
        %get3A_312 = arith.constant 80 : index
        %get3A_313 = tpu.vector_load %arg6[%get3A_311, %get3A_312] {strides = array<i32>} : memref<10x128xf32, #tpu.memory_space<vmem>>, vector<1x16xf32>,
        %get3A_314 = vector.shape_cast %get3A_313 : vector<1x16xf32> to vector<16xf32>
        %mul3A_315 = arith.constant 8 : i32
        %mul3A_316 = arith.muli %add3A_247, %mul3A_315 : i32
        %add3A_317 = arith.constant 5 : i32
        %add3A_318 = arith.addi %mul3A_316, %add3A_317 : i32
        %swap3A_319 = arith.index_cast %add3A_318 : i32 to index
        %swap3A_320 = arith.constant 0 : index
        %swap3A_321 = tpu.vector_load %arg8[%swap3A_319, %swap3A_320] {strides = array<i32>} : memref<80x128xf32, #tpu.memory_space<vmem>>, vector<1x16xf32>,
        %swap3A_322 = vector.shape_cast %swap3A_321 : vector<1x16xf32> to vector<16xf32>
        %swap3A_323 = vector.shape_cast %get3A_314 : vector<16xf32> to vector<1x16xf32>
        tpu.vector_store %arg8[%swap3A_319, %swap3A_320], %swap3A_323 {strides = array<i32>} : memref<80x128xf32, #tpu.memory_space<vmem>>, vector<1x16xf32>,
        %get3A_324 = arith.index_cast %add3A_247 : i32 to index
        %get3A_325 = arith.constant 96 : index
        %get3A_326 = tpu.vector_load %arg6[%get3A_324, %get3A_325] {strides = array<i32>} : memref<10x128xf32, #tpu.memory_space<vmem>>, vector<1x16xf32>,
        %get3A_327 = vector.shape_cast %get3A_326 : vector<1x16xf32> to vector<16xf32>
        %mul3A_328 = arith.constant 8 : i32
        %mul3A_329 = arith.muli %add3A_247, %mul3A_328 : i32
        %add3A_330 = arith.constant 6 : i32
        %add3A_331 = arith.addi %mul3A_329, %add3A_330 : i32
        %swap3A_332 = arith.index_cast %add3A_331 : i32 to index
        %swap3A_333 = arith.constant 0 : index
        %swap3A_334 = tpu.vector_load %arg8[%swap3A_332, %swap3A_333] {strides = array<i32>} : memref<80x128xf32, #tpu.memory_space<vmem>>, vector<1x16xf32>,
        %swap3A_335 = vector.shape_cast %swap3A_334 : vector<1x16xf32> to vector<16xf32>
        %swap3A_336 = vector.shape_cast %get3A_327 : vector<16xf32> to vector<1x16xf32>
        tpu.vector_store %arg8[%swap3A_332, %swap3A_333], %swap3A_336 {strides = array<i32>} : memref<80x128xf32, #tpu.memory_space<vmem>>, vector<1x16xf32>,
        %get3A_337 = arith.index_cast %add3A_247 : i32 to index
        %get3A_338 = arith.constant 112 : index
        %get3A_339 = tpu.vector_load %arg6[%get3A_337, %get3A_338] {strides = array<i32>} : memref<10x128xf32, #tpu.memory_space<vmem>>, vector<1x16xf32>,
        %get3A_340 = vector.shape_cast %get3A_339 : vector<1x16xf32> to vector<16xf32>
        %mul3A_341 = arith.constant 8 : i32
        %mul3A_342 = arith.muli %add3A_247, %mul3A_341 : i32
        %add3A_343 = arith.constant 7 : i32
        %add3A_344 = arith.addi %mul3A_342, %add3A_343 : i32
        %swap3A_345 = arith.index_cast %add3A_344 : i32 to index
        %swap3A_346 = arith.constant 0 : index
        %swap3A_347 = tpu.vector_load %arg8[%swap3A_345, %swap3A_346] {strides = array<i32>} : memref<80x128xf32, #tpu.memory_space<vmem>>, vector<1x16xf32>,
        %swap3A_348 = vector.shape_cast %swap3A_347 : vector<1x16xf32> to vector<16xf32>
        %swap3A_349 = vector.shape_cast %get3A_340 : vector<16xf32> to vector<1x16xf32>
        tpu.vector_store %arg8[%swap3A_345, %swap3A_346], %swap3A_349 {strides = array<i32>} : memref<80x128xf32, #tpu.memory_space<vmem>>, vector<1x16xf32>,
      }
      %scan3A_187 = arith.constant 10 : i32
      %div3A_188 = arith.constant 25 : i32
      %div3A_189 = arith.divsi %mul3A_165, %div3A_188 : i32
      %rem3A_190 = arith.constant 25 : i32
      %rem3A_191 = arith.remsi %mul3A_165, %rem3A_190 : i32
      %dma_start3A_192 = arith.constant 0 : i32
      %dma_start3A_193 = tpu.memref_slice %arg5[%div3A_189, %rem3A_191, %dma_start3A_192] : memref<5x25x80xi32, #tpu.memory_space<vmem>> -> memref<1x1x80xi32, #tpu.memory_space<vmem>>
      %dma_start3A_194 = tpu.memref_squeeze %dma_start3A_193 : memref<1x1x80xi32, #tpu.memory_space<vmem>> -> memref<80xi32, #tpu.memory_space<vmem>>
      %dma_start3A_195 = arith.constant 0 : i32
      %dma_start3A_196 = arith.constant 0 : i32
      %dma_start3A_197 = tpu.memref_slice %arg10[%dma_start3A_195, %dma_start3A_196] : memref<10240x128xf32, #tpu.memory_space<vmem_shared>> -> memref<10240x128xf32, #tpu.memory_space<vmem_shared>>
      tpu.enqueue_indirect_dma source(%arg8 : memref<80x128xf32, #tpu.memory_space<vmem>>) target(%dma_start3A_197 : memref<10240x128xf32, #tpu.memory_space<vmem_shared>>) offsets(%dma_start3A_194 : memref<80xi32, #tpu.memory_space<vmem>>) semaphore(%arg13 : memref<!tpu.dma_semaphore, #tpu.memory_space<semaphore_mem>>) {add = true}
      %add3A_198 = arith.constant 2 : i32
      %add3A_199 = arith.addi %mul3A_165, %add3A_198 : i32
      %lt3A = arith.constant 125 : i32
      %lt3A_200 = arith.cmpi slt, %add3A_199, %lt3A : i32
      %convert_element_type3A = arith.extui %lt3A_200 : i1 to i32
      %cond3A = arith.constant 0 : i32
      %cond3A_201 = arith.cmpi ne, %convert_element_type3A, %cond3A : i32
      scf.if %cond3A_201 {
        %add3A_243 = arith.constant 2 : i32
        %add3A_244 = arith.addi %mul3A_165, %add3A_243 : i32
        %dma_start3A_245 = arith.constant 0 : i32
        %dma_start3A_246 = arith.constant 0 : i32
        %dma_start3A_247 = tpu.memref_slice %arg3[%add3A, %add3A_244, %dma_start3A_245, %dma_start3A_246] : memref<32x125x10x128xf32, #tpu.memory_space<hbm>> -> memref<1x1x10x128xf32, #tpu.memory_space<hbm>>
        %dma_start3A_248 = tpu.memref_squeeze %dma_start3A_247 : memref<1x1x10x128xf32, #tpu.memory_space<hbm>> -> memref<10x128xf32, #tpu.memory_space<hbm>>
        %dma_start3A_249 = arith.constant 0 : i32
        %dma_start3A_250 = arith.constant 0 : i32
        %dma_start3A_251 = tpu.memref_slice %arg3[%add3A, %add3A_244, %dma_start3A_249, %dma_start3A_250] : memref<32x125x10x128xf32, #tpu.memory_space<hbm>> -> memref<1x1x10x128xf32, #tpu.memory_space<hbm>>
        %dma_start3A_252 = tpu.memref_squeeze %dma_start3A_251 : memref<1x1x10x128xf32, #tpu.memory_space<hbm>> -> memref<10x128xf32, #tpu.memory_space<hbm>>
        tpu.enqueue_dma source(%dma_start3A_252 : memref<10x128xf32, #tpu.memory_space<hbm>>) target(%arg6 : memref<10x128xf32, #tpu.memory_space<vmem>>) target_semaphore(%arg11 : memref<!tpu.dma_semaphore, #tpu.memory_space<semaphore_mem>>)
      } else {
      }
      %dma_wait3A_202 = arith.constant 0 : i32
      %dma_wait3A_203 = arith.constant 0 : i32
      %dma_wait3A_204 = arith.constant 0 : i32
      %dma_wait3A_205 = tpu.memref_slice %arg5[%dma_wait3A_202, %dma_wait3A_203, %dma_wait3A_204] : memref<5x25x80xi32, #tpu.memory_space<vmem>> -> memref<1x1x80xi32, #tpu.memory_space<vmem>>
      %dma_wait3A_206 = tpu.memref_squeeze %dma_wait3A_205 : memref<1x1x80xi32, #tpu.memory_space<vmem>> -> memref<80xi32, #tpu.memory_space<vmem>>
      %dma_wait3A_207 = arith.constant 0 : i32
      %dma_wait3A_208 = arith.constant 0 : i32
      %dma_wait3A_209 = tpu.memref_slice %arg10[%dma_wait3A_207, %dma_wait3A_208] : memref<10240x128xf32, #tpu.memory_space<vmem_shared>> -> memref<10240x128xf32, #tpu.memory_space<vmem_shared>>
      tpu.wait_indirect_dma semaphore(%arg14 : memref<!tpu.dma_semaphore, #tpu.memory_space<semaphore_mem>>) src(%arg9 : memref<80x128xf32, #tpu.memory_space<vmem>>) dst(%dma_wait3A_209 : memref<10240x128xf32, #tpu.memory_space<vmem_shared>>)
      %dma_wait3A_210 = arith.constant 0 : i32
      %dma_wait3A_211 = arith.constant 0 : i32
      %dma_wait3A_212 = arith.constant 0 : i32
      %dma_wait3A_213 = tpu.memref_slice %arg3[%add3A, %dma_wait3A_210, %dma_wait3A_211, %dma_wait3A_212] : memref<32x125x10x128xf32, #tpu.memory_space<hbm>> -> memref<1x1x10x128xf32, #tpu.memory_space<hbm>>
      %dma_wait3A_214 = tpu.memref_squeeze %dma_wait3A_213 : memref<1x1x10x128xf32, #tpu.memory_space<hbm>> -> memref<10x128xf32, #tpu.memory_space<hbm>>
      %dma_wait3A_215 = arith.constant 0 : i32
      %dma_wait3A_216 = arith.constant 0 : i32
      %dma_wait3A_217 = tpu.memref_slice %arg3[%add3A, %dma_wait3A_210, %dma_wait3A_215, %dma_wait3A_216] : memref<32x125x10x128xf32, #tpu.memory_space<hbm>> -> memref<1x1x10x128xf32, #tpu.memory_space<hbm>>
      %dma_wait3A_218 = tpu.memref_squeeze %dma_wait3A_217 : memref<1x1x10x128xf32, #tpu.memory_space<hbm>> -> memref<10x128xf32, #tpu.memory_space<hbm>>
      tpu.wait_dma2 semaphore(%arg12 : memref<!tpu.dma_semaphore, #tpu.memory_space<semaphore_mem>>) src(%dma_wait3A_218 : memref<10x128xf32, #tpu.memory_space<hbm>>) dst(%arg7 : memref<10x128xf32, #tpu.memory_space<vmem>>)
      %scan3A_219 = arith.constant 0 : i32
      %scan3A_220 = arith.constant 10 : i32
      %scan3A_221 = arith.addi %scan3A_219, %scan3A_220 : i32
      %scan3A_222 = arith.constant 1 : i32
      scf.for %scan3A_243 = %scan3A_219 to %scan3A_221 step %scan3A_222  : i32 {
        %mul3A_244 = arith.constant 1 : i32
        %mul3A_245 = arith.muli %scan3A_243, %mul3A_244 : i32
        %add3A_246 = arith.constant 0 : i32
        %add3A_247 = arith.addi %add3A_246, %mul3A_245 : i32
        %get3A = arith.index_cast %add3A_247 : i32 to index
        %get3A_248 = arith.constant 0 : index
        %get3A_249 = tpu.vector_load %arg7[%get3A, %get3A_248] {strides = array<i32>} : memref<10x128xf32, #tpu.memory_space<vmem>>, vector<1x16xf32>,
        %get3A_250 = vector.shape_cast %get3A_249 : vector<1x16xf32> to vector<16xf32>
        %mul3A_251 = arith.constant 8 : i32
        %mul3A_252 = arith.muli %add3A_247, %mul3A_251 : i32
        %add3A_253 = arith.constant 0 : i32
        %add3A_254 = arith.addi %mul3A_252, %add3A_253 : i32
        %swap3A = arith.index_cast %add3A_254 : i32 to index
        %swap3A_255 = arith.constant 0 : index
        %swap3A_256 = tpu.vector_load %arg9[%swap3A, %swap3A_255] {strides = array<i32>} : memref<80x128xf32, #tpu.memory_space<vmem>>, vector<1x16xf32>,
        %swap3A_257 = vector.shape_cast %swap3A_256 : vector<1x16xf32> to vector<16xf32>
        %swap3A_258 = vector.shape_cast %get3A_250 : vector<16xf32> to vector<1x16xf32>
        tpu.vector_store %arg9[%swap3A, %swap3A_255], %swap3A_258 {strides = array<i32>} : memref<80x128xf32, #tpu.memory_space<vmem>>, vector<1x16xf32>,
        %get3A_259 = arith.index_cast %add3A_247 : i32 to index
        %get3A_260 = arith.constant 16 : index
        %get3A_261 = tpu.vector_load %arg7[%get3A_259, %get3A_260] {strides = array<i32>} : memref<10x128xf32, #tpu.memory_space<vmem>>, vector<1x16xf32>,
        %get3A_262 = vector.shape_cast %get3A_261 : vector<1x16xf32> to vector<16xf32>
        %mul3A_263 = arith.constant 8 : i32
        %mul3A_264 = arith.muli %add3A_247, %mul3A_263 : i32
        %add3A_265 = arith.constant 1 : i32
        %add3A_266 = arith.addi %mul3A_264, %add3A_265 : i32
        %swap3A_267 = arith.index_cast %add3A_266 : i32 to index
        %swap3A_268 = arith.constant 0 : index
        %swap3A_269 = tpu.vector_load %arg9[%swap3A_267, %swap3A_268] {strides = array<i32>} : memref<80x128xf32, #tpu.memory_space<vmem>>, vector<1x16xf32>,
        %swap3A_270 = vector.shape_cast %swap3A_269 : vector<1x16xf32> to vector<16xf32>
        %swap3A_271 = vector.shape_cast %get3A_262 : vector<16xf32> to vector<1x16xf32>
        tpu.vector_store %arg9[%swap3A_267, %swap3A_268], %swap3A_271 {strides = array<i32>} : memref<80x128xf32, #tpu.memory_space<vmem>>, vector<1x16xf32>,
        %get3A_272 = arith.index_cast %add3A_247 : i32 to index
        %get3A_273 = arith.constant 32 : index
        %get3A_274 = tpu.vector_load %arg7[%get3A_272, %get3A_273] {strides = array<i32>} : memref<10x128xf32, #tpu.memory_space<vmem>>, vector<1x16xf32>,
        %get3A_275 = vector.shape_cast %get3A_274 : vector<1x16xf32> to vector<16xf32>
        %mul3A_276 = arith.constant 8 : i32
        %mul3A_277 = arith.muli %add3A_247, %mul3A_276 : i32
        %add3A_278 = arith.constant 2 : i32
        %add3A_279 = arith.addi %mul3A_277, %add3A_278 : i32
        %swap3A_280 = arith.index_cast %add3A_279 : i32 to index
        %swap3A_281 = arith.constant 0 : index
        %swap3A_282 = tpu.vector_load %arg9[%swap3A_280, %swap3A_281] {strides = array<i32>} : memref<80x128xf32, #tpu.memory_space<vmem>>, vector<1x16xf32>,
        %swap3A_283 = vector.shape_cast %swap3A_282 : vector<1x16xf32> to vector<16xf32>
        %swap3A_284 = vector.shape_cast %get3A_275 : vector<16xf32> to vector<1x16xf32>
        tpu.vector_store %arg9[%swap3A_280, %swap3A_281], %swap3A_284 {strides = array<i32>} : memref<80x128xf32, #tpu.memory_space<vmem>>, vector<1x16xf32>,
        %get3A_285 = arith.index_cast %add3A_247 : i32 to index
        %get3A_286 = arith.constant 48 : index
        %get3A_287 = tpu.vector_load %arg7[%get3A_285, %get3A_286] {strides = array<i32>} : memref<10x128xf32, #tpu.memory_space<vmem>>, vector<1x16xf32>,
        %get3A_288 = vector.shape_cast %get3A_287 : vector<1x16xf32> to vector<16xf32>
        %mul3A_289 = arith.constant 8 : i32
        %mul3A_290 = arith.muli %add3A_247, %mul3A_289 : i32
        %add3A_291 = arith.constant 3 : i32
        %add3A_292 = arith.addi %mul3A_290, %add3A_291 : i32
        %swap3A_293 = arith.index_cast %add3A_292 : i32 to index
        %swap3A_294 = arith.constant 0 : index
        %swap3A_295 = tpu.vector_load %arg9[%swap3A_293, %swap3A_294] {strides = array<i32>} : memref<80x128xf32, #tpu.memory_space<vmem>>, vector<1x16xf32>,
        %swap3A_296 = vector.shape_cast %swap3A_295 : vector<1x16xf32> to vector<16xf32>
        %swap3A_297 = vector.shape_cast %get3A_288 : vector<16xf32> to vector<1x16xf32>
        tpu.vector_store %arg9[%swap3A_293, %swap3A_294], %swap3A_297 {strides = array<i32>} : memref<80x128xf32, #tpu.memory_space<vmem>>, vector<1x16xf32>,
        %get3A_298 = arith.index_cast %add3A_247 : i32 to index
        %get3A_299 = arith.constant 64 : index
        %get3A_300 = tpu.vector_load %arg7[%get3A_298, %get3A_299] {strides = array<i32>} : memref<10x128xf32, #tpu.memory_space<vmem>>, vector<1x16xf32>,
        %get3A_301 = vector.shape_cast %get3A_300 : vector<1x16xf32> to vector<16xf32>
        %mul3A_302 = arith.constant 8 : i32
        %mul3A_303 = arith.muli %add3A_247, %mul3A_302 : i32
        %add3A_304 = arith.constant 4 : i32
        %add3A_305 = arith.addi %mul3A_303, %add3A_304 : i32
        %swap3A_306 = arith.index_cast %add3A_305 : i32 to index
        %swap3A_307 = arith.constant 0 : index
        %swap3A_308 = tpu.vector_load %arg9[%swap3A_306, %swap3A_307] {strides = array<i32>} : memref<80x128xf32, #tpu.memory_space<vmem>>, vector<1x16xf32>,
        %swap3A_309 = vector.shape_cast %swap3A_308 : vector<1x16xf32> to vector<16xf32>
        %swap3A_310 = vector.shape_cast %get3A_301 : vector<16xf32> to vector<1x16xf32>
        tpu.vector_store %arg9[%swap3A_306, %swap3A_307], %swap3A_310 {strides = array<i32>} : memref<80x128xf32, #tpu.memory_space<vmem>>, vector<1x16xf32>,
        %get3A_311 = arith.index_cast %add3A_247 : i32 to index
        %get3A_312 = arith.constant 80 : index
        %get3A_313 = tpu.vector_load %arg7[%get3A_311, %get3A_312] {strides = array<i32>} : memref<10x128xf32, #tpu.memory_space<vmem>>, vector<1x16xf32>,
        %get3A_314 = vector.shape_cast %get3A_313 : vector<1x16xf32> to vector<16xf32>
        %mul3A_315 = arith.constant 8 : i32
        %mul3A_316 = arith.muli %add3A_247, %mul3A_315 : i32
        %add3A_317 = arith.constant 5 : i32
        %add3A_318 = arith.addi %mul3A_316, %add3A_317 : i32
        %swap3A_319 = arith.index_cast %add3A_318 : i32 to index
        %swap3A_320 = arith.constant 0 : index
        %swap3A_321 = tpu.vector_load %arg9[%swap3A_319, %swap3A_320] {strides = array<i32>} : memref<80x128xf32, #tpu.memory_space<vmem>>, vector<1x16xf32>,
        %swap3A_322 = vector.shape_cast %swap3A_321 : vector<1x16xf32> to vector<16xf32>
        %swap3A_323 = vector.shape_cast %get3A_314 : vector<16xf32> to vector<1x16xf32>
        tpu.vector_store %arg9[%swap3A_319, %swap3A_320], %swap3A_323 {strides = array<i32>} : memref<80x128xf32, #tpu.memory_space<vmem>>, vector<1x16xf32>,
        %get3A_324 = arith.index_cast %add3A_247 : i32 to index
        %get3A_325 = arith.constant 96 : index
        %get3A_326 = tpu.vector_load %arg7[%get3A_324, %get3A_325] {strides = array<i32>} : memref<10x128xf32, #tpu.memory_space<vmem>>, vector<1x16xf32>,
        %get3A_327 = vector.shape_cast %get3A_326 : vector<1x16xf32> to vector<16xf32>
        %mul3A_328 = arith.constant 8 : i32
        %mul3A_329 = arith.muli %add3A_247, %mul3A_328 : i32
        %add3A_330 = arith.constant 6 : i32
        %add3A_331 = arith.addi %mul3A_329, %add3A_330 : i32
        %swap3A_332 = arith.index_cast %add3A_331 : i32 to index
        %swap3A_333 = arith.constant 0 : index
        %swap3A_334 = tpu.vector_load %arg9[%swap3A_332, %swap3A_333] {strides = array<i32>} : memref<80x128xf32, #tpu.memory_space<vmem>>, vector<1x16xf32>,
        %swap3A_335 = vector.shape_cast %swap3A_334 : vector<1x16xf32> to vector<16xf32>
        %swap3A_336 = vector.shape_cast %get3A_327 : vector<16xf32> to vector<1x16xf32>
        tpu.vector_store %arg9[%swap3A_332, %swap3A_333], %swap3A_336 {strides = array<i32>} : memref<80x128xf32, #tpu.memory_space<vmem>>, vector<1x16xf32>,
        %get3A_337 = arith.index_cast %add3A_247 : i32 to index
        %get3A_338 = arith.constant 112 : index
        %get3A_339 = tpu.vector_load %arg7[%get3A_337, %get3A_338] {strides = array<i32>} : memref<10x128xf32, #tpu.memory_space<vmem>>, vector<1x16xf32>,
        %get3A_340 = vector.shape_cast %get3A_339 : vector<1x16xf32> to vector<16xf32>
        %mul3A_341 = arith.constant 8 : i32
        %mul3A_342 = arith.muli %add3A_247, %mul3A_341 : i32
        %add3A_343 = arith.constant 7 : i32
        %add3A_344 = arith.addi %mul3A_342, %add3A_343 : i32
        %swap3A_345 = arith.index_cast %add3A_344 : i32 to index
        %swap3A_346 = arith.constant 0 : index
        %swap3A_347 = tpu.vector_load %arg9[%swap3A_345, %swap3A_346] {strides = array<i32>} : memref<80x128xf32, #tpu.memory_space<vmem>>, vector<1x16xf32>,
        %swap3A_348 = vector.shape_cast %swap3A_347 : vector<1x16xf32> to vector<16xf32>
        %swap3A_349 = vector.shape_cast %get3A_340 : vector<16xf32> to vector<1x16xf32>
        tpu.vector_store %arg9[%swap3A_345, %swap3A_346], %swap3A_349 {strides = array<i32>} : memref<80x128xf32, #tpu.memory_space<vmem>>, vector<1x16xf32>,
      }
      %scan3A_223 = arith.constant 10 : i32
      %add3A_224 = arith.constant 1 : i32
      %add3A_225 = arith.addi %mul3A_165, %add3A_224 : i32
      %div3A_226 = arith.constant 25 : i32
      %div3A_227 = arith.divsi %add3A_225, %div3A_226 : i32
      %rem3A_228 = arith.constant 25 : i32
      %rem3A_229 = arith.remsi %add3A_225, %rem3A_228 : i32
      %dma_start3A_230 = arith.constant 0 : i32
      %dma_start3A_231 = tpu.memref_slice %arg5[%div3A_227, %rem3A_229, %dma_start3A_230] : memref<5x25x80xi32, #tpu.memory_space<vmem>> -> memref<1x1x80xi32, #tpu.memory_space<vmem>>
      %dma_start3A_232 = tpu.memref_squeeze %dma_start3A_231 : memref<1x1x80xi32, #tpu.memory_space<vmem>> -> memref<80xi32, #tpu.memory_space<vmem>>
      %dma_start3A_233 = arith.constant 0 : i32
      %dma_start3A_234 = arith.constant 0 : i32
      %dma_start3A_235 = tpu.memref_slice %arg10[%dma_start3A_233, %dma_start3A_234] : memref<10240x128xf32, #tpu.memory_space<vmem_shared>> -> memref<10240x128xf32, #tpu.memory_space<vmem_shared>>
      tpu.enqueue_indirect_dma source(%arg9 : memref<80x128xf32, #tpu.memory_space<vmem>>) target(%dma_start3A_235 : memref<10240x128xf32, #tpu.memory_space<vmem_shared>>) offsets(%dma_start3A_232 : memref<80xi32, #tpu.memory_space<vmem>>) semaphore(%arg14 : memref<!tpu.dma_semaphore, #tpu.memory_space<semaphore_mem>>) {add = true}
      %add3A_236 = arith.constant 3 : i32
      %add3A_237 = arith.addi %mul3A_165, %add3A_236 : i32
      %lt3A_238 = arith.constant 125 : i32
      %lt3A_239 = arith.cmpi slt, %add3A_237, %lt3A_238 : i32
      %convert_element_type3A_240 = arith.extui %lt3A_239 : i1 to i32
      %cond3A_241 = arith.constant 0 : i32
      %cond3A_242 = arith.cmpi ne, %convert_element_type3A_240, %cond3A_241 : i32
      scf.if %cond3A_242 {
        %add3A_243 = arith.constant 3 : i32
        %add3A_244 = arith.addi %mul3A_165, %add3A_243 : i32
        %dma_start3A_245 = arith.constant 0 : i32
        %dma_start3A_246 = arith.constant 0 : i32
        %dma_start3A_247 = tpu.memref_slice %arg3[%add3A, %add3A_244, %dma_start3A_245, %dma_start3A_246] : memref<32x125x10x128xf32, #tpu.memory_space<hbm>> -> memref<1x1x10x128xf32, #tpu.memory_space<hbm>>
        %dma_start3A_248 = tpu.memref_squeeze %dma_start3A_247 : memref<1x1x10x128xf32, #tpu.memory_space<hbm>> -> memref<10x128xf32, #tpu.memory_space<hbm>>
        %dma_start3A_249 = arith.constant 0 : i32
        %dma_start3A_250 = arith.constant 0 : i32
        %dma_start3A_251 = tpu.memref_slice %arg3[%add3A, %add3A_244, %dma_start3A_249, %dma_start3A_250] : memref<32x125x10x128xf32, #tpu.memory_space<hbm>> -> memref<1x1x10x128xf32, #tpu.memory_space<hbm>>
        %dma_start3A_252 = tpu.memref_squeeze %dma_start3A_251 : memref<1x1x10x128xf32, #tpu.memory_space<hbm>> -> memref<10x128xf32, #tpu.memory_space<hbm>>
        tpu.enqueue_dma source(%dma_start3A_252 : memref<10x128xf32, #tpu.memory_space<hbm>>) target(%arg7 : memref<10x128xf32, #tpu.memory_space<vmem>>) target_semaphore(%arg12 : memref<!tpu.dma_semaphore, #tpu.memory_space<semaphore_mem>>)
      } else {
      }
    }
    %scan3A_103 = arith.constant 61 : i32
    %dma_wait3A_104 = arith.constant 0 : i32
    %dma_wait3A_105 = arith.constant 0 : i32
    %dma_wait3A_106 = arith.constant 0 : i32
    %dma_wait3A_107 = tpu.memref_slice %arg5[%dma_wait3A_104, %dma_wait3A_105, %dma_wait3A_106] : memref<5x25x80xi32, #tpu.memory_space<vmem>> -> memref<1x1x80xi32, #tpu.memory_space<vmem>>
    %dma_wait3A_108 = tpu.memref_squeeze %dma_wait3A_107 : memref<1x1x80xi32, #tpu.memory_space<vmem>> -> memref<80xi32, #tpu.memory_space<vmem>>
    %dma_wait3A_109 = arith.constant 0 : i32
    %dma_wait3A_110 = arith.constant 0 : i32
    %dma_wait3A_111 = tpu.memref_slice %arg10[%dma_wait3A_109, %dma_wait3A_110] : memref<10240x128xf32, #tpu.memory_space<vmem_shared>> -> memref<10240x128xf32, #tpu.memory_space<vmem_shared>>
    tpu.wait_indirect_dma semaphore(%arg13 : memref<!tpu.dma_semaphore, #tpu.memory_space<semaphore_mem>>) src(%arg8 : memref<80x128xf32, #tpu.memory_space<vmem>>) dst(%dma_wait3A_111 : memref<10240x128xf32, #tpu.memory_space<vmem_shared>>)
    %dma_wait3A_112 = arith.constant 0 : i32
    %dma_wait3A_113 = arith.constant 0 : i32
    %dma_wait3A_114 = arith.constant 0 : i32
    %dma_wait3A_115 = tpu.memref_slice %arg3[%add3A, %dma_wait3A_112, %dma_wait3A_113, %dma_wait3A_114] : memref<32x125x10x128xf32, #tpu.memory_space<hbm>> -> memref<1x1x10x128xf32, #tpu.memory_space<hbm>>
    %dma_wait3A_116 = tpu.memref_squeeze %dma_wait3A_115 : memref<1x1x10x128xf32, #tpu.memory_space<hbm>> -> memref<10x128xf32, #tpu.memory_space<hbm>>
    %dma_wait3A_117 = arith.constant 0 : i32
    %dma_wait3A_118 = arith.constant 0 : i32
    %dma_wait3A_119 = tpu.memref_slice %arg3[%add3A, %dma_wait3A_112, %dma_wait3A_117, %dma_wait3A_118] : memref<32x125x10x128xf32, #tpu.memory_space<hbm>> -> memref<1x1x10x128xf32, #tpu.memory_space<hbm>>
    %dma_wait3A_120 = tpu.memref_squeeze %dma_wait3A_119 : memref<1x1x10x128xf32, #tpu.memory_space<hbm>> -> memref<10x128xf32, #tpu.memory_space<hbm>>
    tpu.wait_dma2 semaphore(%arg11 : memref<!tpu.dma_semaphore, #tpu.memory_space<semaphore_mem>>) src(%dma_wait3A_120 : memref<10x128xf32, #tpu.memory_space<hbm>>) dst(%arg6 : memref<10x128xf32, #tpu.memory_space<vmem>>)
    %scan3A_121 = arith.constant 0 : i32
    %scan3A_122 = arith.constant 10 : i32
    %scan3A_123 = arith.addi %scan3A_121, %scan3A_122 : i32
    %scan3A_124 = arith.constant 1 : i32
    scf.for %scan3A_159 = %scan3A_121 to %scan3A_123 step %scan3A_124  : i32 {
      %mul3A_160 = arith.constant 1 : i32
      %mul3A_161 = arith.muli %scan3A_159, %mul3A_160 : i32
      %add3A_162 = arith.constant 0 : i32
      %add3A_163 = arith.addi %add3A_162, %mul3A_161 : i32
      %get3A = arith.index_cast %add3A_163 : i32 to index
      %get3A_164 = arith.constant 0 : index
      %get3A_165 = tpu.vector_load %arg6[%get3A, %get3A_164] {strides = array<i32>} : memref<10x128xf32, #tpu.memory_space<vmem>>, vector<1x16xf32>,
      %get3A_166 = vector.shape_cast %get3A_165 : vector<1x16xf32> to vector<16xf32>
      %mul3A_167 = arith.constant 8 : i32
      %mul3A_168 = arith.muli %add3A_163, %mul3A_167 : i32
      %add3A_169 = arith.constant 0 : i32
      %add3A_170 = arith.addi %mul3A_168, %add3A_169 : i32
      %swap3A = arith.index_cast %add3A_170 : i32 to index
      %swap3A_171 = arith.constant 0 : index
      %swap3A_172 = tpu.vector_load %arg8[%swap3A, %swap3A_171] {strides = array<i32>} : memref<80x128xf32, #tpu.memory_space<vmem>>, vector<1x16xf32>,
      %swap3A_173 = vector.shape_cast %swap3A_172 : vector<1x16xf32> to vector<16xf32>
      %swap3A_174 = vector.shape_cast %get3A_166 : vector<16xf32> to vector<1x16xf32>
      tpu.vector_store %arg8[%swap3A, %swap3A_171], %swap3A_174 {strides = array<i32>} : memref<80x128xf32, #tpu.memory_space<vmem>>, vector<1x16xf32>,
      %get3A_175 = arith.index_cast %add3A_163 : i32 to index
      %get3A_176 = arith.constant 16 : index
      %get3A_177 = tpu.vector_load %arg6[%get3A_175, %get3A_176] {strides = array<i32>} : memref<10x128xf32, #tpu.memory_space<vmem>>, vector<1x16xf32>,
      %get3A_178 = vector.shape_cast %get3A_177 : vector<1x16xf32> to vector<16xf32>
      %mul3A_179 = arith.constant 8 : i32
      %mul3A_180 = arith.muli %add3A_163, %mul3A_179 : i32
      %add3A_181 = arith.constant 1 : i32
      %add3A_182 = arith.addi %mul3A_180, %add3A_181 : i32
      %swap3A_183 = arith.index_cast %add3A_182 : i32 to index
      %swap3A_184 = arith.constant 0 : index
      %swap3A_185 = tpu.vector_load %arg8[%swap3A_183, %swap3A_184] {strides = array<i32>} : memref<80x128xf32, #tpu.memory_space<vmem>>, vector<1x16xf32>,
      %swap3A_186 = vector.shape_cast %swap3A_185 : vector<1x16xf32> to vector<16xf32>
      %swap3A_187 = vector.shape_cast %get3A_178 : vector<16xf32> to vector<1x16xf32>
      tpu.vector_store %arg8[%swap3A_183, %swap3A_184], %swap3A_187 {strides = array<i32>} : memref<80x128xf32, #tpu.memory_space<vmem>>, vector<1x16xf32>,
      %get3A_188 = arith.index_cast %add3A_163 : i32 to index
      %get3A_189 = arith.constant 32 : index
      %get3A_190 = tpu.vector_load %arg6[%get3A_188, %get3A_189] {strides = array<i32>} : memref<10x128xf32, #tpu.memory_space<vmem>>, vector<1x16xf32>,
      %get3A_191 = vector.shape_cast %get3A_190 : vector<1x16xf32> to vector<16xf32>
      %mul3A_192 = arith.constant 8 : i32
      %mul3A_193 = arith.muli %add3A_163, %mul3A_192 : i32
      %add3A_194 = arith.constant 2 : i32
      %add3A_195 = arith.addi %mul3A_193, %add3A_194 : i32
      %swap3A_196 = arith.index_cast %add3A_195 : i32 to index
      %swap3A_197 = arith.constant 0 : index
      %swap3A_198 = tpu.vector_load %arg8[%swap3A_196, %swap3A_197] {strides = array<i32>} : memref<80x128xf32, #tpu.memory_space<vmem>>, vector<1x16xf32>,
      %swap3A_199 = vector.shape_cast %swap3A_198 : vector<1x16xf32> to vector<16xf32>
      %swap3A_200 = vector.shape_cast %get3A_191 : vector<16xf32> to vector<1x16xf32>
      tpu.vector_store %arg8[%swap3A_196, %swap3A_197], %swap3A_200 {strides = array<i32>} : memref<80x128xf32, #tpu.memory_space<vmem>>, vector<1x16xf32>,
      %get3A_201 = arith.index_cast %add3A_163 : i32 to index
      %get3A_202 = arith.constant 48 : index
      %get3A_203 = tpu.vector_load %arg6[%get3A_201, %get3A_202] {strides = array<i32>} : memref<10x128xf32, #tpu.memory_space<vmem>>, vector<1x16xf32>,
      %get3A_204 = vector.shape_cast %get3A_203 : vector<1x16xf32> to vector<16xf32>
      %mul3A_205 = arith.constant 8 : i32
      %mul3A_206 = arith.muli %add3A_163, %mul3A_205 : i32
      %add3A_207 = arith.constant 3 : i32
      %add3A_208 = arith.addi %mul3A_206, %add3A_207 : i32
      %swap3A_209 = arith.index_cast %add3A_208 : i32 to index
      %swap3A_210 = arith.constant 0 : index
      %swap3A_211 = tpu.vector_load %arg8[%swap3A_209, %swap3A_210] {strides = array<i32>} : memref<80x128xf32, #tpu.memory_space<vmem>>, vector<1x16xf32>,
      %swap3A_212 = vector.shape_cast %swap3A_211 : vector<1x16xf32> to vector<16xf32>
      %swap3A_213 = vector.shape_cast %get3A_204 : vector<16xf32> to vector<1x16xf32>
      tpu.vector_store %arg8[%swap3A_209, %swap3A_210], %swap3A_213 {strides = array<i32>} : memref<80x128xf32, #tpu.memory_space<vmem>>, vector<1x16xf32>,
      %get3A_214 = arith.index_cast %add3A_163 : i32 to index
      %get3A_215 = arith.constant 64 : index
      %get3A_216 = tpu.vector_load %arg6[%get3A_214, %get3A_215] {strides = array<i32>} : memref<10x128xf32, #tpu.memory_space<vmem>>, vector<1x16xf32>,
      %get3A_217 = vector.shape_cast %get3A_216 : vector<1x16xf32> to vector<16xf32>
      %mul3A_218 = arith.constant 8 : i32
      %mul3A_219 = arith.muli %add3A_163, %mul3A_218 : i32
      %add3A_220 = arith.constant 4 : i32
      %add3A_221 = arith.addi %mul3A_219, %add3A_220 : i32
      %swap3A_222 = arith.index_cast %add3A_221 : i32 to index
      %swap3A_223 = arith.constant 0 : index
      %swap3A_224 = tpu.vector_load %arg8[%swap3A_222, %swap3A_223] {strides = array<i32>} : memref<80x128xf32, #tpu.memory_space<vmem>>, vector<1x16xf32>,
      %swap3A_225 = vector.shape_cast %swap3A_224 : vector<1x16xf32> to vector<16xf32>
      %swap3A_226 = vector.shape_cast %get3A_217 : vector<16xf32> to vector<1x16xf32>
      tpu.vector_store %arg8[%swap3A_222, %swap3A_223], %swap3A_226 {strides = array<i32>} : memref<80x128xf32, #tpu.memory_space<vmem>>, vector<1x16xf32>,
      %get3A_227 = arith.index_cast %add3A_163 : i32 to index
      %get3A_228 = arith.constant 80 : index
      %get3A_229 = tpu.vector_load %arg6[%get3A_227, %get3A_228] {strides = array<i32>} : memref<10x128xf32, #tpu.memory_space<vmem>>, vector<1x16xf32>,
      %get3A_230 = vector.shape_cast %get3A_229 : vector<1x16xf32> to vector<16xf32>
      %mul3A_231 = arith.constant 8 : i32
      %mul3A_232 = arith.muli %add3A_163, %mul3A_231 : i32
      %add3A_233 = arith.constant 5 : i32
      %add3A_234 = arith.addi %mul3A_232, %add3A_233 : i32
      %swap3A_235 = arith.index_cast %add3A_234 : i32 to index
      %swap3A_236 = arith.constant 0 : index
      %swap3A_237 = tpu.vector_load %arg8[%swap3A_235, %swap3A_236] {strides = array<i32>} : memref<80x128xf32, #tpu.memory_space<vmem>>, vector<1x16xf32>,
      %swap3A_238 = vector.shape_cast %swap3A_237 : vector<1x16xf32> to vector<16xf32>
      %swap3A_239 = vector.shape_cast %get3A_230 : vector<16xf32> to vector<1x16xf32>
      tpu.vector_store %arg8[%swap3A_235, %swap3A_236], %swap3A_239 {strides = array<i32>} : memref<80x128xf32, #tpu.memory_space<vmem>>, vector<1x16xf32>,
      %get3A_240 = arith.index_cast %add3A_163 : i32 to index
      %get3A_241 = arith.constant 96 : index
      %get3A_242 = tpu.vector_load %arg6[%get3A_240, %get3A_241] {strides = array<i32>} : memref<10x128xf32, #tpu.memory_space<vmem>>, vector<1x16xf32>,
      %get3A_243 = vector.shape_cast %get3A_242 : vector<1x16xf32> to vector<16xf32>
      %mul3A_244 = arith.constant 8 : i32
      %mul3A_245 = arith.muli %add3A_163, %mul3A_244 : i32
      %add3A_246 = arith.constant 6 : i32
      %add3A_247 = arith.addi %mul3A_245, %add3A_246 : i32
      %swap3A_248 = arith.index_cast %add3A_247 : i32 to index
      %swap3A_249 = arith.constant 0 : index
      %swap3A_250 = tpu.vector_load %arg8[%swap3A_248, %swap3A_249] {strides = array<i32>} : memref<80x128xf32, #tpu.memory_space<vmem>>, vector<1x16xf32>,
      %swap3A_251 = vector.shape_cast %swap3A_250 : vector<1x16xf32> to vector<16xf32>
      %swap3A_252 = vector.shape_cast %get3A_243 : vector<16xf32> to vector<1x16xf32>
      tpu.vector_store %arg8[%swap3A_248, %swap3A_249], %swap3A_252 {strides = array<i32>} : memref<80x128xf32, #tpu.memory_space<vmem>>, vector<1x16xf32>,
      %get3A_253 = arith.index_cast %add3A_163 : i32 to index
      %get3A_254 = arith.constant 112 : index
      %get3A_255 = tpu.vector_load %arg6[%get3A_253, %get3A_254] {strides = array<i32>} : memref<10x128xf32, #tpu.memory_space<vmem>>, vector<1x16xf32>,
      %get3A_256 = vector.shape_cast %get3A_255 : vector<1x16xf32> to vector<16xf32>
      %mul3A_257 = arith.constant 8 : i32
      %mul3A_258 = arith.muli %add3A_163, %mul3A_257 : i32
      %add3A_259 = arith.constant 7 : i32
      %add3A_260 = arith.addi %mul3A_258, %add3A_259 : i32
      %swap3A_261 = arith.index_cast %add3A_260 : i32 to index
      %swap3A_262 = arith.constant 0 : index
      %swap3A_263 = tpu.vector_load %arg8[%swap3A_261, %swap3A_262] {strides = array<i32>} : memref<80x128xf32, #tpu.memory_space<vmem>>, vector<1x16xf32>,
      %swap3A_264 = vector.shape_cast %swap3A_263 : vector<1x16xf32> to vector<16xf32>
      %swap3A_265 = vector.shape_cast %get3A_256 : vector<16xf32> to vector<1x16xf32>
      tpu.vector_store %arg8[%swap3A_261, %swap3A_262], %swap3A_265 {strides = array<i32>} : memref<80x128xf32, #tpu.memory_space<vmem>>, vector<1x16xf32>,
    }
    %scan3A_125 = arith.constant 10 : i32
    %div3A_126 = arith.constant 124 : i32
    %div3A_127 = arith.constant 25 : i32
    %div3A_128 = arith.divsi %div3A_126, %div3A_127 : i32
    %rem3A_129 = arith.constant 124 : i32
    %rem3A_130 = arith.constant 25 : i32
    %rem3A_131 = arith.remsi %rem3A_129, %rem3A_130 : i32
    %dma_start3A_132 = arith.constant 0 : i32
    %dma_start3A_133 = tpu.memref_slice %arg5[%div3A_128, %rem3A_131, %dma_start3A_132] : memref<5x25x80xi32, #tpu.memory_space<vmem>> -> memref<1x1x80xi32, #tpu.memory_space<vmem>>
    %dma_start3A_134 = tpu.memref_squeeze %dma_start3A_133 : memref<1x1x80xi32, #tpu.memory_space<vmem>> -> memref<80xi32, #tpu.memory_space<vmem>>
    %dma_start3A_135 = arith.constant 0 : i32
    %dma_start3A_136 = arith.constant 0 : i32
    %dma_start3A_137 = tpu.memref_slice %arg10[%dma_start3A_135, %dma_start3A_136] : memref<10240x128xf32, #tpu.memory_space<vmem_shared>> -> memref<10240x128xf32, #tpu.memory_space<vmem_shared>>
    tpu.enqueue_indirect_dma source(%arg8 : memref<80x128xf32, #tpu.memory_space<vmem>>) target(%dma_start3A_137 : memref<10240x128xf32, #tpu.memory_space<vmem_shared>>) offsets(%dma_start3A_134 : memref<80xi32, #tpu.memory_space<vmem>>) semaphore(%arg13 : memref<!tpu.dma_semaphore, #tpu.memory_space<semaphore_mem>>) {add = true}
    %dma_wait3A_138 = arith.constant 0 : i32
    %dma_wait3A_139 = arith.constant 0 : i32
    %dma_wait3A_140 = arith.constant 0 : i32
    %dma_wait3A_141 = tpu.memref_slice %arg5[%dma_wait3A_138, %dma_wait3A_139, %dma_wait3A_140] : memref<5x25x80xi32, #tpu.memory_space<vmem>> -> memref<1x1x80xi32, #tpu.memory_space<vmem>>
    %dma_wait3A_142 = tpu.memref_squeeze %dma_wait3A_141 : memref<1x1x80xi32, #tpu.memory_space<vmem>> -> memref<80xi32, #tpu.memory_space<vmem>>
    %dma_wait3A_143 = arith.constant 0 : i32
    %dma_wait3A_144 = arith.constant 0 : i32
    %dma_wait3A_145 = tpu.memref_slice %arg10[%dma_wait3A_143, %dma_wait3A_144] : memref<10240x128xf32, #tpu.memory_space<vmem_shared>> -> memref<10240x128xf32, #tpu.memory_space<vmem_shared>>
    tpu.wait_indirect_dma semaphore(%arg13 : memref<!tpu.dma_semaphore, #tpu.memory_space<semaphore_mem>>) src(%arg8 : memref<80x128xf32, #tpu.memory_space<vmem>>) dst(%dma_wait3A_145 : memref<10240x128xf32, #tpu.memory_space<vmem_shared>>)
    %dma_wait3A_146 = arith.constant 0 : i32
    %dma_wait3A_147 = arith.constant 0 : i32
    %dma_wait3A_148 = arith.constant 0 : i32
    %dma_wait3A_149 = tpu.memref_slice %arg5[%dma_wait3A_146, %dma_wait3A_147, %dma_wait3A_148] : memref<5x25x80xi32, #tpu.memory_space<vmem>> -> memref<1x1x80xi32, #tpu.memory_space<vmem>>
    %dma_wait3A_150 = tpu.memref_squeeze %dma_wait3A_149 : memref<1x1x80xi32, #tpu.memory_space<vmem>> -> memref<80xi32, #tpu.memory_space<vmem>>
    %dma_wait3A_151 = arith.constant 0 : i32
    %dma_wait3A_152 = arith.constant 0 : i32
    %dma_wait3A_153 = tpu.memref_slice %arg10[%dma_wait3A_151, %dma_wait3A_152] : memref<10240x128xf32, #tpu.memory_space<vmem_shared>> -> memref<10240x128xf32, #tpu.memory_space<vmem_shared>>
    tpu.wait_indirect_dma semaphore(%arg14 : memref<!tpu.dma_semaphore, #tpu.memory_space<semaphore_mem>>) src(%arg9 : memref<80x128xf32, #tpu.memory_space<vmem>>) dst(%dma_wait3A_153 : memref<10240x128xf32, #tpu.memory_space<vmem_shared>>)
    %barrier3A_154 = arith.constant 0 : index
    tpu.barrier barrier_id(%barrier3A_154)
    %mul3A_155 = arith.constant 640 : i32
    %mul3A_156 = arith.muli %arg1, %mul3A_155 : i32
    %mul3A_157 = arith.constant 640 : i32
    %mul3A_158 = arith.muli %arg1, %mul3A_157 : i32
    "tpu.region"() ({
      %run_scoped3A_159 = tpu.sem_alloc : memref<!tpu.dma_semaphore, #tpu.memory_space<semaphore_mem>>
      %dma_start3A_160 = arith.constant 0 : i32
      %dma_start3A_161 = tpu.memref_slice %arg4[%arg0, %mul3A_158, %dma_start3A_160] : memref<2x10240x128xf32, #tpu.memory_space<hbm>> -> memref<1x640x128xf32, #tpu.memory_space<hbm>>
      %dma_start3A_162 = tpu.memref_squeeze %dma_start3A_161 : memref<1x640x128xf32, #tpu.memory_space<hbm>> -> memref<640x128xf32, #tpu.memory_space<hbm>>
      %dma_start3A_163 = arith.constant 0 : i32
      %dma_start3A_164 = tpu.memref_slice %arg10[%mul3A_156, %dma_start3A_163] : memref<10240x128xf32, #tpu.memory_space<vmem_shared>> -> memref<640x128xf32, #tpu.memory_space<vmem_shared>>
      tpu.enqueue_dma source(%dma_start3A_164 : memref<640x128xf32, #tpu.memory_space<vmem_shared>>) target(%dma_start3A_162 : memref<640x128xf32, #tpu.memory_space<hbm>>) target_semaphore(%run_scoped3A_159 : memref<!tpu.dma_semaphore, #tpu.memory_space<semaphore_mem>>)
      %dma_wait3A_165 = arith.constant 0 : i32
      %dma_wait3A_166 = tpu.memref_slice %arg4[%arg0, %mul3A_158, %dma_wait3A_165] : memref<2x10240x128xf32, #tpu.memory_space<hbm>> -> memref<1x640x128xf32, #tpu.memory_space<hbm>>
      %dma_wait3A_167 = tpu.memref_squeeze %dma_wait3A_166 : memref<1x640x128xf32, #tpu.memory_space<hbm>> -> memref<640x128xf32, #tpu.memory_space<hbm>>
      %dma_wait3A_168 = arith.constant 0 : i32
      %dma_wait3A_169 = tpu.memref_slice %arg10[%mul3A_156, %dma_wait3A_168] : memref<10240x128xf32, #tpu.memory_space<vmem_shared>> -> memref<640x128xf32, #tpu.memory_space<vmem_shared>>
      tpu.wait_dma2 semaphore(%run_scoped3A_159 : memref<!tpu.dma_semaphore, #tpu.memory_space<semaphore_mem>>) src(%dma_wait3A_169 : memref<640x128xf32, #tpu.memory_space<vmem_shared>>) dst(%dma_wait3A_167 : memref<640x128xf32, #tpu.memory_space<hbm>>)
      tpu.yield
    }) : () -> ()
    return
  }
}

#map = affine_map<(d0, d1) -> (0, 0)>
#map1 = affine_map<(d0, d1) -> (0, 0, 0, 0, 0)>
#map2 = affine_map<(d0, d1) -> (0, 0, 0)>
module attributes {stable_mosaic.version = 14 : i64} {
  func.func @k(%arg0: i32, %arg1: i32, %arg2: memref<10000x128xf32, #tpu.memory_space<hbm>>, %arg3: memref<2x32x5x25x80xi32, #tpu.memory_space<hbm>>, %arg4: memref<2x10240x128xf32, #tpu.memory_space<hbm>>, %arg5: memref<5x25x80xi32, #tpu.memory_space<vmem>>, %arg6: memref<25x80xi32, #tpu.memory_space<vmem>>, %arg7: memref<80x128xf32, #tpu.memory_space<vmem>>, %arg8: memref<80x128xf32, #tpu.memory_space<vmem>>, %arg9: memref<10240x128xf32, #tpu.memory_space<vmem_shared>>, %arg10: memref<!tpu.dma_semaphore, #tpu.memory_space<semaphore_mem>>, %arg11: memref<!tpu.dma_semaphore, #tpu.memory_space<semaphore_mem>>) attributes {dimension_semantics = [#tpu.dimension_semantics<core_parallel>, #tpu.dimension_semantics<subcore_parallel>], iteration_bounds = array<i64: 2, 16>, scalar_prefetch = 0 : i64, scratch_operands = 7 : i64, tpu.core_type = #tpu.core_type<sc_vector_subcore>, window_params = [{transform_indices = #map}, {transform_indices = #map1}, {transform_indices = #map2}]} {
    %mul3A = arith.constant 2 : i32
    %mul3A_0 = arith.muli %arg1, %mul3A : i32
    %add3A = arith.addi %mul3A_0, %arg0 : i32
    %scan3A = arith.constant 0 : i32
    %scan3A_1 = arith.constant 80 : i32
    %scan3A_2 = arith.addi %scan3A, %scan3A_1 : i32
    %scan3A_3 = arith.constant 1 : i32
    scf.for %scan3A_44 = %scan3A to %scan3A_2 step %scan3A_3  : i32 {
      %mul3A_45 = arith.constant 1 : i32
      %mul3A_46 = arith.muli %scan3A_44, %mul3A_45 : i32
      %add3A_47 = arith.constant 0 : i32
      %add3A_48 = arith.addi %add3A_47, %mul3A_46 : i32
      %scan3A_49 = arith.constant 0 : i32
      %scan3A_50 = arith.constant 8 : i32
      %scan3A_51 = arith.addi %scan3A_49, %scan3A_50 : i32
      %scan3A_52 = arith.constant 1 : i32
      scf.for %scan3A_54 = %scan3A_49 to %scan3A_51 step %scan3A_52  : i32 {
        %mul3A_55 = arith.constant 16 : i32
        %mul3A_56 = arith.muli %scan3A_54, %mul3A_55 : i32
        %add3A_57 = arith.constant 0 : i32
        %add3A_58 = arith.addi %add3A_57, %mul3A_56 : i32
        %broadcast_in_dim3A = arith.constant 0.000000e+00 : f32
        %broadcast_in_dim3A_59 = vector.broadcast %broadcast_in_dim3A : f32 to vector<16xf32>
        %swap3A = arith.index_cast %add3A_48 : i32 to index
        %swap3A_60 = arith.index_cast %add3A_58 : i32 to index
        %swap3A_61 = tpu.vector_load %arg7[%swap3A, %swap3A_60] {strides = array<i32>} : memref<80x128xf32, #tpu.memory_space<vmem>>, vector<1x16xf32>,
        %swap3A_62 = vector.shape_cast %swap3A_61 : vector<1x16xf32> to vector<16xf32>
        %swap3A_63 = vector.shape_cast %broadcast_in_dim3A_59 : vector<16xf32> to vector<1x16xf32>
        tpu.vector_store %arg7[%swap3A, %swap3A_60], %swap3A_63 {strides = array<i32>} : memref<80x128xf32, #tpu.memory_space<vmem>>, vector<1x16xf32>,
      }
      %scan3A_53 = arith.constant 8 : i32
    }
    %scan3A_4 = arith.constant 80 : i32
    %scan3A_5 = arith.constant 0 : i32
    %scan3A_6 = arith.constant 8 : i32
    %scan3A_7 = arith.addi %scan3A_5, %scan3A_6 : i32
    %scan3A_8 = arith.constant 1 : i32
    scf.for %scan3A_44 = %scan3A_5 to %scan3A_7 step %scan3A_8  : i32 {
      %mul3A_45 = arith.constant 1 : i32
      %mul3A_46 = arith.muli %scan3A_44, %mul3A_45 : i32
      %add3A_47 = arith.constant 0 : i32
      %add3A_48 = arith.addi %add3A_47, %mul3A_46 : i32
      %mul3A_49 = arith.constant 640 : i32
      %mul3A_50 = arith.muli %arg1, %mul3A_49 : i32
      %mul3A_51 = arith.constant 80 : i32
      %mul3A_52 = arith.muli %add3A_48, %mul3A_51 : i32
      %add3A_53 = arith.addi %mul3A_50, %mul3A_52 : i32
      "tpu.region"() ({
        %run_scoped3A_54 = tpu.sem_alloc : memref<!tpu.dma_semaphore, #tpu.memory_space<semaphore_mem>>
        %dma_start3A_55 = arith.constant 0 : i32
        %dma_start3A_56 = tpu.memref_slice %arg9[%add3A_53, %dma_start3A_55] : memref<10240x128xf32, #tpu.memory_space<vmem_shared>> -> memref<80x128xf32, #tpu.memory_space<vmem_shared>>
        %dma_start3A_57 = arith.constant 0 : i32
        %dma_start3A_58 = tpu.memref_slice %arg9[%add3A_53, %dma_start3A_57] : memref<10240x128xf32, #tpu.memory_space<vmem_shared>> -> memref<80x128xf32, #tpu.memory_space<vmem_shared>>
        tpu.enqueue_dma source(%arg7 : memref<80x128xf32, #tpu.memory_space<vmem>>) target(%dma_start3A_58 : memref<80x128xf32, #tpu.memory_space<vmem_shared>>) target_semaphore(%run_scoped3A_54 : memref<!tpu.dma_semaphore, #tpu.memory_space<semaphore_mem>>)
        %dma_wait3A_59 = arith.constant 0 : i32
        %dma_wait3A_60 = tpu.memref_slice %arg9[%add3A_53, %dma_wait3A_59] : memref<10240x128xf32, #tpu.memory_space<vmem_shared>> -> memref<80x128xf32, #tpu.memory_space<vmem_shared>>
        %dma_wait3A_61 = arith.constant 0 : i32
        %dma_wait3A_62 = tpu.memref_slice %arg9[%add3A_53, %dma_wait3A_61] : memref<10240x128xf32, #tpu.memory_space<vmem_shared>> -> memref<80x128xf32, #tpu.memory_space<vmem_shared>>
        tpu.wait_dma2 semaphore(%run_scoped3A_54 : memref<!tpu.dma_semaphore, #tpu.memory_space<semaphore_mem>>) src(%arg7 : memref<80x128xf32, #tpu.memory_space<vmem>>) dst(%dma_wait3A_62 : memref<80x128xf32, #tpu.memory_space<vmem_shared>>)
        tpu.yield
      }) : () -> ()
    }
    %scan3A_9 = arith.constant 8 : i32
    %barrier3A = arith.constant 0 : index
    tpu.barrier barrier_id(%barrier3A)
    %run_scoped3A = arith.constant 0 : i32
    "tpu.region"() ({
      %run_scoped3A_44 = tpu.sem_alloc : memref<!tpu.dma_semaphore, #tpu.memory_space<semaphore_mem>>
      %dma_start3A_45 = arith.constant 0 : i32
      %dma_start3A_46 = arith.constant 0 : i32
      %dma_start3A_47 = arith.constant 0 : i32
      %dma_start3A_48 = tpu.memref_slice %arg3[%run_scoped3A, %add3A, %dma_start3A_45, %dma_start3A_46, %dma_start3A_47] : memref<2x32x5x25x80xi32, #tpu.memory_space<hbm>> -> memref<1x1x5x25x80xi32, #tpu.memory_space<hbm>>
      %dma_start3A_49 = tpu.memref_squeeze %dma_start3A_48 : memref<1x1x5x25x80xi32, #tpu.memory_space<hbm>> -> memref<5x25x80xi32, #tpu.memory_space<hbm>>
      %dma_start3A_50 = arith.constant 0 : i32
      %dma_start3A_51 = arith.constant 0 : i32
      %dma_start3A_52 = arith.constant 0 : i32
      %dma_start3A_53 = tpu.memref_slice %arg3[%run_scoped3A, %add3A, %dma_start3A_50, %dma_start3A_51, %dma_start3A_52] : memref<2x32x5x25x80xi32, #tpu.memory_space<hbm>> -> memref<1x1x5x25x80xi32, #tpu.memory_space<hbm>>
      %dma_start3A_54 = tpu.memref_squeeze %dma_start3A_53 : memref<1x1x5x25x80xi32, #tpu.memory_space<hbm>> -> memref<5x25x80xi32, #tpu.memory_space<hbm>>
      tpu.enqueue_dma source(%dma_start3A_54 : memref<5x25x80xi32, #tpu.memory_space<hbm>>) target(%arg5 : memref<5x25x80xi32, #tpu.memory_space<vmem>>) target_semaphore(%run_scoped3A_44 : memref<!tpu.dma_semaphore, #tpu.memory_space<semaphore_mem>>)
      %dma_wait3A_55 = arith.constant 0 : i32
      %dma_wait3A_56 = arith.constant 0 : i32
      %dma_wait3A_57 = arith.constant 0 : i32
      %dma_wait3A_58 = tpu.memref_slice %arg3[%run_scoped3A, %add3A, %dma_wait3A_55, %dma_wait3A_56, %dma_wait3A_57] : memref<2x32x5x25x80xi32, #tpu.memory_space<hbm>> -> memref<1x1x5x25x80xi32, #tpu.memory_space<hbm>>
      %dma_wait3A_59 = tpu.memref_squeeze %dma_wait3A_58 : memref<1x1x5x25x80xi32, #tpu.memory_space<hbm>> -> memref<5x25x80xi32, #tpu.memory_space<hbm>>
      %dma_wait3A_60 = arith.constant 0 : i32
      %dma_wait3A_61 = arith.constant 0 : i32
      %dma_wait3A_62 = arith.constant 0 : i32
      %dma_wait3A_63 = tpu.memref_slice %arg3[%run_scoped3A, %add3A, %dma_wait3A_60, %dma_wait3A_61, %dma_wait3A_62] : memref<2x32x5x25x80xi32, #tpu.memory_space<hbm>> -> memref<1x1x5x25x80xi32, #tpu.memory_space<hbm>>
      %dma_wait3A_64 = tpu.memref_squeeze %dma_wait3A_63 : memref<1x1x5x25x80xi32, #tpu.memory_space<hbm>> -> memref<5x25x80xi32, #tpu.memory_space<hbm>>
      tpu.wait_dma2 semaphore(%run_scoped3A_44 : memref<!tpu.dma_semaphore, #tpu.memory_space<semaphore_mem>>) src(%dma_wait3A_64 : memref<5x25x80xi32, #tpu.memory_space<hbm>>) dst(%arg5 : memref<5x25x80xi32, #tpu.memory_space<vmem>>)
      tpu.yield
    }) : () -> ()
    %div3A = arith.constant 0 : i32
    %div3A_10 = arith.constant 25 : i32
    %div3A_11 = arith.divsi %div3A, %div3A_10 : i32
    %rem3A = arith.constant 0 : i32
    %rem3A_12 = arith.constant 25 : i32
    %rem3A_13 = arith.remsi %rem3A, %rem3A_12 : i32
    %dma_start3A = arith.constant 0 : i32
    %dma_start3A_14 = tpu.memref_slice %arg5[%div3A_11, %rem3A_13, %dma_start3A] : memref<5x25x80xi32, #tpu.memory_space<vmem>> -> memref<1x1x80xi32, #tpu.memory_space<vmem>>
    %dma_start3A_15 = tpu.memref_squeeze %dma_start3A_14 : memref<1x1x80xi32, #tpu.memory_space<vmem>> -> memref<80xi32, #tpu.memory_space<vmem>>
    %dma_start3A_16 = arith.constant 0 : i32
    %dma_start3A_17 = arith.constant 0 : i32
    %dma_start3A_18 = tpu.memref_slice %arg2[%dma_start3A_16, %dma_start3A_17] : memref<10000x128xf32, #tpu.memory_space<hbm>> -> memref<10000x128xf32, #tpu.memory_space<hbm>>
    tpu.enqueue_indirect_dma source(%dma_start3A_18 : memref<10000x128xf32, #tpu.memory_space<hbm>>) target(%arg7 : memref<80x128xf32, #tpu.memory_space<vmem>>) offsets(%dma_start3A_15 : memref<80xi32, #tpu.memory_space<vmem>>) semaphore(%arg10 : memref<!tpu.dma_semaphore, #tpu.memory_space<semaphore_mem>>)
    %scan3A_19 = arith.constant 0 : i32
    %scan3A_20 = arith.constant 62 : i32
    %scan3A_21 = arith.addi %scan3A_19, %scan3A_20 : i32
    %scan3A_22 = arith.constant 1 : i32
    scf.for %scan3A_44 = %scan3A_19 to %scan3A_21 step %scan3A_22  : i32 {
      %mul3A_45 = arith.constant 1 : i32
      %mul3A_46 = arith.muli %scan3A_44, %mul3A_45 : i32
      %add3A_47 = arith.constant 0 : i32
      %add3A_48 = arith.addi %add3A_47, %mul3A_46 : i32
      %mul3A_49 = arith.constant 2 : i32
      %mul3A_50 = arith.muli %mul3A_49, %add3A_48 : i32
      %add3A_51 = arith.constant 1 : i32
      %add3A_52 = arith.addi %mul3A_50, %add3A_51 : i32
      %div3A_53 = arith.constant 25 : i32
      %div3A_54 = arith.divsi %add3A_52, %div3A_53 : i32
      %rem3A_55 = arith.constant 25 : i32
      %rem3A_56 = arith.remsi %add3A_52, %rem3A_55 : i32
      %dma_start3A_57 = arith.constant 0 : i32
      %dma_start3A_58 = tpu.memref_slice %arg5[%div3A_54, %rem3A_56, %dma_start3A_57] : memref<5x25x80xi32, #tpu.memory_space<vmem>> -> memref<1x1x80xi32, #tpu.memory_space<vmem>>
      %dma_start3A_59 = tpu.memref_squeeze %dma_start3A_58 : memref<1x1x80xi32, #tpu.memory_space<vmem>> -> memref<80xi32, #tpu.memory_space<vmem>>
      %dma_start3A_60 = arith.constant 0 : i32
      %dma_start3A_61 = arith.constant 0 : i32
      %dma_start3A_62 = tpu.memref_slice %arg2[%dma_start3A_60, %dma_start3A_61] : memref<10000x128xf32, #tpu.memory_space<hbm>> -> memref<10000x128xf32, #tpu.memory_space<hbm>>
      tpu.enqueue_indirect_dma source(%dma_start3A_62 : memref<10000x128xf32, #tpu.memory_space<hbm>>) target(%arg8 : memref<80x128xf32, #tpu.memory_space<vmem>>) offsets(%dma_start3A_59 : memref<80xi32, #tpu.memory_space<vmem>>) semaphore(%arg11 : memref<!tpu.dma_semaphore, #tpu.memory_space<semaphore_mem>>)
      %dma_wait3A_63 = arith.constant 0 : i32
      %dma_wait3A_64 = arith.constant 0 : i32
      %dma_wait3A_65 = arith.constant 0 : i32
      %dma_wait3A_66 = tpu.memref_slice %arg5[%dma_wait3A_63, %dma_wait3A_64, %dma_wait3A_65] : memref<5x25x80xi32, #tpu.memory_space<vmem>> -> memref<1x1x80xi32, #tpu.memory_space<vmem>>
      %dma_wait3A_67 = tpu.memref_squeeze %dma_wait3A_66 : memref<1x1x80xi32, #tpu.memory_space<vmem>> -> memref<80xi32, #tpu.memory_space<vmem>>
      %dma_wait3A_68 = arith.constant 0 : i32
      %dma_wait3A_69 = arith.constant 0 : i32
      %dma_wait3A_70 = tpu.memref_slice %arg2[%dma_wait3A_68, %dma_wait3A_69] : memref<10000x128xf32, #tpu.memory_space<hbm>> -> memref<10000x128xf32, #tpu.memory_space<hbm>>
      tpu.wait_indirect_dma semaphore(%arg10 : memref<!tpu.dma_semaphore, #tpu.memory_space<semaphore_mem>>) src(%dma_wait3A_70 : memref<10000x128xf32, #tpu.memory_space<hbm>>) dst(%arg7 : memref<80x128xf32, #tpu.memory_space<vmem>>)
      %rem3A_71 = arith.constant 25 : i32
      %rem3A_72 = arith.remsi %mul3A_50, %rem3A_71 : i32
      %eq3A_73 = arith.constant 0 : i32
      %eq3A_74 = arith.cmpi eq, %rem3A_72, %eq3A_73 : i32
      %convert_element_type3A_75 = arith.extui %eq3A_74 : i1 to i32
      %cond3A_76 = arith.constant 0 : i32
      %cond3A_77 = arith.cmpi ne, %convert_element_type3A_75, %cond3A_76 : i32
      scf.if %cond3A_77 {
        %div3A_111 = arith.constant 25 : i32
        %div3A_112 = arith.divsi %mul3A_50, %div3A_111 : i32
        %run_scoped3A_113 = arith.constant 1 : i32
        "tpu.region"() ({
          %run_scoped3A_114 = tpu.sem_alloc : memref<!tpu.dma_semaphore, #tpu.memory_space<semaphore_mem>>
          %dma_start3A_115 = arith.constant 0 : i32
          %dma_start3A_116 = arith.constant 0 : i32
          %dma_start3A_117 = tpu.memref_slice %arg3[%run_scoped3A_113, %add3A, %div3A_112, %dma_start3A_115, %dma_start3A_116] : memref<2x32x5x25x80xi32, #tpu.memory_space<hbm>> -> memref<1x1x1x25x80xi32, #tpu.memory_space<hbm>>
          %dma_start3A_118 = tpu.memref_squeeze %dma_start3A_117 : memref<1x1x1x25x80xi32, #tpu.memory_space<hbm>> -> memref<25x80xi32, #tpu.memory_space<hbm>>
          %dma_start3A_119 = arith.constant 0 : i32
          %dma_start3A_120 = arith.constant 0 : i32
          %dma_start3A_121 = tpu.memref_slice %arg3[%run_scoped3A_113, %add3A, %div3A_112, %dma_start3A_119, %dma_start3A_120] : memref<2x32x5x25x80xi32, #tpu.memory_space<hbm>> -> memref<1x1x1x25x80xi32, #tpu.memory_space<hbm>>
          %dma_start3A_122 = tpu.memref_squeeze %dma_start3A_121 : memref<1x1x1x25x80xi32, #tpu.memory_space<hbm>> -> memref<25x80xi32, #tpu.memory_space<hbm>>
          tpu.enqueue_dma source(%dma_start3A_122 : memref<25x80xi32, #tpu.memory_space<hbm>>) target(%arg6 : memref<25x80xi32, #tpu.memory_space<vmem>>) target_semaphore(%run_scoped3A_114 : memref<!tpu.dma_semaphore, #tpu.memory_space<semaphore_mem>>)
          %dma_wait3A_123 = arith.constant 0 : i32
          %dma_wait3A_124 = arith.constant 0 : i32
          %dma_wait3A_125 = tpu.memref_slice %arg3[%run_scoped3A_113, %add3A, %div3A_112, %dma_wait3A_123, %dma_wait3A_124] : memref<2x32x5x25x80xi32, #tpu.memory_space<hbm>> -> memref<1x1x1x25x80xi32, #tpu.memory_space<hbm>>
          %dma_wait3A_126 = tpu.memref_squeeze %dma_wait3A_125 : memref<1x1x1x25x80xi32, #tpu.memory_space<hbm>> -> memref<25x80xi32, #tpu.memory_space<hbm>>
          %dma_wait3A_127 = arith.constant 0 : i32
          %dma_wait3A_128 = arith.constant 0 : i32
          %dma_wait3A_129 = tpu.memref_slice %arg3[%run_scoped3A_113, %add3A, %div3A_112, %dma_wait3A_127, %dma_wait3A_128] : memref<2x32x5x25x80xi32, #tpu.memory_space<hbm>> -> memref<1x1x1x25x80xi32, #tpu.memory_space<hbm>>
          %dma_wait3A_130 = tpu.memref_squeeze %dma_wait3A_129 : memref<1x1x1x25x80xi32, #tpu.memory_space<hbm>> -> memref<25x80xi32, #tpu.memory_space<hbm>>
          tpu.wait_dma2 semaphore(%run_scoped3A_114 : memref<!tpu.dma_semaphore, #tpu.memory_space<semaphore_mem>>) src(%dma_wait3A_130 : memref<25x80xi32, #tpu.memory_space<hbm>>) dst(%arg6 : memref<25x80xi32, #tpu.memory_space<vmem>>)
          tpu.yield
        }) : () -> ()
      } else {
      }
      %rem3A_78 = arith.constant 25 : i32
      %rem3A_79 = arith.remsi %mul3A_50, %rem3A_78 : i32
      "tpu.region"() ({
        %run_scoped3A_111 = tpu.sem_alloc : memref<!tpu.dma_semaphore, #tpu.memory_space<semaphore_mem>>
        %dma_start3A_112 = arith.constant 0 : i32
        %dma_start3A_113 = tpu.memref_slice %arg6[%rem3A_79, %dma_start3A_112] : memref<25x80xi32, #tpu.memory_space<vmem>> -> memref<1x80xi32, #tpu.memory_space<vmem>>
        %dma_start3A_114 = tpu.memref_squeeze %dma_start3A_113 : memref<1x80xi32, #tpu.memory_space<vmem>> -> memref<80xi32, #tpu.memory_space<vmem>>
        %dma_start3A_115 = arith.constant 0 : i32
        %dma_start3A_116 = arith.constant 0 : i32
        %dma_start3A_117 = tpu.memref_slice %arg9[%dma_start3A_115, %dma_start3A_116] : memref<10240x128xf32, #tpu.memory_space<vmem_shared>> -> memref<10240x128xf32, #tpu.memory_space<vmem_shared>>
        tpu.enqueue_indirect_dma source(%arg7 : memref<80x128xf32, #tpu.memory_space<vmem>>) target(%dma_start3A_117 : memref<10240x128xf32, #tpu.memory_space<vmem_shared>>) offsets(%dma_start3A_114 : memref<80xi32, #tpu.memory_space<vmem>>) semaphore(%run_scoped3A_111 : memref<!tpu.dma_semaphore, #tpu.memory_space<semaphore_mem>>) {add = true}
        %dma_wait3A_118 = arith.constant 0 : i32
        %dma_wait3A_119 = tpu.memref_slice %arg6[%rem3A_79, %dma_wait3A_118] : memref<25x80xi32, #tpu.memory_space<vmem>> -> memref<1x80xi32, #tpu.memory_space<vmem>>
        %dma_wait3A_120 = tpu.memref_squeeze %dma_wait3A_119 : memref<1x80xi32, #tpu.memory_space<vmem>> -> memref<80xi32, #tpu.memory_space<vmem>>
        %dma_wait3A_121 = arith.constant 0 : i32
        %dma_wait3A_122 = arith.constant 0 : i32
        %dma_wait3A_123 = tpu.memref_slice %arg9[%dma_wait3A_121, %dma_wait3A_122] : memref<10240x128xf32, #tpu.memory_space<vmem_shared>> -> memref<10240x128xf32, #tpu.memory_space<vmem_shared>>
        tpu.wait_indirect_dma semaphore(%run_scoped3A_111 : memref<!tpu.dma_semaphore, #tpu.memory_space<semaphore_mem>>) src(%arg7 : memref<80x128xf32, #tpu.memory_space<vmem>>) dst(%dma_wait3A_123 : memref<10240x128xf32, #tpu.memory_space<vmem_shared>>)
        tpu.yield
      }) : () -> ()
      %add3A_80 = arith.constant 2 : i32
      %add3A_81 = arith.addi %mul3A_50, %add3A_80 : i32
      %div3A_82 = arith.constant 25 : i32
      %div3A_83 = arith.divsi %add3A_81, %div3A_82 : i32
      %rem3A_84 = arith.constant 25 : i32
      %rem3A_85 = arith.remsi %add3A_81, %rem3A_84 : i32
      %dma_start3A_86 = arith.constant 0 : i32
      %dma_start3A_87 = tpu.memref_slice %arg5[%div3A_83, %rem3A_85, %dma_start3A_86] : memref<5x25x80xi32, #tpu.memory_space<vmem>> -> memref<1x1x80xi32, #tpu.memory_space<vmem>>
      %dma_start3A_88 = tpu.memref_squeeze %dma_start3A_87 : memref<1x1x80xi32, #tpu.memory_space<vmem>> -> memref<80xi32, #tpu.memory_space<vmem>>
      %dma_start3A_89 = arith.constant 0 : i32
      %dma_start3A_90 = arith.constant 0 : i32
      %dma_start3A_91 = tpu.memref_slice %arg2[%dma_start3A_89, %dma_start3A_90] : memref<10000x128xf32, #tpu.memory_space<hbm>> -> memref<10000x128xf32, #tpu.memory_space<hbm>>
      tpu.enqueue_indirect_dma source(%dma_start3A_91 : memref<10000x128xf32, #tpu.memory_space<hbm>>) target(%arg7 : memref<80x128xf32, #tpu.memory_space<vmem>>) offsets(%dma_start3A_88 : memref<80xi32, #tpu.memory_space<vmem>>) semaphore(%arg10 : memref<!tpu.dma_semaphore, #tpu.memory_space<semaphore_mem>>)
      %dma_wait3A_92 = arith.constant 0 : i32
      %dma_wait3A_93 = arith.constant 0 : i32
      %dma_wait3A_94 = arith.constant 0 : i32
      %dma_wait3A_95 = tpu.memref_slice %arg5[%dma_wait3A_92, %dma_wait3A_93, %dma_wait3A_94] : memref<5x25x80xi32, #tpu.memory_space<vmem>> -> memref<1x1x80xi32, #tpu.memory_space<vmem>>
      %dma_wait3A_96 = tpu.memref_squeeze %dma_wait3A_95 : memref<1x1x80xi32, #tpu.memory_space<vmem>> -> memref<80xi32, #tpu.memory_space<vmem>>
      %dma_wait3A_97 = arith.constant 0 : i32
      %dma_wait3A_98 = arith.constant 0 : i32
      %dma_wait3A_99 = tpu.memref_slice %arg2[%dma_wait3A_97, %dma_wait3A_98] : memref<10000x128xf32, #tpu.memory_space<hbm>> -> memref<10000x128xf32, #tpu.memory_space<hbm>>
      tpu.wait_indirect_dma semaphore(%arg11 : memref<!tpu.dma_semaphore, #tpu.memory_space<semaphore_mem>>) src(%dma_wait3A_99 : memref<10000x128xf32, #tpu.memory_space<hbm>>) dst(%arg8 : memref<80x128xf32, #tpu.memory_space<vmem>>)
      %add3A_100 = arith.constant 1 : i32
      %add3A_101 = arith.addi %mul3A_50, %add3A_100 : i32
      %rem3A_102 = arith.constant 25 : i32
      %rem3A_103 = arith.remsi %add3A_101, %rem3A_102 : i32
      %eq3A_104 = arith.constant 0 : i32
      %eq3A_105 = arith.cmpi eq, %rem3A_103, %eq3A_104 : i32
      %convert_element_type3A_106 = arith.extui %eq3A_105 : i1 to i32
      %cond3A_107 = arith.constant 0 : i32
      %cond3A_108 = arith.cmpi ne, %convert_element_type3A_106, %cond3A_107 : i32
      scf.if %cond3A_108 {
        %div3A_111 = arith.constant 25 : i32
        %div3A_112 = arith.divsi %add3A_101, %div3A_111 : i32
        %run_scoped3A_113 = arith.constant 1 : i32
        "tpu.region"() ({
          %run_scoped3A_114 = tpu.sem_alloc : memref<!tpu.dma_semaphore, #tpu.memory_space<semaphore_mem>>
          %dma_start3A_115 = arith.constant 0 : i32
          %dma_start3A_116 = arith.constant 0 : i32
          %dma_start3A_117 = tpu.memref_slice %arg3[%run_scoped3A_113, %add3A, %div3A_112, %dma_start3A_115, %dma_start3A_116] : memref<2x32x5x25x80xi32, #tpu.memory_space<hbm>> -> memref<1x1x1x25x80xi32, #tpu.memory_space<hbm>>
          %dma_start3A_118 = tpu.memref_squeeze %dma_start3A_117 : memref<1x1x1x25x80xi32, #tpu.memory_space<hbm>> -> memref<25x80xi32, #tpu.memory_space<hbm>>
          %dma_start3A_119 = arith.constant 0 : i32
          %dma_start3A_120 = arith.constant 0 : i32
          %dma_start3A_121 = tpu.memref_slice %arg3[%run_scoped3A_113, %add3A, %div3A_112, %dma_start3A_119, %dma_start3A_120] : memref<2x32x5x25x80xi32, #tpu.memory_space<hbm>> -> memref<1x1x1x25x80xi32, #tpu.memory_space<hbm>>
          %dma_start3A_122 = tpu.memref_squeeze %dma_start3A_121 : memref<1x1x1x25x80xi32, #tpu.memory_space<hbm>> -> memref<25x80xi32, #tpu.memory_space<hbm>>
          tpu.enqueue_dma source(%dma_start3A_122 : memref<25x80xi32, #tpu.memory_space<hbm>>) target(%arg6 : memref<25x80xi32, #tpu.memory_space<vmem>>) target_semaphore(%run_scoped3A_114 : memref<!tpu.dma_semaphore, #tpu.memory_space<semaphore_mem>>)
          %dma_wait3A_123 = arith.constant 0 : i32
          %dma_wait3A_124 = arith.constant 0 : i32
          %dma_wait3A_125 = tpu.memref_slice %arg3[%run_scoped3A_113, %add3A, %div3A_112, %dma_wait3A_123, %dma_wait3A_124] : memref<2x32x5x25x80xi32, #tpu.memory_space<hbm>> -> memref<1x1x1x25x80xi32, #tpu.memory_space<hbm>>
          %dma_wait3A_126 = tpu.memref_squeeze %dma_wait3A_125 : memref<1x1x1x25x80xi32, #tpu.memory_space<hbm>> -> memref<25x80xi32, #tpu.memory_space<hbm>>
          %dma_wait3A_127 = arith.constant 0 : i32
          %dma_wait3A_128 = arith.constant 0 : i32
          %dma_wait3A_129 = tpu.memref_slice %arg3[%run_scoped3A_113, %add3A, %div3A_112, %dma_wait3A_127, %dma_wait3A_128] : memref<2x32x5x25x80xi32, #tpu.memory_space<hbm>> -> memref<1x1x1x25x80xi32, #tpu.memory_space<hbm>>
          %dma_wait3A_130 = tpu.memref_squeeze %dma_wait3A_129 : memref<1x1x1x25x80xi32, #tpu.memory_space<hbm>> -> memref<25x80xi32, #tpu.memory_space<hbm>>
          tpu.wait_dma2 semaphore(%run_scoped3A_114 : memref<!tpu.dma_semaphore, #tpu.memory_space<semaphore_mem>>) src(%dma_wait3A_130 : memref<25x80xi32, #tpu.memory_space<hbm>>) dst(%arg6 : memref<25x80xi32, #tpu.memory_space<vmem>>)
          tpu.yield
        }) : () -> ()
      } else {
      }
      %rem3A_109 = arith.constant 25 : i32
      %rem3A_110 = arith.remsi %add3A_101, %rem3A_109 : i32
      "tpu.region"() ({
        %run_scoped3A_111 = tpu.sem_alloc : memref<!tpu.dma_semaphore, #tpu.memory_space<semaphore_mem>>
        %dma_start3A_112 = arith.constant 0 : i32
        %dma_start3A_113 = tpu.memref_slice %arg6[%rem3A_110, %dma_start3A_112] : memref<25x80xi32, #tpu.memory_space<vmem>> -> memref<1x80xi32, #tpu.memory_space<vmem>>
        %dma_start3A_114 = tpu.memref_squeeze %dma_start3A_113 : memref<1x80xi32, #tpu.memory_space<vmem>> -> memref<80xi32, #tpu.memory_space<vmem>>
        %dma_start3A_115 = arith.constant 0 : i32
        %dma_start3A_116 = arith.constant 0 : i32
        %dma_start3A_117 = tpu.memref_slice %arg9[%dma_start3A_115, %dma_start3A_116] : memref<10240x128xf32, #tpu.memory_space<vmem_shared>> -> memref<10240x128xf32, #tpu.memory_space<vmem_shared>>
        tpu.enqueue_indirect_dma source(%arg8 : memref<80x128xf32, #tpu.memory_space<vmem>>) target(%dma_start3A_117 : memref<10240x128xf32, #tpu.memory_space<vmem_shared>>) offsets(%dma_start3A_114 : memref<80xi32, #tpu.memory_space<vmem>>) semaphore(%run_scoped3A_111 : memref<!tpu.dma_semaphore, #tpu.memory_space<semaphore_mem>>) {add = true}
        %dma_wait3A_118 = arith.constant 0 : i32
        %dma_wait3A_119 = tpu.memref_slice %arg6[%rem3A_110, %dma_wait3A_118] : memref<25x80xi32, #tpu.memory_space<vmem>> -> memref<1x80xi32, #tpu.memory_space<vmem>>
        %dma_wait3A_120 = tpu.memref_squeeze %dma_wait3A_119 : memref<1x80xi32, #tpu.memory_space<vmem>> -> memref<80xi32, #tpu.memory_space<vmem>>
        %dma_wait3A_121 = arith.constant 0 : i32
        %dma_wait3A_122 = arith.constant 0 : i32
        %dma_wait3A_123 = tpu.memref_slice %arg9[%dma_wait3A_121, %dma_wait3A_122] : memref<10240x128xf32, #tpu.memory_space<vmem_shared>> -> memref<10240x128xf32, #tpu.memory_space<vmem_shared>>
        tpu.wait_indirect_dma semaphore(%run_scoped3A_111 : memref<!tpu.dma_semaphore, #tpu.memory_space<semaphore_mem>>) src(%arg8 : memref<80x128xf32, #tpu.memory_space<vmem>>) dst(%dma_wait3A_123 : memref<10240x128xf32, #tpu.memory_space<vmem_shared>>)
        tpu.yield
      }) : () -> ()
    }
    %scan3A_23 = arith.constant 62 : i32
    %dma_wait3A = arith.constant 0 : i32
    %dma_wait3A_24 = arith.constant 0 : i32
    %dma_wait3A_25 = arith.constant 0 : i32
    %dma_wait3A_26 = tpu.memref_slice %arg5[%dma_wait3A, %dma_wait3A_24, %dma_wait3A_25] : memref<5x25x80xi32, #tpu.memory_space<vmem>> -> memref<1x1x80xi32, #tpu.memory_space<vmem>>
    %dma_wait3A_27 = tpu.memref_squeeze %dma_wait3A_26 : memref<1x1x80xi32, #tpu.memory_space<vmem>> -> memref<80xi32, #tpu.memory_space<vmem>>
    %dma_wait3A_28 = arith.constant 0 : i32
    %dma_wait3A_29 = arith.constant 0 : i32
    %dma_wait3A_30 = tpu.memref_slice %arg2[%dma_wait3A_28, %dma_wait3A_29] : memref<10000x128xf32, #tpu.memory_space<hbm>> -> memref<10000x128xf32, #tpu.memory_space<hbm>>
    tpu.wait_indirect_dma semaphore(%arg10 : memref<!tpu.dma_semaphore, #tpu.memory_space<semaphore_mem>>) src(%dma_wait3A_30 : memref<10000x128xf32, #tpu.memory_space<hbm>>) dst(%arg7 : memref<80x128xf32, #tpu.memory_space<vmem>>)
    %rem3A_31 = arith.constant 124 : i32
    %rem3A_32 = arith.constant 25 : i32
    %rem3A_33 = arith.remsi %rem3A_31, %rem3A_32 : i32
    %eq3A = arith.constant 0 : i32
    %eq3A_34 = arith.cmpi eq, %rem3A_33, %eq3A : i32
    %convert_element_type3A = arith.extui %eq3A_34 : i1 to i32
    %cond3A = arith.constant 0 : i32
    %cond3A_35 = arith.cmpi ne, %convert_element_type3A, %cond3A : i32
    scf.if %cond3A_35 {
      %div3A_44 = arith.constant 124 : i32
      %div3A_45 = arith.constant 25 : i32
      %div3A_46 = arith.divsi %div3A_44, %div3A_45 : i32
      %run_scoped3A_47 = arith.constant 1 : i32
      "tpu.region"() ({
        %run_scoped3A_48 = tpu.sem_alloc : memref<!tpu.dma_semaphore, #tpu.memory_space<semaphore_mem>>
        %dma_start3A_49 = arith.constant 0 : i32
        %dma_start3A_50 = arith.constant 0 : i32
        %dma_start3A_51 = tpu.memref_slice %arg3[%run_scoped3A_47, %add3A, %div3A_46, %dma_start3A_49, %dma_start3A_50] : memref<2x32x5x25x80xi32, #tpu.memory_space<hbm>> -> memref<1x1x1x25x80xi32, #tpu.memory_space<hbm>>
        %dma_start3A_52 = tpu.memref_squeeze %dma_start3A_51 : memref<1x1x1x25x80xi32, #tpu.memory_space<hbm>> -> memref<25x80xi32, #tpu.memory_space<hbm>>
        %dma_start3A_53 = arith.constant 0 : i32
        %dma_start3A_54 = arith.constant 0 : i32
        %dma_start3A_55 = tpu.memref_slice %arg3[%run_scoped3A_47, %add3A, %div3A_46, %dma_start3A_53, %dma_start3A_54] : memref<2x32x5x25x80xi32, #tpu.memory_space<hbm>> -> memref<1x1x1x25x80xi32, #tpu.memory_space<hbm>>
        %dma_start3A_56 = tpu.memref_squeeze %dma_start3A_55 : memref<1x1x1x25x80xi32, #tpu.memory_space<hbm>> -> memref<25x80xi32, #tpu.memory_space<hbm>>
        tpu.enqueue_dma source(%dma_start3A_56 : memref<25x80xi32, #tpu.memory_space<hbm>>) target(%arg6 : memref<25x80xi32, #tpu.memory_space<vmem>>) target_semaphore(%run_scoped3A_48 : memref<!tpu.dma_semaphore, #tpu.memory_space<semaphore_mem>>)
        %dma_wait3A_57 = arith.constant 0 : i32
        %dma_wait3A_58 = arith.constant 0 : i32
        %dma_wait3A_59 = tpu.memref_slice %arg3[%run_scoped3A_47, %add3A, %div3A_46, %dma_wait3A_57, %dma_wait3A_58] : memref<2x32x5x25x80xi32, #tpu.memory_space<hbm>> -> memref<1x1x1x25x80xi32, #tpu.memory_space<hbm>>
        %dma_wait3A_60 = tpu.memref_squeeze %dma_wait3A_59 : memref<1x1x1x25x80xi32, #tpu.memory_space<hbm>> -> memref<25x80xi32, #tpu.memory_space<hbm>>
        %dma_wait3A_61 = arith.constant 0 : i32
        %dma_wait3A_62 = arith.constant 0 : i32
        %dma_wait3A_63 = tpu.memref_slice %arg3[%run_scoped3A_47, %add3A, %div3A_46, %dma_wait3A_61, %dma_wait3A_62] : memref<2x32x5x25x80xi32, #tpu.memory_space<hbm>> -> memref<1x1x1x25x80xi32, #tpu.memory_space<hbm>>
        %dma_wait3A_64 = tpu.memref_squeeze %dma_wait3A_63 : memref<1x1x1x25x80xi32, #tpu.memory_space<hbm>> -> memref<25x80xi32, #tpu.memory_space<hbm>>
        tpu.wait_dma2 semaphore(%run_scoped3A_48 : memref<!tpu.dma_semaphore, #tpu.memory_space<semaphore_mem>>) src(%dma_wait3A_64 : memref<25x80xi32, #tpu.memory_space<hbm>>) dst(%arg6 : memref<25x80xi32, #tpu.memory_space<vmem>>)
        tpu.yield
      }) : () -> ()
    } else {
    }
    %rem3A_36 = arith.constant 124 : i32
    %rem3A_37 = arith.constant 25 : i32
    %rem3A_38 = arith.remsi %rem3A_36, %rem3A_37 : i32
    "tpu.region"() ({
      %run_scoped3A_44 = tpu.sem_alloc : memref<!tpu.dma_semaphore, #tpu.memory_space<semaphore_mem>>
      %dma_start3A_45 = arith.constant 0 : i32
      %dma_start3A_46 = tpu.memref_slice %arg6[%rem3A_38, %dma_start3A_45] : memref<25x80xi32, #tpu.memory_space<vmem>> -> memref<1x80xi32, #tpu.memory_space<vmem>>
      %dma_start3A_47 = tpu.memref_squeeze %dma_start3A_46 : memref<1x80xi32, #tpu.memory_space<vmem>> -> memref<80xi32, #tpu.memory_space<vmem>>
      %dma_start3A_48 = arith.constant 0 : i32
      %dma_start3A_49 = arith.constant 0 : i32
      %dma_start3A_50 = tpu.memref_slice %arg9[%dma_start3A_48, %dma_start3A_49] : memref<10240x128xf32, #tpu.memory_space<vmem_shared>> -> memref<10240x128xf32, #tpu.memory_space<vmem_shared>>
      tpu.enqueue_indirect_dma source(%arg7 : memref<80x128xf32, #tpu.memory_space<vmem>>) target(%dma_start3A_50 : memref<10240x128xf32, #tpu.memory_space<vmem_shared>>) offsets(%dma_start3A_47 : memref<80xi32, #tpu.memory_space<vmem>>) semaphore(%run_scoped3A_44 : memref<!tpu.dma_semaphore, #tpu.memory_space<semaphore_mem>>) {add = true}
      %dma_wait3A_51 = arith.constant 0 : i32
      %dma_wait3A_52 = tpu.memref_slice %arg6[%rem3A_38, %dma_wait3A_51] : memref<25x80xi32, #tpu.memory_space<vmem>> -> memref<1x80xi32, #tpu.memory_space<vmem>>
      %dma_wait3A_53 = tpu.memref_squeeze %dma_wait3A_52 : memref<1x80xi32, #tpu.memory_space<vmem>> -> memref<80xi32, #tpu.memory_space<vmem>>
      %dma_wait3A_54 = arith.constant 0 : i32
      %dma_wait3A_55 = arith.constant 0 : i32
      %dma_wait3A_56 = tpu.memref_slice %arg9[%dma_wait3A_54, %dma_wait3A_55] : memref<10240x128xf32, #tpu.memory_space<vmem_shared>> -> memref<10240x128xf32, #tpu.memory_space<vmem_shared>>
      tpu.wait_indirect_dma semaphore(%run_scoped3A_44 : memref<!tpu.dma_semaphore, #tpu.memory_space<semaphore_mem>>) src(%arg7 : memref<80x128xf32, #tpu.memory_space<vmem>>) dst(%dma_wait3A_56 : memref<10240x128xf32, #tpu.memory_space<vmem_shared>>)
      tpu.yield
    }) : () -> ()
    %barrier3A_39 = arith.constant 0 : index
    tpu.barrier barrier_id(%barrier3A_39)
    %mul3A_40 = arith.constant 640 : i32
    %mul3A_41 = arith.muli %arg1, %mul3A_40 : i32
    %mul3A_42 = arith.constant 640 : i32
    %mul3A_43 = arith.muli %arg1, %mul3A_42 : i32
    "tpu.region"() ({
      %run_scoped3A_44 = tpu.sem_alloc : memref<!tpu.dma_semaphore, #tpu.memory_space<semaphore_mem>>
      %dma_start3A_45 = arith.constant 0 : i32
      %dma_start3A_46 = tpu.memref_slice %arg4[%arg0, %mul3A_43, %dma_start3A_45] : memref<2x10240x128xf32, #tpu.memory_space<hbm>> -> memref<1x640x128xf32, #tpu.memory_space<hbm>>
      %dma_start3A_47 = tpu.memref_squeeze %dma_start3A_46 : memref<1x640x128xf32, #tpu.memory_space<hbm>> -> memref<640x128xf32, #tpu.memory_space<hbm>>
      %dma_start3A_48 = arith.constant 0 : i32
      %dma_start3A_49 = tpu.memref_slice %arg9[%mul3A_41, %dma_start3A_48] : memref<10240x128xf32, #tpu.memory_space<vmem_shared>> -> memref<640x128xf32, #tpu.memory_space<vmem_shared>>
      tpu.enqueue_dma source(%dma_start3A_49 : memref<640x128xf32, #tpu.memory_space<vmem_shared>>) target(%dma_start3A_47 : memref<640x128xf32, #tpu.memory_space<hbm>>) target_semaphore(%run_scoped3A_44 : memref<!tpu.dma_semaphore, #tpu.memory_space<semaphore_mem>>)
      %dma_wait3A_50 = arith.constant 0 : i32
      %dma_wait3A_51 = tpu.memref_slice %arg4[%arg0, %mul3A_43, %dma_wait3A_50] : memref<2x10240x128xf32, #tpu.memory_space<hbm>> -> memref<1x640x128xf32, #tpu.memory_space<hbm>>
      %dma_wait3A_52 = tpu.memref_squeeze %dma_wait3A_51 : memref<1x640x128xf32, #tpu.memory_space<hbm>> -> memref<640x128xf32, #tpu.memory_space<hbm>>
      %dma_wait3A_53 = arith.constant 0 : i32
      %dma_wait3A_54 = tpu.memref_slice %arg9[%mul3A_41, %dma_wait3A_53] : memref<10240x128xf32, #tpu.memory_space<vmem_shared>> -> memref<640x128xf32, #tpu.memory_space<vmem_shared>>
      tpu.wait_dma2 semaphore(%run_scoped3A_44 : memref<!tpu.dma_semaphore, #tpu.memory_space<semaphore_mem>>) src(%dma_wait3A_54 : memref<640x128xf32, #tpu.memory_space<vmem_shared>>) dst(%dma_wait3A_52 : memref<640x128xf32, #tpu.memory_space<hbm>>)
      tpu.yield
    }) : () -> ()
    return
  }
}

module attributes {stable_mosaic.version = 14 : i64} {
  func.func @body(%arg0: i32, %arg1: memref<2000x128xf32, #tpu.memory_space<vmem>>, %arg2: memref<128x128xf32, #tpu.memory_space<vmem>>, %arg3: memref<1x128xf32, #tpu.memory_space<vmem>>, %arg4: memref<2000x128xf32, #tpu.memory_space<vmem>>) attributes {dimension_semantics = [#tpu.dimension_semantics<arbitrary>], iteration_bounds = array<i64: 5>, scalar_prefetch = 0 : i64, scratch_operands = 0 : i64, tpu.core_type = #tpu.core_type<tc>, window_params = [{transform_indices = @transform_0, window_bounds = array<i64: 2000, 128>}, {pipeline_mode = #tpu.pipeline_mode<synchronous>, transform_indices = @transform_1, window_bounds = array<i64: 128, 128>}, {pipeline_mode = #tpu.pipeline_mode<synchronous>, transform_indices = @transform_2, window_bounds = array<i64: 1, 128>}, {transform_indices = @transform_3, window_bounds = array<i64: 2000, 128>}]} {
    %get3A = arith.constant 0 : index
    %get3A_0 = arith.constant 0 : index
    %get3A_1 = vector.load %arg1[%get3A, %get3A_0] : memref<2000x128xf32, #tpu.memory_space<vmem>>, vector<2000x128xf32>
    %get3A_2 = arith.constant 0 : index
    %get3A_3 = arith.constant 0 : index
    %get3A_4 = vector.load %arg2[%get3A_2, %get3A_3] : memref<128x128xf32, #tpu.memory_space<vmem>>, vector<128x128xf32>
    %dot_general3A = arith.constant dense<0.000000e+00> : vector<2000x128xf32>
    %dot_general3A_5 = tpu.matmul %get3A_1, %get3A_4, %dot_general3A {dimension_numbers = #tpu.dot_dimension_numbers<[1], [0], [0], [1], [0, 0, 1, 1], [], []>, transpose_lhs_hint = false} : vector<2000x128xf32>, vector<128x128xf32>, vector<2000x128xf32> -> vector<2000x128xf32>
    %get3A_6 = arith.constant 0 : index
    %get3A_7 = arith.constant 0 : index
    %get3A_8 = vector.load %arg3[%get3A_6, %get3A_7] : memref<1x128xf32, #tpu.memory_space<vmem>>, vector<1x128xf32>
    %add3A = vector.broadcast %get3A_8 : vector<1x128xf32> to vector<2000x128xf32>
    %add3A_9 = arith.addf %dot_general3A_5, %add3A : vector<2000x128xf32>
    %swap3A = arith.constant 0 : index
    %swap3A_10 = arith.constant 0 : index
    %swap3A_11 = vector.load %arg4[%swap3A, %swap3A_10] : memref<2000x128xf32, #tpu.memory_space<vmem>>, vector<2000x128xf32>
    tpu.vector_store %arg4[%swap3A, %swap3A_10], %add3A_9 {strides = array<i32>} : memref<2000x128xf32, #tpu.memory_space<vmem>>, vector<2000x128xf32>,
    return
  }
  func.func @transform_0(%arg0: i32) -> (i32, i32) {
    %c0_i32 = arith.constant 0 : i32
    %c0_i32_0 = arith.constant 0 : i32
    return %arg0, %c0_i32 : i32, i32
  }
  func.func @transform_1(%arg0: i32) -> (i32, i32) {
    %c0_i32 = arith.constant 0 : i32
    %c0_i32_0 = arith.constant 0 : i32
    %c0_i32_1 = arith.constant 0 : i32
    return %c0_i32, %c0_i32_0 : i32, i32
  }
  func.func @transform_2(%arg0: i32) -> (i32, i32) {
    %c0_i32 = arith.constant 0 : i32
    %c0_i32_0 = arith.constant 0 : i32
    %c0_i32_1 = arith.constant 0 : i32
    return %c0_i32, %c0_i32_0 : i32, i32
  }
  func.func @transform_3(%arg0: i32) -> (i32, i32) {
    %c0_i32 = arith.constant 0 : i32
    %c0_i32_0 = arith.constant 0 : i32
    return %arg0, %c0_i32 : i32, i32
  }
}

module attributes {stable_mosaic.version = 14 : i64} {
  func.func @body(%arg0: i32, %arg1: memref<2x2000x128xf32, #tpu.memory_space<vmem>>, %arg2: memref<2x2000x128xf32, #tpu.memory_space<vmem>>, %arg3: memref<16x128xf32, #tpu.memory_space<vmem>>, %arg4: memref<128x128xf32, #tpu.memory_space<vmem>>, %arg5: memref<1x128xf32, #tpu.memory_space<vmem>>, %arg6: memref<2000x128xf32, #tpu.memory_space<vmem>>) attributes {dimension_semantics = [#tpu.dimension_semantics<arbitrary>], iteration_bounds = array<i64: 5>, scalar_prefetch = 0 : i64, scratch_operands = 0 : i64, tpu.core_type = #tpu.core_type<tc>, window_params = [{transform_indices = @transform_0, window_bounds = array<i64: 2, 2000, 128>}, {transform_indices = @transform_1, window_bounds = array<i64: 2, 2000, 128>}, {pipeline_mode = #tpu.pipeline_mode<synchronous>, transform_indices = @transform_2, window_bounds = array<i64: 16, 128>}, {pipeline_mode = #tpu.pipeline_mode<synchronous>, transform_indices = @transform_3, window_bounds = array<i64: 128, 128>}, {pipeline_mode = #tpu.pipeline_mode<synchronous>, transform_indices = @transform_4, window_bounds = array<i64: 1, 128>}, {transform_indices = @transform_5, window_bounds = array<i64: 2000, 128>}]} {
    %get3A = arith.constant 0 : index
    %get3A_0 = arith.constant 0 : index
    %get3A_1 = arith.constant 0 : index
    %get3A_2 = vector.load %arg1[%get3A, %get3A_0, %get3A_1] : memref<2x2000x128xf32, #tpu.memory_space<vmem>>, vector<1x2000x128xf32>
    %get3A_3 = vector.shape_cast %get3A_2 : vector<1x2000x128xf32> to vector<2000x128xf32>
    %get3A_4 = arith.constant 1 : index
    %get3A_5 = arith.constant 0 : index
    %get3A_6 = arith.constant 0 : index
    %get3A_7 = vector.load %arg1[%get3A_4, %get3A_5, %get3A_6] : memref<2x2000x128xf32, #tpu.memory_space<vmem>>, vector<1x2000x128xf32>
    %get3A_8 = vector.shape_cast %get3A_7 : vector<1x2000x128xf32> to vector<2000x128xf32>
    %add3A = arith.addf %get3A_3, %get3A_8 : vector<2000x128xf32>
    %get3A_9 = arith.constant 0 : index
    %get3A_10 = arith.constant 0 : index
    %get3A_11 = arith.constant 0 : index
    %get3A_12 = vector.load %arg2[%get3A_9, %get3A_10, %get3A_11] : memref<2x2000x128xf32, #tpu.memory_space<vmem>>, vector<1x2000x16xf32>
    %get3A_13 = vector.shape_cast %get3A_12 : vector<1x2000x16xf32> to vector<2000x16xf32>
    %get3A_14 = arith.constant 1 : index
    %get3A_15 = arith.constant 0 : index
    %get3A_16 = arith.constant 0 : index
    %get3A_17 = vector.load %arg2[%get3A_14, %get3A_15, %get3A_16] : memref<2x2000x128xf32, #tpu.memory_space<vmem>>, vector<1x2000x16xf32>
    %get3A_18 = vector.shape_cast %get3A_17 : vector<1x2000x16xf32> to vector<2000x16xf32>
    %add3A_19 = arith.addf %get3A_13, %get3A_18 : vector<2000x16xf32>
    %get3A_20 = arith.constant 0 : index
    %get3A_21 = arith.constant 0 : index
    %get3A_22 = vector.load %arg3[%get3A_20, %get3A_21] : memref<16x128xf32, #tpu.memory_space<vmem>>, vector<16x128xf32>
    %dot_general3A = arith.constant dense<0.000000e+00> : vector<2000x128xf32>
    %dot_general3A_23 = tpu.matmul %add3A_19, %get3A_22, %dot_general3A {dimension_numbers = #tpu.dot_dimension_numbers<[1], [0], [0], [1], [0, 0, 1, 1], [], []>, transpose_lhs_hint = false} : vector<2000x16xf32>, vector<16x128xf32>, vector<2000x128xf32> -> vector<2000x128xf32>
    %add3A_24 = arith.addf %add3A, %dot_general3A_23 : vector<2000x128xf32>
    %max3A = arith.constant 0.000000e+00 : f32
    %max3A_25 = vector.broadcast %max3A : f32 to vector<2000x128xf32>
    %max3A_26 = arith.maximumf %add3A_24, %max3A_25 : vector<2000x128xf32>
    %get3A_27 = arith.constant 0 : index
    %get3A_28 = arith.constant 0 : index
    %get3A_29 = vector.load %arg4[%get3A_27, %get3A_28] : memref<128x128xf32, #tpu.memory_space<vmem>>, vector<128x128xf32>
    %dot_general3A_30 = arith.constant dense<0.000000e+00> : vector<2000x128xf32>
    %dot_general3A_31 = tpu.matmul %max3A_26, %get3A_29, %dot_general3A_30 {dimension_numbers = #tpu.dot_dimension_numbers<[1], [0], [0], [1], [0, 0, 1, 1], [], []>, transpose_lhs_hint = false} : vector<2000x128xf32>, vector<128x128xf32>, vector<2000x128xf32> -> vector<2000x128xf32>
    %get3A_32 = arith.constant 0 : index
    %get3A_33 = arith.constant 0 : index
    %get3A_34 = vector.load %arg5[%get3A_32, %get3A_33] : memref<1x128xf32, #tpu.memory_space<vmem>>, vector<1x128xf32>
    %add3A_35 = vector.broadcast %get3A_34 : vector<1x128xf32> to vector<2000x128xf32>
    %add3A_36 = arith.addf %dot_general3A_31, %add3A_35 : vector<2000x128xf32>
    %swap3A = arith.constant 0 : index
    %swap3A_37 = arith.constant 0 : index
    %swap3A_38 = vector.load %arg6[%swap3A, %swap3A_37] : memref<2000x128xf32, #tpu.memory_space<vmem>>, vector<2000x128xf32>
    tpu.vector_store %arg6[%swap3A, %swap3A_37], %add3A_36 {strides = array<i32>} : memref<2000x128xf32, #tpu.memory_space<vmem>>, vector<2000x128xf32>,
    return
  }
  func.func @transform_0(%arg0: i32) -> (i32, i32, i32) {
    %c0_i32 = arith.constant 0 : i32
    %c0_i32_0 = arith.constant 0 : i32
    %c0_i32_1 = arith.constant 0 : i32
    return %c0_i32, %arg0, %c0_i32_0 : i32, i32, i32
  }
  func.func @transform_1(%arg0: i32) -> (i32, i32, i32) {
    %c0_i32 = arith.constant 0 : i32
    %c0_i32_0 = arith.constant 0 : i32
    %c0_i32_1 = arith.constant 0 : i32
    return %c0_i32, %arg0, %c0_i32_0 : i32, i32, i32
  }
  func.func @transform_2(%arg0: i32) -> (i32, i32) {
    %c0_i32 = arith.constant 0 : i32
    %c0_i32_0 = arith.constant 0 : i32
    %c0_i32_1 = arith.constant 0 : i32
    return %c0_i32, %c0_i32_0 : i32, i32
  }
  func.func @transform_3(%arg0: i32) -> (i32, i32) {
    %c0_i32 = arith.constant 0 : i32
    %c0_i32_0 = arith.constant 0 : i32
    %c0_i32_1 = arith.constant 0 : i32
    return %c0_i32, %c0_i32_0 : i32, i32
  }
  func.func @transform_4(%arg0: i32) -> (i32, i32) {
    %c0_i32 = arith.constant 0 : i32
    %c0_i32_0 = arith.constant 0 : i32
    %c0_i32_1 = arith.constant 0 : i32
    return %c0_i32, %c0_i32_0 : i32, i32
  }
  func.func @transform_5(%arg0: i32) -> (i32, i32) {
    %c0_i32 = arith.constant 0 : i32
    %c0_i32_0 = arith.constant 0 : i32
    return %arg0, %c0_i32 : i32, i32
  }
}

module attributes {stable_mosaic.version = 14 : i64} {
  func.func @body(%arg0: i32, %arg1: memref<2x1000x128xf32, #tpu.memory_space<vmem>>, %arg2: memref<2x1000x128xf32, #tpu.memory_space<vmem>>, %arg3: memref<16x128xf32, #tpu.memory_space<vmem>>, %arg4: memref<1x1x1000xi32, #tpu.memory_space<vmem>>, %arg5: memref<128x2xf32, #tpu.memory_space<vmem>>, %arg6: memref<1x2xf32, #tpu.memory_space<vmem>>, %arg7: memref<64x2xf32, #tpu.memory_space<vmem>>, %arg8: memref<64x128xf32, #tpu.memory_space<vmem>>) attributes {dimension_semantics = [#tpu.dimension_semantics<arbitrary>], iteration_bounds = array<i64: 10>, scalar_prefetch = 0 : i64, scratch_operands = 1 : i64, tpu.core_type = #tpu.core_type<tc>, window_params = [{transform_indices = @transform_0, window_bounds = array<i64: 2, 1000, 128>}, {transform_indices = @transform_1, window_bounds = array<i64: 2, 1000, 128>}, {pipeline_mode = #tpu.pipeline_mode<synchronous>, transform_indices = @transform_2, window_bounds = array<i64: 16, 128>}, {transform_indices = @transform_3, window_bounds = array<i64: 1, 1, 1000>}, {pipeline_mode = #tpu.pipeline_mode<synchronous>, transform_indices = @transform_4, window_bounds = array<i64: 128, 2>}, {pipeline_mode = #tpu.pipeline_mode<synchronous>, transform_indices = @transform_5, window_bounds = array<i64: 1, 2>}, {pipeline_mode = #tpu.pipeline_mode<synchronous>, transform_indices = @transform_6, window_bounds = array<i64: 64, 2>}]} {
    %eq3A = arith.constant 0 : i32
    %eq3A_0 = arith.cmpi eq, %arg0, %eq3A : i32
    %convert_element_type3A = arith.extui %eq3A_0 : i1 to i32
    %cond3A = arith.constant 0 : i32
    %cond3A_1 = arith.cmpi ne, %convert_element_type3A, %cond3A : i32
    scf.if %cond3A_1 {
      %broadcast_in_dim3A_49 = arith.constant 0.000000e+00 : f32
      %broadcast_in_dim3A_50 = vector.broadcast %broadcast_in_dim3A_49 : f32 to vector<64x128xf32>
      %swap3A_51 = arith.constant 0 : index
      %swap3A_52 = arith.constant 0 : index
      %swap3A_53 = vector.load %arg8[%swap3A_51, %swap3A_52] : memref<64x128xf32, #tpu.memory_space<vmem>>, vector<64x128xf32>
      tpu.vector_store %arg8[%swap3A_51, %swap3A_52], %broadcast_in_dim3A_50 {strides = array<i32>} : memref<64x128xf32, #tpu.memory_space<vmem>>, vector<64x128xf32>,
    } else {
    }
    %get3A = arith.constant 0 : index
    %get3A_2 = arith.constant 0 : index
    %get3A_3 = arith.constant 0 : index
    %get3A_4 = vector.load %arg1[%get3A, %get3A_2, %get3A_3] : memref<2x1000x128xf32, #tpu.memory_space<vmem>>, vector<1x1000x128xf32>
    %get3A_5 = vector.shape_cast %get3A_4 : vector<1x1000x128xf32> to vector<1000x128xf32>
    %get3A_6 = arith.constant 1 : index
    %get3A_7 = arith.constant 0 : index
    %get3A_8 = arith.constant 0 : index
    %get3A_9 = vector.load %arg1[%get3A_6, %get3A_7, %get3A_8] : memref<2x1000x128xf32, #tpu.memory_space<vmem>>, vector<1x1000x128xf32>
    %get3A_10 = vector.shape_cast %get3A_9 : vector<1x1000x128xf32> to vector<1000x128xf32>
    %add3A = arith.addf %get3A_5, %get3A_10 : vector<1000x128xf32>
    %get3A_11 = arith.constant 0 : index
    %get3A_12 = arith.constant 0 : index
    %get3A_13 = arith.constant 0 : index
    %get3A_14 = vector.load %arg2[%get3A_11, %get3A_12, %get3A_13] : memref<2x1000x128xf32, #tpu.memory_space<vmem>>, vector<1x1000x16xf32>
    %get3A_15 = vector.shape_cast %get3A_14 : vector<1x1000x16xf32> to vector<1000x16xf32>
    %get3A_16 = arith.constant 1 : index
    %get3A_17 = arith.constant 0 : index
    %get3A_18 = arith.constant 0 : index
    %get3A_19 = vector.load %arg2[%get3A_16, %get3A_17, %get3A_18] : memref<2x1000x128xf32, #tpu.memory_space<vmem>>, vector<1x1000x16xf32>
    %get3A_20 = vector.shape_cast %get3A_19 : vector<1x1000x16xf32> to vector<1000x16xf32>
    %add3A_21 = arith.addf %get3A_15, %get3A_20 : vector<1000x16xf32>
    %get3A_22 = arith.constant 0 : index
    %get3A_23 = arith.constant 0 : index
    %get3A_24 = vector.load %arg3[%get3A_22, %get3A_23] : memref<16x128xf32, #tpu.memory_space<vmem>>, vector<16x128xf32>
    %dot_general3A = arith.constant dense<0.000000e+00> : vector<1000x128xf32>
    %dot_general3A_25 = tpu.matmul %add3A_21, %get3A_24, %dot_general3A {dimension_numbers = #tpu.dot_dimension_numbers<[1], [0], [0], [1], [0, 0, 1, 1], [], []>, transpose_lhs_hint = false} : vector<1000x16xf32>, vector<16x128xf32>, vector<1000x128xf32> -> vector<1000x128xf32>
    %add3A_26 = arith.addf %add3A, %dot_general3A_25 : vector<1000x128xf32>
    %get3A_27 = arith.constant 0 : index
    %get3A_28 = arith.constant 0 : index
    %get3A_29 = arith.constant 0 : index
    %get3A_30 = vector.load %arg4[%get3A_27, %get3A_28, %get3A_29] : memref<1x1x1000xi32, #tpu.memory_space<vmem>>, vector<1x1x1000xi32>
    %get3A_31 = vector.shape_cast %get3A_30 : vector<1x1x1000xi32> to vector<1000xi32>
    %broadcast_in_dim3A = vector.shape_cast %get3A_31 : vector<1000xi32> to vector<1x1000xi32>
    %iota3A = tpu.iota {dimensions = array<i32: 0>} : vector<64x1000xi32>
    %eq3A_32 = vector.broadcast %broadcast_in_dim3A : vector<1x1000xi32> to vector<64x1000xi32>
    %eq3A_33 = arith.cmpi eq, %eq3A_32, %iota3A : vector<64x1000xi32>
    %convert_element_type3A_34 = arith.extui %eq3A_33 : vector<64x1000xi1> to vector<64x1000xi32>
    %convert_element_type3A_35 = arith.sitofp %convert_element_type3A_34 : vector<64x1000xi32> to vector<64x1000xf32>
    %get3A_36 = arith.constant 0 : index
    %get3A_37 = arith.constant 0 : index
    %get3A_38 = vector.load %arg8[%get3A_36, %get3A_37] : memref<64x128xf32, #tpu.memory_space<vmem>>, vector<64x128xf32>
    %dot_general3A_39 = arith.constant dense<0.000000e+00> : vector<64x128xf32>
    %dot_general3A_40 = tpu.matmul %convert_element_type3A_35, %add3A_26, %dot_general3A_39 {dimension_numbers = #tpu.dot_dimension_numbers<[1], [0], [0], [1], [0, 0, 1, 1], [], []>, transpose_lhs_hint = false} : vector<64x1000xf32>, vector<1000x128xf32>, vector<64x128xf32> -> vector<64x128xf32>
    %add3A_41 = arith.addf %get3A_38, %dot_general3A_40 : vector<64x128xf32>
    %swap3A = arith.constant 0 : index
    %swap3A_42 = arith.constant 0 : index
    %swap3A_43 = vector.load %arg8[%swap3A, %swap3A_42] : memref<64x128xf32, #tpu.memory_space<vmem>>, vector<64x128xf32>
    tpu.vector_store %arg8[%swap3A, %swap3A_42], %add3A_41 {strides = array<i32>} : memref<64x128xf32, #tpu.memory_space<vmem>>, vector<64x128xf32>,
    %eq3A_44 = arith.constant 9 : i32
    %eq3A_45 = arith.cmpi eq, %arg0, %eq3A_44 : i32
    %convert_element_type3A_46 = arith.extui %eq3A_45 : i1 to i32
    %cond3A_47 = arith.constant 0 : i32
    %cond3A_48 = arith.cmpi ne, %convert_element_type3A_46, %cond3A_47 : i32
    scf.if %cond3A_48 {
      %get3A_49 = arith.constant 0 : index
      %get3A_50 = arith.constant 0 : index
      %get3A_51 = vector.load %arg8[%get3A_49, %get3A_50] : memref<64x128xf32, #tpu.memory_space<vmem>>, vector<64x128xf32>
      %get3A_52 = arith.constant 0 : index
      %get3A_53 = arith.constant 0 : index
      %get3A_54 = vector.load %arg5[%get3A_52, %get3A_53] : memref<128x2xf32, #tpu.memory_space<vmem>>, vector<128x2xf32>
      %dot_general3A_55 = arith.constant dense<0.000000e+00> : vector<64x2xf32>
      %dot_general3A_56 = tpu.matmul %get3A_51, %get3A_54, %dot_general3A_55 {dimension_numbers = #tpu.dot_dimension_numbers<[1], [0], [0], [1], [0, 0, 1, 1], [], []>, transpose_lhs_hint = false} : vector<64x128xf32>, vector<128x2xf32>, vector<64x2xf32> -> vector<64x2xf32>
      %get3A_57 = arith.constant 0 : index
      %get3A_58 = arith.constant 0 : index
      %get3A_59 = vector.load %arg6[%get3A_57, %get3A_58] : memref<1x2xf32, #tpu.memory_space<vmem>>, vector<1x2xf32>
      %add3A_60 = vector.broadcast %get3A_59 : vector<1x2xf32> to vector<64x2xf32>
      %add3A_61 = arith.addf %dot_general3A_56, %add3A_60 : vector<64x2xf32>
      %swap3A_62 = arith.constant 0 : index
      %swap3A_63 = arith.constant 0 : index
      %swap3A_64 = vector.load %arg7[%swap3A_62, %swap3A_63] : memref<64x2xf32, #tpu.memory_space<vmem>>, vector<64x2xf32>
      tpu.vector_store %arg7[%swap3A_62, %swap3A_63], %add3A_61 {strides = array<i32>} : memref<64x2xf32, #tpu.memory_space<vmem>>, vector<64x2xf32>,
    } else {
    }
    return
  }
  func.func @transform_0(%arg0: i32) -> (i32, i32, i32) {
    %c0_i32 = arith.constant 0 : i32
    %c0_i32_0 = arith.constant 0 : i32
    %c0_i32_1 = arith.constant 0 : i32
    return %c0_i32, %arg0, %c0_i32_0 : i32, i32, i32
  }
  func.func @transform_1(%arg0: i32) -> (i32, i32, i32) {
    %c0_i32 = arith.constant 0 : i32
    %c0_i32_0 = arith.constant 0 : i32
    %c0_i32_1 = arith.constant 0 : i32
    return %c0_i32, %arg0, %c0_i32_0 : i32, i32, i32
  }
  func.func @transform_2(%arg0: i32) -> (i32, i32) {
    %c0_i32 = arith.constant 0 : i32
    %c0_i32_0 = arith.constant 0 : i32
    %c0_i32_1 = arith.constant 0 : i32
    return %c0_i32, %c0_i32_0 : i32, i32
  }
  func.func @transform_3(%arg0: i32) -> (i32, i32, i32) {
    %c0_i32 = arith.constant 0 : i32
    %c0_i32_0 = arith.constant 0 : i32
    %c0_i32_1 = arith.constant 0 : i32
    return %arg0, %c0_i32, %c0_i32_0 : i32, i32, i32
  }
  func.func @transform_4(%arg0: i32) -> (i32, i32) {
    %c0_i32 = arith.constant 0 : i32
    %c0_i32_0 = arith.constant 0 : i32
    %c0_i32_1 = arith.constant 0 : i32
    return %c0_i32, %c0_i32_0 : i32, i32
  }
  func.func @transform_5(%arg0: i32) -> (i32, i32) {
    %c0_i32 = arith.constant 0 : i32
    %c0_i32_0 = arith.constant 0 : i32
    %c0_i32_1 = arith.constant 0 : i32
    return %c0_i32, %c0_i32_0 : i32, i32
  }
  func.func @transform_6(%arg0: i32) -> (i32, i32) {
    %c0_i32 = arith.constant 0 : i32
    %c0_i32_0 = arith.constant 0 : i32
    %c0_i32_1 = arith.constant 0 : i32
    return %c0_i32, %c0_i32_0 : i32, i32
  }
}

</mosaic_0001>

<sc_bundles>
// kernel: kernel.11.cloned.1.call-start
scs
__scs_entry_jumppad:
0x0: {  	(pc) =	sbr.rel $0x88, $3  }
0x1: {  	(tag) =	ssettag $0x0;
	lr =	simm.s32 $0x1  }
0x2: {  	[smem:$0x3F95] =	sst lr;
	_ =	strace $0xD0000000  }
0x3: {  	_ = 	snop  }
0x4: {  	_ = 	snop  }
0x5: {  	_ = 	snop  }
0x6: {  	_ = 	snop  }
0x7: {  	_ = 	snop  }
__scs_overlays_trampoline_lowered:
0x8: {  	[smem:$0x3FA4] =	sst s0  }
0x9: {  	[smem:$0x3FA5] =	sst s1  }
0xa: {  	[smem:$0x3FA6] =	sst s2  }
0xb: {  	[smem:$0x3FA7] =	sst s3  }
0xc: {  	[smem:$0x3FA8] =	sst s4  }
0xd: {  	[smem:$0x3FA9] =	sst s5  }
0xe: {  	[smem:$0x3FAA] =	sst s6  }
0xf: {  	[smem:$0x3FAB] =	sst s7  }
0x10: {  	[smem:$0x3FAC] =	sst s8  }
0x11: {  	[smem:$0x3FAD] =	sst s9;
	s0 =	simm.s32 @!p0 $0x0  }
0x12: {  	s1 =	sld [smem:$0x3F93];
	s0 =	simm.s32 @p0 $0x1  }
0x13: {  	[smem:$0x3FAE] =	sst s0;
	s0 =	simm.s32 @!p1 $0x0  }
0x14: {  	s2 =	sld [smem:$0x3F92];
	s0 =	simm.s32 @p1 $0x1  }
0x15: {  	[smem:$0x3FAF] =	sst s0;
	s0 =	simm.s32 @!p2 $0x0  }
0x16: {  	s3 =	sld [smem:$0x3FDB];
	s0 =	simm.s32 @p2 $0x1  }
0x17: {  	s4 =	simm.s32 $0x1BF5;
	[smem:$0x3FB1] =	sst s0  }
0x18: {  	s0 =	sld [smem:$0x3F94];
	_ =	swait.ge [sflag:s4], $0x0  }
0x19: {  	s7 =	sld [smem:$0x3F95]  }
0x1a: {  	s8 =	sadd.s32 $0xFFFFE003, lr  }
0x1b: {  	s9 =	sadd.s32 $0xFFFFFEF7, lr;
	s5 =	simm.s32 $0xFFFFFFFF;
	p2 =	slt.u32 s8, $0xFFFFF086  }
0x1c: {  	p1 =	slt.u32 s9, $0xF7A;
	s5 =	simm.s32 @!p2 $0x0  }
0x1d: {  	s5 =	simm.s32 @p1 $0x1;
	p0 =	seq.s32 s7, s2  }
0x1e: {  	s7 =	smul.u32 @!p0 $0xF7A, s2;
	p2 =	seq.s32 @!p0 s5, $0x0  }
0x1f: {  	s9 =	smul.u32 $0xF7A, s1;
	s8 =	simm.s32 @!p0 $0x1BF5;
	p2 =	por !p2, p0  }
0x20: {  	[sflag:s8] =	ssyncset.s32 @!p0 $0xFFFFF086;
	s6 =	sadd.s32 @!p0 s3, s7;
	s7 =	simm.s32 @!p0 $0x108  }
0x21: {  	s3 =	sadd.s32 s3, s9;
	s6 =	sadd.s32 @!p0 $0x88, s6;
	s7 =	simm.s32 @p2 $0x1082  }
0x22: {  	[simem:s7], [sflag:s8] =	dma.local @!p0 [hbm:s6], $0xF7A  }
0x23: {  	s9 =	sor.u32 $0xD0000000, s2;
	s6 =	simm.s32 $0x108;
	_ =	swait.ge @!p0 [sflag:s8], $0x0  }
0x24: {  	s3 =	sadd.s32 $0x88, s3;
	s6 =	simm.s32 @!p1 $0x1082;
	[sflag:s4] =	ssyncset.s32 $0xFFFFF086  }
0x25: {  	[simem:s6], [sflag:s4] =	dma.local [hbm:s3], $0xF7A  }
0x26: {  	[smem:$0x3F95] =	sst s1;
	(tag) =	ssettag s2;
	_ =	strace s9  }
0x27: {  	s1 =	sld [smem:$0x3FA5]  }
0x28: {  	s2 =	sld [smem:$0x3FA6]  }
0x29: {  	s4 =	sld [smem:$0x3FA8]  }
0x2a: {  	p0 =	seq.s32 s5, $0x0;
	s5 =	sld [smem:$0x3FA9]  }
0x2b: {  	s6 =	sld [smem:$0x3FAA]  }
0x2c: {  	s7 =	sld [smem:$0x3FAB]  }
0x2d: {  	s3 =	simm.s32 $0x108;
	s8 =	sld [smem:$0x3FAC]  }
0x2e: {  	s3 =	simm.s32 @!p0 $0x1082;
	s9 =	sld [smem:$0x3FAD]  }
0x2f: {  	lr =	sadd.s32 s0, s3;
	s0 =	sld [smem:$0x3FA4]  }
0x30: {  	s3 =	sld [smem:$0x3FA7]  }
0x31: {  	[smem:$0x3FB0] =	sst s10  }
0x32: {  	s10 =	sld [smem:$0x3FAE];
	_ =	sdelay $0x3  }
0x33: {  	p0 =	seq.s32 s10, $0x1;
	s10 =	sld [smem:$0x3FB0];
	_ =	sdelay $0x3  }
0x34: {  	[smem:$0x3FB0] =	sst s10  }
0x35: {  	s10 =	sld [smem:$0x3FAF];
	_ =	sdelay $0x3  }
0x36: {  	p1 =	seq.s32 s10, $0x1;
	s10 =	sld [smem:$0x3FB0];
	_ =	sdelay $0x3  }
0x37: {  	[smem:$0x3FB0] =	sst s10  }
0x38: {  	s10 =	sld [smem:$0x3FB1]  }
0x39: {  	_ = 	snop;
	(pc) =	sbr.ind lr, $3  }
0x3a: {  	_ = 	snop  }
0x3b: {  	_ = 	snop  }
0x3c: {  	p2 =	seq.s32 s10, $0x1;
	s10 =	sld [smem:$0x3FB0]  }
0x3d: {  	_ =	shalt  }
0x3e: {  	_ =	shalt  }
0x3f: {  	_ =	shalt  }
0x40: {  	_ =	shalt  }
0x41: {  	_ =	shalt  }
0x42: {  	_ =	shalt  }
0x43: {  	_ =	shalt  }
0x44: {  	_ =	shalt  }
0x45: {  	_ =	shalt  }
0x46: {  	_ =	shalt  }
0x47: {  	_ =	shalt  }
0x48: {  	_ =	shalt  }
0x49: {  	_ =	shalt  }
0x4a: {  	_ =	shalt  }
0x4b: {  	_ =	shalt  }
0x4c: {  	_ =	shalt  }
0x4d: {  	_ =	shalt  }
0x4e: {  	_ =	shalt  }
0x4f: {  	_ =	shalt  }
0x50: {  	_ =	shalt  }
0x51: {  	_ =	shalt  }
0x52: {  	_ =	shalt  }
0x53: {  	_ =	shalt  }
0x54: {  	_ =	shalt  }
0x55: {  	_ =	shalt  }
0x56: {  	_ =	shalt  }
0x57: {  	_ =	shalt  }
0x58: {  	_ =	shalt  }
0x59: {  	_ =	shalt  }
0x5a: {  	_ =	shalt  }
0x5b: {  	_ =	shalt  }
0x5c: {  	_ =	shalt  }
0x5d: {  	_ =	shalt  }
0x5e: {  	_ =	shalt  }
0x5f: {  	_ =	shalt  }
0x60: {  	_ =	shalt  }
0x61: {  	_ =	shalt  }
0x62: {  	_ =	shalt  }
0x63: {  	_ =	shalt  }
0x64: {  	_ =	shalt  }
0x65: {  	_ =	shalt  }
0x66: {  	_ =	shalt  }
0x67: {  	_ =	shalt  }
0x68: {  	_ =	shalt  }
0x69: {  	_ =	shalt  }
0x6a: {  	_ =	shalt  }
0x6b: {  	_ =	shalt  }
0x6c: {  	_ =	shalt  }
0x6d: {  	_ =	shalt  }
0x6e: {  	_ =	shalt  }
0x6f: {  	_ =	shalt  }
0x70: {  	_ =	shalt  }
0x71: {  	_ =	shalt  }
0x72: {  	_ =	shalt  }
0x73: {  	_ =	shalt  }
0x74: {  	_ =	shalt  }
0x75: {  	_ =	shalt  }
0x76: {  	_ =	shalt  }
0x77: {  	_ =	shalt  }
0x78: {  	_ =	shalt  }
0x79: {  	_ =	shalt  }
0x7a: {  	_ =	shalt  }
0x7b: {  	_ =	shalt  }
0x7c: {  	_ =	shalt  }
0x7d: {  	_ =	shalt  }
0x7e: {  	_ =	shalt  }
0x7f: {  	_ =	shalt  }
0x80: {  	_ =	shalt  }
0x81: {  	_ =	shalt  }
0x82: {  	_ =	shalt  }
0x83: {  	_ =	shalt  }
0x84: {  	_ =	shalt  }
0x85: {  	_ =	shalt  }
0x86: {  	_ =	shalt  }
0x87: {  	_ =	shalt  }
.Lfunc_end0:
.L_simem_size_0:
called_computation.1_lowered:
.L_overlay_start_0:
0x88: {  	s2 =	sld [smem:$0x3FD9]  }
0x89: {  	s3 =	sld [smem:$0x3FFE];
	_ =	sdelay $0x1  }
0x8a: {  	s1 =	srdreg.scid  }
0x8b: {  	s0 =	sand.u32 $0x1, s1  }
0x8c: {  	s17 =	sshll.u32 s0, $0xA;
	s2 =	sadd.s32 s3, s2  }
0x8d: {  	s2 =	sadd.s32 s2, s17  }
0x8e: {  	[smem:$0x3FBC] =	sst s2  }
0x8f: {  	_ = 	snop  }
0x90: {  	(tm) =	ssettm $0x1  }
0x91: {  	s18 =	sld [smem:$0x3FFB];
	_ =	sdelay $0x3  }
0x92: {  	_ =	strace s18  }
0x93: {  	s2 =	sld [smem:$0x3FFC];
	_ =	sdelay $0x3  }
0x94: {  	_ =	strace s2  }
0x95: {  	s2 =	sld [smem:$0x3FFD];
	_ =	sdelay $0x3  }
0x96: {  	_ =	strace s2  }
0x97: {  	_ =	strace $0x8FFFFFFF  }
0x98: {  	s19 =	sld [smem:$0x3FDB];
	_ =	sdelay $0x1  }
0x99: {  	s20 =	simm.s32 $_scs_section_size  }
0x9a: {  	s4 =	simm.s32 $_size__tile_overlayer_lowered;
	s5 =	simm.s32 $_tile_overlayer_lowered  }
0x9b: {  	s6 =	simm.s32 $0x1BFF;
	s21 =	sshll.u32 s5, $0x1;
	s3 =	sadd.s32 s20, s19  }
0x9c: {  	s22 =	simm.s32 $0x0;
	s4 =	sshll.u32 s4, $0x1;
	s5 =	sadd.s32 s21, s3  }
0x9d: {  	[timem:s22], [sflag:s6] =	dma.local [hbm:s5], s4  }
0x9e: {  	_ =	swait.ge [sflag:s6], s4  }
0x9f: {  	s4 =	ssub.s32 $0x0, s4;
	[sflag:s6] =	ssyncset.done $0x0  }
0xa0: {  	[sflag:s6] =	ssyncadd.s32 s4;
	_ =	sdelay $0x1  }
0xa1: {  	s23 =	simm.s32 $0x1B8B  }
0xa2: {  	_ =	swait.ge [sflag:s23], $0x1  }
0xa3: {  	[sflag:s23] =	ssyncset.done $0x0  }
0xa4: {  	[sflag:s23] =	ssyncadd.s32 $0xFFFFFFFF  }
0xa5: {  	s4 =	sld [smem:$0x0]  }
0xa6: {  	s5 =	sand.u32 $0xFFFFFFFE, s1  }
0xa7: {  	p0 =	sne.s32 s1, s5  }
0xa8: {  	s5 =	sshll.u32 @p0 s5, $0xE  }
0xa9: {  	s5 =	sadd.s32 @p0 $0x11B8D, s5;
	s6 =	sshll.u32 @p0 s4, $0x11  }
0xaa: {  	s5 =	sor.u32 @p0 s6, s5  }
0xab: {  	[sflag:s5] =	ssyncadd.remote.s32 @p0 $0x1;
	_ =	sdelay $0x1  }
0xac: {  	s5 =	simm.s32 @p0 $0x1B8D  }
0xad: {  	_ =	swait.eq @p0 [sflag:s5], $0x1  }
0xae: {  	[sflag:s5] =	ssyncadd.s32 @p0 $0xFFFFFFFF  }
0xaf: {  	s6 =	sshll.u32 @!p0 s1, $0xE  }
0xb0: {  	s6 =	sor.u32 @!p0 $0x4000, s6;
	s5 =	simm.s32 @!p0 $0x1B8D  }
0xb1: {  	s4 =	sshll.u32 @!p0 s4, $0x11;
	s6 =	sadd.s32 @!p0 $0x11B8D, s6;
	_ =	swait.eq @!p0 [sflag:s5], $0x1  }
0xb2: {  	s4 =	sor.u32 @!p0 s4, s6;
	[sflag:s5] =	ssyncadd.s32 @!p0 $0xFFFFFFFF  }
0xb3: {  	s25 =	simm.s32 $0x1B8E;
	s24 =	sld [smem:$0x3FFE];
	[sflag:s4] =	ssyncadd.remote.s32 @!p0 $0x1  }
0xb4: {  	s26 =	simm.s32 $execute0_lowered;
	[smem:$0x3FD2] =	sst s25  }
0xb5: {  	s5 =	sshll.u32 s26, $0x1;
	_ =	strace $0x80000049;
	[dreg:$0x1] =	wrdreg $0xFFFFFFFF  }
0xb6: {  	s28 =	simm.s32 $_size_execute0_lowered;
	s3 =	sadd.s32 s3, s5;
	[dreg:$0x0] =	wrdreg $0x0  }
0xb7: {  	s5 =	sshll.u32 s28, $0x1;
	[dreg:$0x2] =	wrdreg s3  }
0xb8: {  	[dreg:$0x3] =	wrdreg s5  }
0xb9: {  	[dreg:$0x4] =	wrdreg $0xC0  }
0xba: {  	_ =	task [dreg:s22], $0x5FFFF  }
0xbb: {  	[dreg:$0x1] =	wrdreg $0xFFFFFFFF  }
0xbc: {  	[dreg:$0x0] =	wrdreg $0x60  }
0xbd: {  	[dreg:$0x2] =	wrdreg s24  }
0xbe: {  	[dreg:$0x3] =	wrdreg $0xB0000  }
0xbf: {  	[dreg:$0x4] =	wrdreg $0xA  }
0xc0: {  	_ =	task.clear_ibuf [dreg:s22], $0x5FFFF;
	_ =	strace $0x90000049  }
0xc1: {  	s29 =	simm.s32 $0xA;
	_ =	strace $0x8000004B  }
0xc2: {  	_ =	swait.ge [sflag:s29], $0x1  }
0xc3: {  	[sflag:s29] =	ssyncadd.s32 $0xFFFFFFFF  }
0xc4: {  	_ =	strace $0x9000004B  }
0xc5: {  	_ =	sfence  }
0xc6: {  	s30 =	sld [smem:$0x0];
	_ =	sdelay $0x2  }
0xc7: {  	s31 =	sshll.u32 s1, $0xD;
	s1 =	sshrl.u32 s1, $0x2  }
0xc8: {  	s4 =	sand.u32 $0x4000, s31;
	s1 =	sadd.s32 s1, s30  }
0xc9: {  	s0 =	sor.u32 s4, s0;
	s1 =	sshll.u32 s1, $0x11  }
0xca: {  	s0 =	sor.u32 s1, s0  }
0xcb: {  	s0 =	sadd.s32 $0x8F2B, s0  }
0xcc: {  	[sflag:s0] =	ssyncadd.remote.s32 $0x1  }
0xcd: {  	_ =	sfence.sel $0xFFFF  }
0xce: {  	[dreg:$0x0] =	wrdreg $0xFFFFFFFF;
	(pc) =	sbr.abs _section_cstart, $3  }
0xcf: {  	[dreg:$0x1] =	wrdreg $0xFFFFFFFF  }
0xd0: {  	_ =	task.clear_ibuf [dreg:s22], $0x2FFFF;
	_ =	strace $0x9FFFFFFF  }
0xd1: {  	(tm) =	ssettm $0x7FFFFFFF  }
tec
execute0_lowered:
.L_overlay_start_1:
0x0: {  	(tag) =	ssettag $0x1  }
0x1: {  	s0 =	rddreg [dreg:$0x0]  }
0x2: {  	s1 =	rddreg [dreg:$0x1];
	s2 =	srdreg.scid;
	s3 =	simm.s32 $0x0  }
0x3: {  	s8 =	stileid.u32;
	s18 =	simm.s32 $0x6000;
	s19 =	simm.s32 $0x3  }
0x4: {  	s28 =	simm.s32 $0x1;
	s2 =	sand.u32 $0x1, s2;
	s6 =	smul.u32 $0x14000, s8  }
0x5: {  	[smem:$0x7FF] =	sst s3;
	s4 =	sshll.u32 s8, $0x1;
	s8 =	smul.u32 $0x50000, s8  }
0x6: {  	s29 =	simm.s32 $0x2;
	s5 =	smul.u32 $0x140000, s2;
	_ =	strace $0x8000004A  }
0x7: {  	s7 =	sor.u32 s2, s4;
	s4 =	sadd.s32 $0x7B400, s0;
	s2 =	ssub.s32 $0x2, s2  }
0x8: {  	s7 =	smul.u32 $0x5000, s7;
	s22 =	sshrl.u32 s2, $0x1;
	s8 =	sshrl.u32 s8, $0x2  }
0x9: {  	s5 =	sadd.s32 s6, s5;
	s2 =	ssub.s32 s2, s22;
	s8 =	sadd.s32 s8, s1  }
0xa: {  	s6 =	sshrl.u32 s5, $0x3;
	s5 =	sadd.s32 $0x3400, s0;
	s23 =	sshrl.u32 s7, $0x3  }
0xb: {  	s7 =	sadd.s32 $0xA0000, s7;
	s24 =	smax.u32 s2, $0x1;
	s25 =	sadd.s32 $0x2800, s8  }
0xc: {  	s26 =	sadd.s32 $0x5000, s8;
	s30 =	sadd.s32 $0x7800, s8;
	[dreg:$0x4] =	wrdreg s24  }
0xd: {  	s31 =	sadd.s32 $0xA000, s8;
	s15 =	sadd.s32 $0xC800, s8;
	[dreg:$0x5] =	wrdreg s25  }
0xe: {  	s16 =	sadd.s32 $0xF000, s8;
	s17 =	sadd.s32 $0x11800, s8;
	[dreg:$0x6] =	wrdreg s26  }
0xf: {  	s0 =	sadd.s32 s6, s0;
	s6 =	sadd.s32 s5, s23;
	[dreg:$0x7] =	wrdreg s30  }
0x10: {  	[dreg:$0x8] =	wrdreg s31;
	s25 =	simm.s32 $0x50;
	s0 =	sadd.s32 $0xA2600, s0  }
0x11: {  	v0 =	vimm.f32 $0.0e+00;
	s26 =	simm.s32 $0x8800;
	s20 =	sadd.s32 $0x200, s6;
	[dreg:$0x3] =	wrdreg s0  }
.LBB2_1:
0x12: {  	s0 =	simm.s32 $0x70;
	s2 =	simm.s32 $0x3C0  }
.LBB2_2:
0x13: {  	p0 =	sne.s32 s2, $0x9FC0;
	[tilespmem:s0+$0x6000] =	vst v0  }
0x14: {  	[tilespmem:s0+$0x5F90] =	vst v0  }
0x15: {  	[tilespmem:s0+$0x5FA0] =	vst v0  }
.Ltmp0:
0x16: {  	[tilespmem:s0+$0x5FB0] =	vst v0;
	(pc) =	sbr.rel @p0 .LBB2_2-.Ltmp0, $4  }
0x17: {  	[tilespmem:s0+$0x5FC0] =	vst v0  }
0x18: {  	[tilespmem:s0+$0x5FD0] =	vst v0  }
0x19: {  	[tilespmem:s0+$0x5FE0] =	vst v0  }
0x1a: {  	[tilespmem:s0+$0x5FF0] =	vst v0;
	s0 =	sshra.s32 s2, $0x2;
	s2 =	sadd.s32 $0x200, s2  }
0x1b: {  	[tilespmem:s0+$0x6000] =	vst v0  }
0x1c: {  	[tilespmem:s0+$0x5F90] =	vst v0  }
0x1d: {  	[tilespmem:s0+$0x5FA0] =	vst v0  }
0x1e: {  	[tilespmem:s0+$0x5FB0] =	vst v0  }
0x1f: {  	[tilespmem:s0+$0x5FC0] =	vst v0  }
0x20: {  	[tilespmem:s0+$0x5FD0] =	vst v0  }
0x21: {  	[tilespmem:s0+$0x5FE0] =	vst v0  }
0x22: {  	[tilespmem:s0+$0x5FF0] =	vst v0  }
0x23: {  	[spmem:s8] =	stream.linear.scatter [tilespmem:s18], [sflag:$0x3], $0x2800, $0x38;
	[tilespmem:$0x1F000] =	vst v63  }
0x24: {  	_ =	swait.ge [sflag:s19], $0x2800  }
0x25: {  	[sflag:s19] =	ssyncset.done $0x0  }
0x26: {  	s9 =	rddreg [dreg:$0x5];
	[sflag:s19] =	ssyncadd.s32 $0xFFFFD800  }
0x27: {  	[spmem:s9] =	stream.linear.scatter [tilespmem:s18], [sflag:$0x3], $0x2800, $0x38;
	[tilespmem:$0x1F000] =	vst v63  }
0x28: {  	_ =	swait.ge [sflag:s19], $0x2800  }
0x29: {  	[sflag:s19] =	ssyncset.done $0x0  }
0x2a: {  	s10 =	rddreg [dreg:$0x6];
	[sflag:s19] =	ssyncadd.s32 $0xFFFFD800  }
0x2b: {  	[spmem:s10] =	stream.linear.scatter [tilespmem:s18], [sflag:$0x3], $0x2800, $0x38;
	[tilespmem:$0x1F000] =	vst v63  }
0x2c: {  	_ =	swait.ge [sflag:s19], $0x2800  }
0x2d: {  	[sflag:s19] =	ssyncset.done $0x0  }
0x2e: {  	s11 =	rddreg [dreg:$0x7];
	[sflag:s19] =	ssyncadd.s32 $0xFFFFD800  }
0x2f: {  	[spmem:s11] =	stream.linear.scatter [tilespmem:s18], [sflag:$0x3], $0x2800, $0x38;
	[tilespmem:$0x1F000] =	vst v63  }
0x30: {  	_ =	swait.ge [sflag:s19], $0x2800  }
0x31: {  	[sflag:s19] =	ssyncset.done $0x0  }
0x32: {  	s12 =	rddreg [dreg:$0x8];
	[sflag:s19] =	ssyncadd.s32 $0xFFFFD800  }
0x33: {  	[spmem:s12] =	stream.linear.scatter [tilespmem:s18], [sflag:$0x3], $0x2800, $0x38;
	[tilespmem:$0x1F000] =	vst v63  }
0x34: {  	_ =	swait.ge [sflag:s19], $0x2800  }
0x35: {  	[sflag:s19] =	ssyncset.done $0x0  }
0x36: {  	[sflag:s19] =	ssyncadd.s32 $0xFFFFD800  }
0x37: {  	[spmem:s15] =	stream.linear.scatter [tilespmem:s18], [sflag:$0x3], $0x2800, $0x38;
	[tilespmem:$0x1F000] =	vst v63  }
0x38: {  	_ =	swait.ge [sflag:s19], $0x2800  }
0x39: {  	[sflag:s19] =	ssyncset.done $0x0  }
0x3a: {  	[sflag:s19] =	ssyncadd.s32 $0xFFFFD800  }
0x3b: {  	[spmem:s16] =	stream.linear.scatter [tilespmem:s18], [sflag:$0x3], $0x2800, $0x38;
	[tilespmem:$0x1F000] =	vst v63  }
0x3c: {  	_ =	swait.ge [sflag:s19], $0x2800  }
0x3d: {  	[sflag:s19] =	ssyncset.done $0x0  }
0x3e: {  	[sflag:s19] =	ssyncadd.s32 $0xFFFFD800  }
0x3f: {  	[spmem:s17] =	stream.linear.scatter [tilespmem:s18], [sflag:$0x3], $0x2800, $0x38;
	[tilespmem:$0x1F000] =	vst v63  }
0x40: {  	_ =	swait.ge [sflag:s19], $0x2800  }
0x41: {  	[sflag:s19] =	ssyncset.done $0x0  }
0x42: {  	[sflag:s19] =	ssyncadd.s32 $0xFFFFD800  }
0x43: {  	s13 =	simm.s32 $0x0;
	[bflag:$0x0] =	sbarrier.arrive $0xFFFF  }
0x44: {  	[tilespmem:s13], [sflag:$0x3] =	stream.linear.gather [hbm4b:s6+s13], $0xC80, $0x38;
	[tilespmem:$0x1F000] =	vst v63  }
0x45: {  	s2 =	simm.s32 $0x1000  }
0x46: {  	[tilespmem:s2], [sflag:$0x3] =	stream.linear.gather [hbm4b:s20+s13], $0xC80, $0x38;
	[tilespmem:$0x1F000] =	vst v63  }
0x47: {  	s14 =	sadd.s32 $0x400, s6;
	s2 =	simm.s32 $0x0  }
0x48: {  	s0 =	sshllo.u32 s13, $0x1;
	s9 =	simm.s32 $0x2000;
	s10 =	sand.u32 $0xFE, s2  }
0x49: {  	[tilespmem:s9], [sflag:$0x3] =	stream.linear.gather [hbm4b:s14+s13], $0xC80, $0x38;
	[tilespmem:$0x1F000] =	vst v63  }
0x4a: {  	s21 =	sadd.s32 $0x600, s6;
	s9 =	smul.u32 $0x29, s10;
	s10 =	sand.u32 $0xFF, s0  }
0x4b: {  	s22 =	simm.s32 $0x3000;
	s23 =	sadd.s32 $0x800, s6;
	s10 =	smul.u32 $0x29, s10  }
0x4c: {  	[tilespmem:s22], [sflag:$0x3] =	stream.linear.gather [hbm4b:s21+s13], $0xC80, $0x38;
	[tilespmem:$0x1F000] =	vst v63  }
0x4d: {  	s24 =	simm.s32 $0x4000;
	s11 =	simm.s32 $0x2;
	s9 =	sshrl.u32 s9, $0xA  }
0x4e: {  	s14 =	simm.s32 $0x1;
	s9 =	smul.u32 $0x19, s9;
	s10 =	sshrl.u32 s10, $0xA  }
0x4f: {  	[tilespmem:s24], [sflag:$0x3] =	stream.linear.gather [hbm4b:s23+s13], $0xC80, $0x38;
	[tilespmem:$0x1F000] =	vst v63  }
0x50: {  	s12 =	sand.u32 $0xFF, s11;
	s30 =	sshllo.u32 s14, $0x1;
	s21 =	smul.u32 $0x19, s10  }
0x51: {  	s10 =	sshll.u32 s10, $0xC;
	_ =	swait.ge [sflag:s19], $0x3E80;
	s9 =	ssub.s32 $0x0, s9  }
0x52: {  	[sflag:s19] =	ssyncset.done $0x0;
	s9 =	sand.u32 $0xFF, s9;
	s0 =	ssub.s32 s0, s21  }
0x53: {  	[sflag:s19] =	ssyncadd.s32 $0xFFFFC180;
	p0 =	sne.s32 s9, $0x0;
	s23 =	sand.u32 $0xFF, s0  }
0x54: {  	[tilespmem:s18], [sflag:$0x1] =	stream.indirect.gather [hbm4b:s4+s25], $0x80, s13, s25, $0xb8;
	[tilespmem:$0x1F000] =	vst v63  }
0x55: {  	s0 =	smul.u32 $0x29, s12;
	s2 =	sand.u32 @!p0 $0xFF, s2;
	s31 =	sshll.u32 s23, $0x7  }
0x56: {  	s9 =	sshll.u32 s9, $0x7;
	s2 =	smul.u32 @!p0 $0xA4, s2;
	s13 =	sor.u32 s31, s10  }
0x57: {  	[tilespmem:s26], [sflag:$0x2] =	stream.indirect.gather [hbm4b:s4+s25], $0x80, s13, s25, $0xb8;
	[tilespmem:$0x1F000] =	vst v63  }
0x58: {  	s12 =	sand.u32 $0xFF, s30;
	s21 =	simm.s32 @!p0 $0x0;
	s2 =	sand.u32 @!p0 $0xF000, s2  }
0x59: {  	s24 =	simm.s32 @!p0 $0x5000;
	_ =	swait.ge [sflag:s28], $0x2800;
	s2 =	sadd.s32 @!p0 s2, s7  }
0x5a: {  	s0 =	sshrl.u32 s0, $0xA;
	[sflag:s28] =	ssyncset.done $0x0;
	s2 =	sshrl.u32 @!p0 s2, $0x3  }
0x5b: {  	s22 =	smul.u32 $0x19, s0;
	[sflag:s28] =	ssyncadd.s32 $0xFFFFD800;
	s2 =	sadd.s32 @!p0 s5, s2  }
0x5c: {  	[tilespmem:s24], [sflag:$0x3] =	stream.linear.gather @!p0 [hbm4b:s2+s21], $0xC80, $0x38;
	[tilespmem:$0x1F000] =	vst v63  }
0x5d: {  	s9 =	sadd.s32 $0x5000, s9;
	s22 =	ssub.s32 $0x2, s22;
	s24 =	simm.s32 @!p0 $0x3  }
0x5e: {  	s0 =	sshll.u32 s0, $0xC;
	s22 =	sand.u32 $0xFF, s22;
	_ =	swait.ge @!p0 [sflag:s24], $0xC80  }
0x5f: {  	s13 =	smul.u32 $0x29, s12;
	s22 =	sshll.u32 s22, $0x7;
	[sflag:s24] =	ssyncset.done @!p0 $0x0  }
0x60: {  	s11 =	sor.u32 s22, s0;
	s22 =	simm.s32 $0x2;
	[sflag:s24] =	ssyncadd.s32 @!p0 $0xFFFFF380  }
0x61: {  	[spmem:s1] =	stream.indirect.scatter.add.f32 [tilespmem:s18], [sflag:$0x3], $0x80, s9, s25, $0xb8;
	[tilespmem:$0x1F000] =	vst v63  }
0x62: {  	s21 =	simm.s32 $0x2;
	s0 =	simm.s32 $0x4;
	s9 =	sand.u32 $0xFE, s22  }
0x63: {  	p0 =	sne.s32 s23, $0x0;
	_ =	swait.ge [sflag:s19], $0x2800;
	s2 =	smul.u32 $0x29, s9  }
0x64: {  	s10 =	sadd.s32 @!p0 s10, s7;
	s9 =	simm.s32 @!p0 $0x0;
	[sflag:s19] =	ssyncset.done $0x0  }
0x65: {  	s23 =	sshrl.u32 @!p0 s10, $0x3;
	[sflag:s19] =	ssyncadd.s32 $0xFFFFD800;
	s14 =	sshrl.u32 s2, $0xA  }
0x66: {  	[tilespmem:s18], [sflag:$0x1] =	stream.indirect.gather [hbm4b:s4+s25], $0x80, s11, s25, $0xb8;
	[tilespmem:$0x1F000] =	vst v63  }
0x67: {  	s2 =	sshrl.u32 s13, $0xA;
	s10 =	smul.u32 $0x19, s14;
	_ =	swait.ge [sflag:s29], $0x2800  }
.LBB2_4:
0x68: {  	s11 =	smul.u32 $0x19, s2  }
0x69: {  	s12 =	sadd.s32 @!p0 s5, s23;
	s24 =	smov.u32 s21;
	s21 =	sadd.s32 $0x1, s21  }
0x6a: {  	s23 =	sshll.u32 s2, $0xC;
	s13 =	simm.s32 @!p0 $0x5000;
	s14 =	simm.s32 @!p0 $0x3  }
0x6b: {  	s10 =	ssub.s32 s22, s10;
	s2 =	ssub.s32 s30, s11;
	[sflag:s29] =	ssyncset.done $0x0  }
0x6c: {  	s10 =	sand.u32 $0xFF, s10;
	s2 =	sand.u32 $0xFF, s2;
	[sflag:s29] =	ssyncadd.s32 $0xFFFFD800  }
0x6d: {  	[tilespmem:s13], [sflag:$0x3] =	stream.linear.gather @!p0 [hbm4b:s12+s9], $0xC80, $0x38;
	[tilespmem:$0x1F000] =	vst v63  }
0x6e: {  	s11 =	sshll.u32 s10, $0x7;
	s9 =	sshll.u32 s2, $0x7;
	_ =	swait.ge @!p0 [sflag:s14], $0xC80  }
0x6f: {  	p2 =	sne.s32 s10, $0x0;
	s12 =	sor.u32 s9, s23;
	[sflag:s14] =	ssyncset.done @!p0 $0x0  }
0x70: {  	s10 =	sand.u32 @!p2 $0xFF, s22;
	s13 =	sadd.s32 $0x5000, s31;
	[sflag:s14] =	ssyncadd.s32 @!p0 $0xFFFFF380  }
0x71: {  	[spmem:s1] =	stream.indirect.scatter.add.f32 [tilespmem:s26], [sflag:$0x3], $0x80, s13, s25, $0xb8;
	[tilespmem:$0x1F000] =	vst v63  }
0x72: {  	s10 =	smul.u32 @!p2 $0xA4, s10;
	s13 =	sand.u32 $0xFF, s0;
	_ =	swait.ge [sflag:s19], $0x2800  }
0x73: {  	s14 =	simm.s32 @!p2 $0x3;
	s13 =	smul.u32 $0x29, s13;
	[sflag:s19] =	ssyncset.done $0x0  }
0x74: {  	p1 =	sne.s32 s21, $0x3E;
	s10 =	sand.u32 @!p2 $0xF000, s10;
	[sflag:s19] =	ssyncadd.s32 $0xFFFFD800  }
0x75: {  	s31 =	smov.u32 s9;
	s10 =	sadd.s32 @!p2 s10, s7;
	s13 =	sshrl.u32 s13, $0xA  }
0x76: {  	s9 =	sshrl.u32 @!p2 s10, $0x3;
	s10 =	smul.u32 $0x19, s13  }
0x77: {  	[tilespmem:s26], [sflag:$0x2] =	stream.indirect.gather [hbm4b:s4+s25], $0x80, s12, s25, $0xb8;
	[tilespmem:$0x1F000] =	vst v63  }
0x78: {  	s9 =	sadd.s32 @!p2 s5, s9;
	s0 =	ssub.s32 s0, s10;
	_ =	swait.ge [sflag:s28], $0x2800  }
0x79: {  	s10 =	simm.s32 @!p2 $0x0;
	s12 =	simm.s32 @!p2 $0x5000;
	[sflag:s28] =	ssyncset.done $0x0  }
0x7a: {  	s13 =	sshll.u32 s13, $0xC;
	s0 =	sand.u32 $0xFF, s0;
	[sflag:s28] =	ssyncadd.s32 $0xFFFFD800  }
0x7b: {  	[tilespmem:s12], [sflag:$0x3] =	stream.linear.gather @!p2 [hbm4b:s9+s10], $0xC80, $0x38;
	[tilespmem:$0x1F000] =	vst v63  }
0x7c: {  	s0 =	sshll.u32 s0, $0x7;
	s9 =	sadd.s32 $0x5000, s11;
	_ =	swait.ge @!p2 [sflag:s14], $0xC80  }
0x7d: {  	s10 =	sor.u32 s0, s13;
	[sflag:s14] =	ssyncset.done @!p2 $0x0  }
0x7e: {  	s22 =	sshll.u32 s24, $0x1;
	[sflag:s14] =	ssyncadd.s32 @!p2 $0xFFFFF380  }
0x7f: {  	[spmem:s1] =	stream.indirect.scatter.add.f32 [tilespmem:s18], [sflag:$0x3], $0x80, s9, s25, $0xb8;
	[tilespmem:$0x1F000] =	vst v63  }
0x80: {  	s30 =	sshllo.u32 s24, $0x1;
	s9 =	sand.u32 $0xFE, s22;
	_ =	swait.ge [sflag:s19], $0x2800  }
0x81: {  	s0 =	sadd.s32 $0x2, s22;
	s11 =	smul.u32 $0x29, s9;
	[sflag:s19] =	ssyncset.done $0x0  }
.Ltmp1:
0x82: {  	p0 =	sne.s32 s2, $0x0;
	[sflag:s19] =	ssyncadd.s32 $0xFFFFD800;
	(pc) =	sbr.rel @p1 .LBB2_4-.Ltmp1, $4  }
0x83: {  	s2 =	sand.u32 $0xFF, s30;
	s12 =	sadd.s32 @!p0 s23, s7;
	s9 =	simm.s32 @!p0 $0x0  }
0x84: {  	s2 =	smul.u32 $0x29, s2;
	s23 =	sshrl.u32 @!p0 s12, $0x3;
	s11 =	sshrl.u32 s11, $0xA  }
0x85: {  	[tilespmem:s18], [sflag:$0x1] =	stream.indirect.gather [hbm4b:s4+s25], $0x80, s10, s25, $0xb8;
	[tilespmem:$0x1F000] =	vst v63  }
0x86: {  	s2 =	sshrl.u32 s2, $0xA;
	s10 =	smul.u32 $0x19, s11;
	_ =	swait.ge [sflag:s29], $0x2800  }
0x87: {  	[sflag:s29] =	ssyncset.done $0x0  }
0x88: {  	s11 =	sadd.s32 @!p0 s5, s23;
	s12 =	simm.s32 @!p0 $0x5000;
	[sflag:s29] =	ssyncadd.s32 $0xFFFFD800  }
0x89: {  	[tilespmem:s12], [sflag:$0x3] =	stream.linear.gather @!p0 [hbm4b:s11+s9], $0xC80, $0x38;
	[tilespmem:$0x1F000] =	vst v63  }
0x8a: {  	s14 =	smul.u32 $0x19, s2;
	s10 =	ssub.s32 s22, s10;
	s9 =	simm.s32 @!p0 $0x3  }
0x8b: {  	s21 =	sadd.s32 $0x5000, s31;
	s10 =	sand.u32 $0xFF, s10;
	_ =	swait.ge @!p0 [sflag:s9], $0xC80  }
0x8c: {  	s2 =	sshll.u32 s2, $0xC;
	p1 =	sne.s32 s10, $0x0;
	[sflag:s9] =	ssyncset.done @!p0 $0x0  }
0x8d: {  	s12 =	sand.u32 @!p1 $0xFF, s22;
	s22 =	ssub.s32 s30, s14;
	[sflag:s9] =	ssyncadd.s32 @!p0 $0xFFFFF380  }
0x8e: {  	[spmem:s1] =	stream.indirect.scatter.add.f32 [tilespmem:s26], [sflag:$0x3], $0x80, s21, s25, $0xb8;
	[tilespmem:$0x1F000] =	vst v63  }
0x8f: {  	s11 =	smul.u32 @!p1 $0xA4, s12;
	s9 =	sand.u32 $0xFF, s22;
	_ =	swait.ge [sflag:s19], $0x2800  }
0x90: {  	s24 =	sand.u32 $0xFF, s0;
	s23 =	sshll.u32 s9, $0x7;
	[sflag:s19] =	ssyncset.done $0x0  }
0x91: {  	s11 =	sand.u32 @!p1 $0xF000, s11;
	s13 =	sor.u32 s23, s2;
	[sflag:s19] =	ssyncadd.s32 $0xFFFFD800  }
0x92: {  	[tilespmem:s26], [sflag:$0x2] =	stream.indirect.gather [hbm4b:s4+s25], $0x80, s13, s25, $0xb8;
	[tilespmem:$0x1F000] =	vst v63  }
0x93: {  	s14 =	simm.s32 @!p1 $0x0;
	s11 =	sadd.s32 @!p1 s11, s7;
	_ =	swait.ge [sflag:s28], $0x2800  }
0x94: {  	s21 =	simm.s32 @!p1 $0x5000;
	s11 =	sshrl.u32 @!p1 s11, $0x3;
	[sflag:s28] =	ssyncset.done $0x0  }
0x95: {  	s13 =	smul.u32 $0x29, s24;
	s11 =	sadd.s32 @!p1 s5, s11;
	[sflag:s28] =	ssyncadd.s32 $0xFFFFD800  }
0x96: {  	[tilespmem:s21], [sflag:$0x3] =	stream.linear.gather @!p1 [hbm4b:s11+s14], $0xC80, $0x38;
	[tilespmem:$0x1F000] =	vst v63  }
0x97: {  	s13 =	sshrl.u32 s13, $0xA;
	s11 =	simm.s32 @!p1 $0x3  }
0x98: {  	s30 =	smul.u32 $0x19, s13;
	_ =	swait.ge @!p1 [sflag:s11], $0xC80  }
0x99: {  	s10 =	sshll.u32 s10, $0x7;
	[sflag:s11] =	ssyncset.done @!p1 $0x0  }
0x9a: {  	s10 =	sadd.s32 $0x5000, s10;
	s31 =	ssub.s32 s0, s30;
	[sflag:s11] =	ssyncadd.s32 @!p1 $0xFFFFF380  }
0x9b: {  	[spmem:s1] =	stream.indirect.scatter.add.f32 [tilespmem:s18], [sflag:$0x3], $0x80, s10, s25, $0xb8;
	[tilespmem:$0x1F000] =	vst v63  }
0x9c: {  	s0 =	sand.u32 $0xFF, s31;
	_ =	swait.ge [sflag:s19], $0x2800  }
0x9d: {  	s14 =	sshll.u32 s13, $0xC;
	s0 =	sshll.u32 s0, $0x7;
	[sflag:s19] =	ssyncset.done $0x0  }
0x9e: {  	p0 =	sne.s32 s9, $0x0;
	s0 =	sor.u32 s0, s14;
	[sflag:s19] =	ssyncadd.s32 $0xFFFFD800  }
0x9f: {  	[tilespmem:s18], [sflag:$0x1] =	stream.indirect.gather [hbm4b:s4+s25], $0x80, s0, s25, $0xb8;
	[tilespmem:$0x1F000] =	vst v63  }
0xa0: {  	s0 =	sadd.s32 @!p0 s2, s7;
	_ =	swait.ge [sflag:s29], $0x2800  }
0xa1: {  	s9 =	simm.s32 @!p0 $0x5000;
	s0 =	sshrl.u32 @!p0 s0, $0x3;
	[sflag:s29] =	ssyncset.done $0x0  }
0xa2: {  	s2 =	simm.s32 @!p0 $0x0;
	s0 =	sadd.s32 @!p0 s5, s0;
	[sflag:s29] =	ssyncadd.s32 $0xFFFFD800  }
0xa3: {  	[tilespmem:s9], [sflag:$0x3] =	stream.linear.gather @!p0 [hbm4b:s0+s2], $0xC80, $0x38;
	[tilespmem:$0x1F000] =	vst v63  }
0xa4: {  	s0 =	simm.s32 @!p0 $0x3  }
0xa5: {  	_ =	swait.ge @!p0 [sflag:s0], $0xC80  }
0xa6: {  	[sflag:s0] =	ssyncset.done @!p0 $0x0  }
0xa7: {  	s21 =	sadd.s32 $0x5000, s23;
	[sflag:s0] =	ssyncadd.s32 @!p0 $0xFFFFF380  }
0xa8: {  	[spmem:s1] =	stream.indirect.scatter.add.f32 [tilespmem:s26], [sflag:$0x3], $0x80, s21, s25, $0xb8;
	[tilespmem:$0x1F000] =	vst v63  }
0xa9: {  	_ =	swait.ge [sflag:s19], $0x2800  }
0xaa: {  	[sflag:s19] =	ssyncset.done $0x0  }
0xab: {  	[sflag:s19] =	ssyncadd.s32 $0xFFFFD800  }
0xac: {  	_ =	swait.ge [sflag:s28], $0x2800  }
0xad: {  	[sflag:s28] =	ssyncset.done $0x0  }
0xae: {  	s22 =	simm.s32 $0x5C00;
	[sflag:s28] =	ssyncadd.s32 $0xFFFFD800  }
0xaf: {  	[spmem:s1] =	stream.indirect.scatter.add.f32 [tilespmem:s18], [sflag:$0x3], $0x80, s22, s25, $0xb8;
	[tilespmem:$0x1F000] =	vst v63  }
0xb0: {  	_ =	swait.ge [sflag:s19], $0x2800  }
0xb1: {  	[sflag:s19] =	ssyncset.done $0x0  }
0xb2: {  	s23 =	stileid.u32;
	[sflag:s19] =	ssyncadd.s32 $0xFFFFD800  }
0xb3: {  	s0 =	sshll.u32 s23, $0x6;
	[bflag:$0x0] =	sbarrier.arrive $0xFFFF  }
0xb4: {  	s24 =	sshrl.u32 s8, $0x3;
	s0 =	sor.u32 $0x1C03, s0;
	s30 =	rddreg [dreg:$0x3]  }
0xb5: {  	[hbm:s30], [sflag:s0] =	dma.local [spmem:s24], $0x2800  }
0xb6: {  	_ =	swait.ge [sflag:s19], $0x2800  }
0xb7: {  	s3 =	sadd.s32 $0x1, s3;
	s31 =	rddreg [dreg:$0x4]  }
0xb8: {  	p0 =	sne.s32 s3, s31  }
.Ltmp2:
0xb9: {  	_ = 	snop;
	(pc) =	sbr.rel @p0 .LBB2_1-.Ltmp2, $3  }
0xba: {  	_ =	sdelay $0x1  }
0xbb: {  	[sflag:s19] =	ssyncset.done $0x0  }
0xbc: {  	[sflag:s19] =	ssyncadd.s32 $0xFFFFD800  }
0xbd: {  	_ =	sfence.sel $0x180000  }
0xbe: {  	[bflag:$0x0] =	sbarrier.arrive $0xFFFF  }
0xbf: {  	_ =	strace $0x9000004A  }
0xc0: {  	s0 =	stileid.u32;
	[bflag:$0x2] =	sbarrier.arrive $0xFFFF  }
0xc1: {  	p0 =	sne.s32 s0, $0x0;
	s0 =	rddreg [dreg:$0x2]  }
0xc2: {  	s0 =	sadd.s32 @!p0 $0x100000, s0  }
0xc3: {  	[sflag:s0] =	ssyncadd.tile.s32 @!p0 $0x1;
	_ =	shalt  }
.Lfunc_end2:
_tile_overlayer_lowered:
.L_overlay_start_2:
0xc4: {  	(tag) =	ssettag $0x2  }
0xc5: {  	s0 =	rddreg [dreg:$0x0];
	s2 =	stileid.u32  }
0xc6: {  	s1 =	rddreg [dreg:$0x1];
	p0 =	sne.s32 s2, $0x0  }
0xc7: {  	s3 =	rddreg [dreg:$0x2];
	[bflag:$0x3] =	sbarrier.arrive $0xFFFF;
	s2 =	simm.s32 @!p0 $0x1C03  }
0xc8: {  	[timem:s3], [sflag:s2] =	dma.local @!p0 [hbm:s0], s1  }
0xc9: {  	s0 =	simm.s32 @!p0 $0x3  }
0xca: {  	_ =	swait.ge @!p0 [sflag:s0], s1  }
0xcb: {  	s1 =	ssub.s32 @!p0 $0x0, s1;
	[sflag:s0] =	ssyncset.done @!p0 $0x0  }
0xcc: {  	[sflag:s0] =	ssyncadd.s32 @!p0 s1  }
0xcd: {  	[bflag:$0x3] =	sbarrier.arrive $0xFFFF  }
0xce: {  	_ =	shalt  }

// kernel: kernel.14.cloned.1.call-start
scs
__scs_entry_jumppad:
0x0: {  	(pc) =	sbr.rel $0x88, $3  }
0x1: {  	(tag) =	ssettag $0x0;
	lr =	simm.s32 $0x1  }
0x2: {  	[smem:$0x3F95] =	sst lr;
	_ =	strace $0xD0000000  }
0x3: {  	_ = 	snop  }
0x4: {  	_ = 	snop  }
0x5: {  	_ = 	snop  }
0x6: {  	_ = 	snop  }
0x7: {  	_ = 	snop  }
__scs_overlays_trampoline_lowered:
0x8: {  	[smem:$0x3FA4] =	sst s0  }
0x9: {  	[smem:$0x3FA5] =	sst s1  }
0xa: {  	[smem:$0x3FA6] =	sst s2  }
0xb: {  	[smem:$0x3FA7] =	sst s3  }
0xc: {  	[smem:$0x3FA8] =	sst s4  }
0xd: {  	[smem:$0x3FA9] =	sst s5  }
0xe: {  	[smem:$0x3FAA] =	sst s6  }
0xf: {  	[smem:$0x3FAB] =	sst s7  }
0x10: {  	[smem:$0x3FAC] =	sst s8  }
0x11: {  	[smem:$0x3FAD] =	sst s9;
	s0 =	simm.s32 @!p0 $0x0  }
0x12: {  	s1 =	sld [smem:$0x3F93];
	s0 =	simm.s32 @p0 $0x1  }
0x13: {  	[smem:$0x3FAE] =	sst s0;
	s0 =	simm.s32 @!p1 $0x0  }
0x14: {  	s2 =	sld [smem:$0x3F92];
	s0 =	simm.s32 @p1 $0x1  }
0x15: {  	[smem:$0x3FAF] =	sst s0;
	s0 =	simm.s32 @!p2 $0x0  }
0x16: {  	s3 =	sld [smem:$0x3FDB];
	s0 =	simm.s32 @p2 $0x1  }
0x17: {  	s4 =	simm.s32 $0x1BF5;
	[smem:$0x3FB1] =	sst s0  }
0x18: {  	s0 =	sld [smem:$0x3F94];
	_ =	swait.ge [sflag:s4], $0x0  }
0x19: {  	s7 =	sld [smem:$0x3F95]  }
0x1a: {  	s8 =	sadd.s32 $0xFFFFE003, lr  }
0x1b: {  	s9 =	sadd.s32 $0xFFFFFEF7, lr;
	s5 =	simm.s32 $0xFFFFFFFF;
	p2 =	slt.u32 s8, $0xFFFFF086  }
0x1c: {  	p1 =	slt.u32 s9, $0xF7A;
	s5 =	simm.s32 @!p2 $0x0  }
0x1d: {  	s5 =	simm.s32 @p1 $0x1;
	p0 =	seq.s32 s7, s2  }
0x1e: {  	s7 =	smul.u32 @!p0 $0xF7A, s2;
	p2 =	seq.s32 @!p0 s5, $0x0  }
0x1f: {  	s9 =	smul.u32 $0xF7A, s1;
	s8 =	simm.s32 @!p0 $0x1BF5;
	p2 =	por !p2, p0  }
0x20: {  	[sflag:s8] =	ssyncset.s32 @!p0 $0xFFFFF086;
	s6 =	sadd.s32 @!p0 s3, s7;
	s7 =	simm.s32 @!p0 $0x108  }
0x21: {  	s3 =	sadd.s32 s3, s9;
	s6 =	sadd.s32 @!p0 $0x88, s6;
	s7 =	simm.s32 @p2 $0x1082  }
0x22: {  	[simem:s7], [sflag:s8] =	dma.local @!p0 [hbm:s6], $0xF7A  }
0x23: {  	s9 =	sor.u32 $0xD0000000, s2;
	s6 =	simm.s32 $0x108;
	_ =	swait.ge @!p0 [sflag:s8], $0x0  }
0x24: {  	s3 =	sadd.s32 $0x88, s3;
	s6 =	simm.s32 @!p1 $0x1082;
	[sflag:s4] =	ssyncset.s32 $0xFFFFF086  }
0x25: {  	[simem:s6], [sflag:s4] =	dma.local [hbm:s3], $0xF7A  }
0x26: {  	[smem:$0x3F95] =	sst s1;
	(tag) =	ssettag s2;
	_ =	strace s9  }
0x27: {  	s1 =	sld [smem:$0x3FA5]  }
0x28: {  	s2 =	sld [smem:$0x3FA6]  }
0x29: {  	s4 =	sld [smem:$0x3FA8]  }
0x2a: {  	p0 =	seq.s32 s5, $0x0;
	s5 =	sld [smem:$0x3FA9]  }
0x2b: {  	s6 =	sld [smem:$0x3FAA]  }
0x2c: {  	s7 =	sld [smem:$0x3FAB]  }
0x2d: {  	s3 =	simm.s32 $0x108;
	s8 =	sld [smem:$0x3FAC]  }
0x2e: {  	s3 =	simm.s32 @!p0 $0x1082;
	s9 =	sld [smem:$0x3FAD]  }
0x2f: {  	lr =	sadd.s32 s0, s3;
	s0 =	sld [smem:$0x3FA4]  }
0x30: {  	s3 =	sld [smem:$0x3FA7]  }
0x31: {  	[smem:$0x3FB0] =	sst s10  }
0x32: {  	s10 =	sld [smem:$0x3FAE];
	_ =	sdelay $0x3  }
0x33: {  	p0 =	seq.s32 s10, $0x1;
	s10 =	sld [smem:$0x3FB0];
	_ =	sdelay $0x3  }
0x34: {  	[smem:$0x3FB0] =	sst s10  }
0x35: {  	s10 =	sld [smem:$0x3FAF];
	_ =	sdelay $0x3  }
0x36: {  	p1 =	seq.s32 s10, $0x1;
	s10 =	sld [smem:$0x3FB0];
	_ =	sdelay $0x3  }
0x37: {  	[smem:$0x3FB0] =	sst s10  }
0x38: {  	s10 =	sld [smem:$0x3FB1]  }
0x39: {  	_ = 	snop;
	(pc) =	sbr.ind lr, $3  }
0x3a: {  	_ = 	snop  }
0x3b: {  	_ = 	snop  }
0x3c: {  	p2 =	seq.s32 s10, $0x1;
	s10 =	sld [smem:$0x3FB0]  }
0x3d: {  	_ =	shalt  }
0x3e: {  	_ =	shalt  }
0x3f: {  	_ =	shalt  }
0x40: {  	_ =	shalt  }
0x41: {  	_ =	shalt  }
0x42: {  	_ =	shalt  }
0x43: {  	_ =	shalt  }
0x44: {  	_ =	shalt  }
0x45: {  	_ =	shalt  }
0x46: {  	_ =	shalt  }
0x47: {  	_ =	shalt  }
0x48: {  	_ =	shalt  }
0x49: {  	_ =	shalt  }
0x4a: {  	_ =	shalt  }
0x4b: {  	_ =	shalt  }
0x4c: {  	_ =	shalt  }
0x4d: {  	_ =	shalt  }
0x4e: {  	_ =	shalt  }
0x4f: {  	_ =	shalt  }
0x50: {  	_ =	shalt  }
0x51: {  	_ =	shalt  }
0x52: {  	_ =	shalt  }
0x53: {  	_ =	shalt  }
0x54: {  	_ =	shalt  }
0x55: {  	_ =	shalt  }
0x56: {  	_ =	shalt  }
0x57: {  	_ =	shalt  }
0x58: {  	_ =	shalt  }
0x59: {  	_ =	shalt  }
0x5a: {  	_ =	shalt  }
0x5b: {  	_ =	shalt  }
0x5c: {  	_ =	shalt  }
0x5d: {  	_ =	shalt  }
0x5e: {  	_ =	shalt  }
0x5f: {  	_ =	shalt  }
0x60: {  	_ =	shalt  }
0x61: {  	_ =	shalt  }
0x62: {  	_ =	shalt  }
0x63: {  	_ =	shalt  }
0x64: {  	_ =	shalt  }
0x65: {  	_ =	shalt  }
0x66: {  	_ =	shalt  }
0x67: {  	_ =	shalt  }
0x68: {  	_ =	shalt  }
0x69: {  	_ =	shalt  }
0x6a: {  	_ =	shalt  }
0x6b: {  	_ =	shalt  }
0x6c: {  	_ =	shalt  }
0x6d: {  	_ =	shalt  }
0x6e: {  	_ =	shalt  }
0x6f: {  	_ =	shalt  }
0x70: {  	_ =	shalt  }
0x71: {  	_ =	shalt  }
0x72: {  	_ =	shalt  }
0x73: {  	_ =	shalt  }
0x74: {  	_ =	shalt  }
0x75: {  	_ =	shalt  }
0x76: {  	_ =	shalt  }
0x77: {  	_ =	shalt  }
0x78: {  	_ =	shalt  }
0x79: {  	_ =	shalt  }
0x7a: {  	_ =	shalt  }
0x7b: {  	_ =	shalt  }
0x7c: {  	_ =	shalt  }
0x7d: {  	_ =	shalt  }
0x7e: {  	_ =	shalt  }
0x7f: {  	_ =	shalt  }
0x80: {  	_ =	shalt  }
0x81: {  	_ =	shalt  }
0x82: {  	_ =	shalt  }
0x83: {  	_ =	shalt  }
0x84: {  	_ =	shalt  }
0x85: {  	_ =	shalt  }
0x86: {  	_ =	shalt  }
0x87: {  	_ =	shalt  }
.Lfunc_end0:
.L_simem_size_0:
called_computation.2_lowered:
.L_overlay_start_0:
0x88: {  	s2 =	sld [smem:$0x3FD9]  }
0x89: {  	s3 =	sld [smem:$0x3FFE];
	_ =	sdelay $0x1  }
0x8a: {  	s1 =	srdreg.scid  }
0x8b: {  	s0 =	sand.u32 $0x1, s1  }
0x8c: {  	s16 =	sshll.u32 s0, $0xA;
	s2 =	sadd.s32 s3, s2  }
0x8d: {  	s2 =	sadd.s32 s2, s16  }
0x8e: {  	[smem:$0x3FBC] =	sst s2  }
0x8f: {  	_ = 	snop  }
0x90: {  	(tm) =	ssettm $0x1  }
0x91: {  	s17 =	sld [smem:$0x3FFB];
	_ =	sdelay $0x3  }
0x92: {  	_ =	strace s17  }
0x93: {  	s2 =	sld [smem:$0x3FFC];
	_ =	sdelay $0x3  }
0x94: {  	_ =	strace s2  }
0x95: {  	s2 =	sld [smem:$0x3FFD];
	_ =	sdelay $0x3  }
0x96: {  	_ =	strace s2  }
0x97: {  	_ =	strace $0x8FFFFFFF  }
0x98: {  	s18 =	sld [smem:$0x3FDB];
	_ =	sdelay $0x1  }
0x99: {  	s19 =	simm.s32 $_scs_section_size  }
0x9a: {  	s4 =	simm.s32 $_size__tile_overlayer_lowered;
	s5 =	simm.s32 $_tile_overlayer_lowered  }
0x9b: {  	s22 =	simm.s32 $0x1BFF;
	s21 =	sshll.u32 s5, $0x1;
	s2 =	sadd.s32 s19, s18  }
0x9c: {  	s6 =	simm.s32 $0x0;
	s20 =	sshll.u32 s4, $0x1;
	s4 =	sadd.s32 s21, s2  }
0x9d: {  	[timem:s6], [sflag:s22] =	dma.local [hbm:s4], s20  }
0x9e: {  	_ =	swait.ge [sflag:s22], s20  }
0x9f: {  	s3 =	ssub.s32 $0x0, s20;
	[sflag:s22] =	ssyncset.done $0x0  }
0xa0: {  	[sflag:s22] =	ssyncadd.s32 s3;
	_ =	sdelay $0x1  }
0xa1: {  	s23 =	simm.s32 $0x1B8B  }
0xa2: {  	_ =	swait.ge [sflag:s23], $0x1  }
0xa3: {  	[sflag:s23] =	ssyncset.done $0x0  }
0xa4: {  	s25 =	simm.s32 $0x1B8E;
	s24 =	sld [smem:$0x3FFE];
	[sflag:s23] =	ssyncadd.s32 $0xFFFFFFFF  }
0xa5: {  	s26 =	simm.s32 $execute0_lowered;
	[smem:$0x3FD2] =	sst s25  }
0xa6: {  	s4 =	sshll.u32 s26, $0x1;
	_ =	strace $0x8000004C;
	[dreg:$0x1] =	wrdreg $0xFFFFFFFF  }
0xa7: {  	s28 =	simm.s32 $_size_execute0_lowered;
	s2 =	sadd.s32 s2, s4;
	[dreg:$0x0] =	wrdreg $0x0  }
0xa8: {  	s4 =	sshll.u32 s28, $0x1;
	[dreg:$0x2] =	wrdreg s2  }
0xa9: {  	[dreg:$0x3] =	wrdreg s4  }
0xaa: {  	[dreg:$0x4] =	wrdreg $0xC0  }
0xab: {  	_ =	task [dreg:s6], $0x5FFFF  }
0xac: {  	[dreg:$0x1] =	wrdreg $0xFFFFFFFF  }
0xad: {  	[dreg:$0x0] =	wrdreg $0x60  }
0xae: {  	[dreg:$0x2] =	wrdreg s24  }
0xaf: {  	[dreg:$0x3] =	wrdreg $0xB0000  }
0xb0: {  	[dreg:$0x4] =	wrdreg $0x9  }
0xb1: {  	_ =	task.clear_ibuf [dreg:s6], $0x5FFFF;
	_ =	strace $0x9000004C  }
0xb2: {  	s29 =	simm.s32 $0x9;
	_ =	strace $0x8000004E  }
0xb3: {  	_ =	swait.ge [sflag:s29], $0x1  }
0xb4: {  	[sflag:s29] =	ssyncadd.s32 $0xFFFFFFFF  }
0xb5: {  	_ =	strace $0x9000004E  }
0xb6: {  	_ =	sfence  }
0xb7: {  	s30 =	sld [smem:$0x0];
	_ =	sdelay $0x2  }
0xb8: {  	s31 =	sshll.u32 s1, $0xD;
	s1 =	sshrl.u32 s1, $0x2  }
0xb9: {  	s3 =	sand.u32 $0x4000, s31;
	s1 =	sadd.s32 s1, s30  }
0xba: {  	s0 =	sor.u32 s3, s0;
	s1 =	sshll.u32 s1, $0x11  }
0xbb: {  	s0 =	sor.u32 s1, s0  }
0xbc: {  	s0 =	sadd.s32 $0x8F2B, s0  }
0xbd: {  	[sflag:s0] =	ssyncadd.remote.s32 $0x1  }
0xbe: {  	_ =	sfence.sel $0xFFFF  }
0xbf: {  	[dreg:$0x0] =	wrdreg $0xFFFFFFFF;
	(pc) =	sbr.abs _section_cstart, $3  }
0xc0: {  	[dreg:$0x1] =	wrdreg $0xFFFFFFFF  }
0xc1: {  	_ =	task.clear_ibuf [dreg:s6], $0x2FFFF;
	_ =	strace $0x9FFFFFFF  }
0xc2: {  	(tm) =	ssettm $0x7FFFFFFF  }
0xc3: {  	_ =	shalt  }
tec
execute0_lowered:
.L_overlay_start_1:
0x0: {  	(tag) =	ssettag $0x1  }
0x1: {  	s0 =	rddreg [dreg:$0x0]  }
0x2: {  	s1 =	rddreg [dreg:$0x1];
	s2 =	srdreg.scid;
	s3 =	simm.s32 $0x0  }
0x3: {  	s8 =	stileid.u32;
	s18 =	simm.s32 $0x6000;
	s19 =	simm.s32 $0x3  }
0x4: {  	s28 =	simm.s32 $0x1;
	s2 =	sand.u32 $0x1, s2;
	s6 =	smul.u32 $0x14000, s8  }
0x5: {  	[smem:$0x7FF] =	sst s3;
	s4 =	sshll.u32 s8, $0x1;
	s8 =	smul.u32 $0x50000, s8  }
0x6: {  	s29 =	simm.s32 $0x2;
	s5 =	smul.u32 $0x140000, s2;
	_ =	strace $0x8000004D  }
0x7: {  	s7 =	sor.u32 s2, s4;
	s4 =	sadd.s32 $0x7B400, s0;
	s2 =	ssub.s32 $0x2, s2  }
0x8: {  	s7 =	smul.u32 $0x5000, s7;
	s22 =	sshrl.u32 s2, $0x1;
	s8 =	sshrl.u32 s8, $0x2  }
0x9: {  	s5 =	sadd.s32 s6, s5;
	s2 =	ssub.s32 s2, s22;
	s8 =	sadd.s32 s8, s1  }
0xa: {  	s6 =	sshrl.u32 s5, $0x3;
	s5 =	sadd.s32 $0x3400, s0;
	s23 =	sshrl.u32 s7, $0x3  }
0xb: {  	s7 =	sadd.s32 $0xA0000, s7;
	s24 =	smax.u32 s2, $0x1;
	s25 =	sadd.s32 $0x2800, s8  }
0xc: {  	s26 =	sadd.s32 $0x5000, s8;
	s30 =	sadd.s32 $0x7800, s8;
	[dreg:$0x4] =	wrdreg s24  }
0xd: {  	s31 =	sadd.s32 $0xA000, s8;
	s15 =	sadd.s32 $0xC800, s8;
	[dreg:$0x5] =	wrdreg s25  }
0xe: {  	s16 =	sadd.s32 $0xF000, s8;
	s17 =	sadd.s32 $0x11800, s8;
	[dreg:$0x6] =	wrdreg s26  }
0xf: {  	s0 =	sadd.s32 s6, s0;
	s6 =	sadd.s32 s5, s23;
	[dreg:$0x7] =	wrdreg s30  }
0x10: {  	[dreg:$0x8] =	wrdreg s31;
	s25 =	simm.s32 $0x50;
	s0 =	sadd.s32 $0xA2600, s0  }
0x11: {  	v0 =	vimm.f32 $0.0e+00;
	s26 =	simm.s32 $0x8800;
	s20 =	sadd.s32 $0x200, s6;
	[dreg:$0x3] =	wrdreg s0  }
.LBB2_1:
0x12: {  	s0 =	simm.s32 $0x70;
	s2 =	simm.s32 $0x3C0  }
.LBB2_2:
0x13: {  	p0 =	sne.s32 s2, $0x9FC0;
	[tilespmem:s0+$0x6000] =	vst v0  }
0x14: {  	[tilespmem:s0+$0x5F90] =	vst v0  }
0x15: {  	[tilespmem:s0+$0x5FA0] =	vst v0  }
.Ltmp0:
0x16: {  	[tilespmem:s0+$0x5FB0] =	vst v0;
	(pc) =	sbr.rel @p0 .LBB2_2-.Ltmp0, $4  }
0x17: {  	[tilespmem:s0+$0x5FC0] =	vst v0  }
0x18: {  	[tilespmem:s0+$0x5FD0] =	vst v0  }
0x19: {  	[tilespmem:s0+$0x5FE0] =	vst v0  }
0x1a: {  	[tilespmem:s0+$0x5FF0] =	vst v0;
	s0 =	sshra.s32 s2, $0x2;
	s2 =	sadd.s32 $0x200, s2  }
0x1b: {  	[tilespmem:s0+$0x6000] =	vst v0  }
0x1c: {  	[tilespmem:s0+$0x5F90] =	vst v0  }
0x1d: {  	[tilespmem:s0+$0x5FA0] =	vst v0  }
0x1e: {  	[tilespmem:s0+$0x5FB0] =	vst v0  }
0x1f: {  	[tilespmem:s0+$0x5FC0] =	vst v0  }
0x20: {  	[tilespmem:s0+$0x5FD0] =	vst v0  }
0x21: {  	[tilespmem:s0+$0x5FE0] =	vst v0  }
0x22: {  	[tilespmem:s0+$0x5FF0] =	vst v0  }
0x23: {  	[spmem:s8] =	stream.linear.scatter [tilespmem:s18], [sflag:$0x3], $0x2800, $0x38;
	[tilespmem:$0x1F000] =	vst v63  }
0x24: {  	_ =	swait.ge [sflag:s19], $0x2800  }
0x25: {  	[sflag:s19] =	ssyncset.done $0x0  }
0x26: {  	s9 =	rddreg [dreg:$0x5];
	[sflag:s19] =	ssyncadd.s32 $0xFFFFD800  }
0x27: {  	[spmem:s9] =	stream.linear.scatter [tilespmem:s18], [sflag:$0x3], $0x2800, $0x38;
	[tilespmem:$0x1F000] =	vst v63  }
0x28: {  	_ =	swait.ge [sflag:s19], $0x2800  }
0x29: {  	[sflag:s19] =	ssyncset.done $0x0  }
0x2a: {  	s10 =	rddreg [dreg:$0x6];
	[sflag:s19] =	ssyncadd.s32 $0xFFFFD800  }
0x2b: {  	[spmem:s10] =	stream.linear.scatter [tilespmem:s18], [sflag:$0x3], $0x2800, $0x38;
	[tilespmem:$0x1F000] =	vst v63  }
0x2c: {  	_ =	swait.ge [sflag:s19], $0x2800  }
0x2d: {  	[sflag:s19] =	ssyncset.done $0x0  }
0x2e: {  	s11 =	rddreg [dreg:$0x7];
	[sflag:s19] =	ssyncadd.s32 $0xFFFFD800  }
0x2f: {  	[spmem:s11] =	stream.linear.scatter [tilespmem:s18], [sflag:$0x3], $0x2800, $0x38;
	[tilespmem:$0x1F000] =	vst v63  }
0x30: {  	_ =	swait.ge [sflag:s19], $0x2800  }
0x31: {  	[sflag:s19] =	ssyncset.done $0x0  }
0x32: {  	s12 =	rddreg [dreg:$0x8];
	[sflag:s19] =	ssyncadd.s32 $0xFFFFD800  }
0x33: {  	[spmem:s12] =	stream.linear.scatter [tilespmem:s18], [sflag:$0x3], $0x2800, $0x38;
	[tilespmem:$0x1F000] =	vst v63  }
0x34: {  	_ =	swait.ge [sflag:s19], $0x2800  }
0x35: {  	[sflag:s19] =	ssyncset.done $0x0  }
0x36: {  	[sflag:s19] =	ssyncadd.s32 $0xFFFFD800  }
0x37: {  	[spmem:s15] =	stream.linear.scatter [tilespmem:s18], [sflag:$0x3], $0x2800, $0x38;
	[tilespmem:$0x1F000] =	vst v63  }
0x38: {  	_ =	swait.ge [sflag:s19], $0x2800  }
0x39: {  	[sflag:s19] =	ssyncset.done $0x0  }
0x3a: {  	[sflag:s19] =	ssyncadd.s32 $0xFFFFD800  }
0x3b: {  	[spmem:s16] =	stream.linear.scatter [tilespmem:s18], [sflag:$0x3], $0x2800, $0x38;
	[tilespmem:$0x1F000] =	vst v63  }
0x3c: {  	_ =	swait.ge [sflag:s19], $0x2800  }
0x3d: {  	[sflag:s19] =	ssyncset.done $0x0  }
0x3e: {  	[sflag:s19] =	ssyncadd.s32 $0xFFFFD800  }
0x3f: {  	[spmem:s17] =	stream.linear.scatter [tilespmem:s18], [sflag:$0x3], $0x2800, $0x38;
	[tilespmem:$0x1F000] =	vst v63  }
0x40: {  	_ =	swait.ge [sflag:s19], $0x2800  }
0x41: {  	[sflag:s19] =	ssyncset.done $0x0  }
0x42: {  	[sflag:s19] =	ssyncadd.s32 $0xFFFFD800  }
0x43: {  	s13 =	simm.s32 $0x0;
	[bflag:$0x0] =	sbarrier.arrive $0xFFFF  }
0x44: {  	[tilespmem:s13], [sflag:$0x3] =	stream.linear.gather [hbm4b:s6+s13], $0xC80, $0x38;
	[tilespmem:$0x1F000] =	vst v63  }
0x45: {  	s2 =	simm.s32 $0x1000  }
0x46: {  	[tilespmem:s2], [sflag:$0x3] =	stream.linear.gather [hbm4b:s20+s13], $0xC80, $0x38;
	[tilespmem:$0x1F000] =	vst v63  }
0x47: {  	s14 =	sadd.s32 $0x400, s6;
	s2 =	simm.s32 $0x0  }
0x48: {  	s0 =	sshllo.u32 s13, $0x1;
	s9 =	simm.s32 $0x2000;
	s10 =	sand.u32 $0xFE, s2  }
0x49: {  	[tilespmem:s9], [sflag:$0x3] =	stream.linear.gather [hbm4b:s14+s13], $0xC80, $0x38;
	[tilespmem:$0x1F000] =	vst v63  }
0x4a: {  	s21 =	sadd.s32 $0x600, s6;
	s9 =	smul.u32 $0x29, s10;
	s10 =	sand.u32 $0xFF, s0  }
0x4b: {  	s22 =	simm.s32 $0x3000;
	s23 =	sadd.s32 $0x800, s6;
	s10 =	smul.u32 $0x29, s10  }
0x4c: {  	[tilespmem:s22], [sflag:$0x3] =	stream.linear.gather [hbm4b:s21+s13], $0xC80, $0x38;
	[tilespmem:$0x1F000] =	vst v63  }
0x4d: {  	s24 =	simm.s32 $0x4000;
	s11 =	simm.s32 $0x2;
	s9 =	sshrl.u32 s9, $0xA  }
0x4e: {  	s14 =	simm.s32 $0x1;
	s9 =	smul.u32 $0x19, s9;
	s10 =	sshrl.u32 s10, $0xA  }
0x4f: {  	[tilespmem:s24], [sflag:$0x3] =	stream.linear.gather [hbm4b:s23+s13], $0xC80, $0x38;
	[tilespmem:$0x1F000] =	vst v63  }
0x50: {  	s12 =	sand.u32 $0xFF, s11;
	s30 =	sshllo.u32 s14, $0x1;
	s21 =	smul.u32 $0x19, s10  }
0x51: {  	s10 =	sshll.u32 s10, $0xC;
	_ =	swait.ge [sflag:s19], $0x3E80;
	s9 =	ssub.s32 $0x0, s9  }
0x52: {  	[sflag:s19] =	ssyncset.done $0x0;
	s9 =	sand.u32 $0xFF, s9;
	s0 =	ssub.s32 s0, s21  }
0x53: {  	[sflag:s19] =	ssyncadd.s32 $0xFFFFC180;
	p0 =	sne.s32 s9, $0x0;
	s23 =	sand.u32 $0xFF, s0  }
0x54: {  	[tilespmem:s18], [sflag:$0x1] =	stream.indirect.gather [hbm4b:s4+s25], $0x80, s13, s25, $0xb8;
	[tilespmem:$0x1F000] =	vst v63  }
0x55: {  	s0 =	smul.u32 $0x29, s12;
	s2 =	sand.u32 @!p0 $0xFF, s2;
	s31 =	sshll.u32 s23, $0x7  }
0x56: {  	s9 =	sshll.u32 s9, $0x7;
	s2 =	smul.u32 @!p0 $0xA4, s2;
	s13 =	sor.u32 s31, s10  }
0x57: {  	[tilespmem:s26], [sflag:$0x2] =	stream.indirect.gather [hbm4b:s4+s25], $0x80, s13, s25, $0xb8;
	[tilespmem:$0x1F000] =	vst v63  }
0x58: {  	s12 =	sand.u32 $0xFF, s30;
	s21 =	simm.s32 @!p0 $0x0;
	s2 =	sand.u32 @!p0 $0xF000, s2  }
0x59: {  	s24 =	simm.s32 @!p0 $0x5000;
	_ =	swait.ge [sflag:s28], $0x2800;
	s2 =	sadd.s32 @!p0 s2, s7  }
0x5a: {  	s0 =	sshrl.u32 s0, $0xA;
	[sflag:s28] =	ssyncset.done $0x0;
	s2 =	sshrl.u32 @!p0 s2, $0x3  }
0x5b: {  	s22 =	smul.u32 $0x19, s0;
	[sflag:s28] =	ssyncadd.s32 $0xFFFFD800;
	s2 =	sadd.s32 @!p0 s5, s2  }
0x5c: {  	[tilespmem:s24], [sflag:$0x3] =	stream.linear.gather @!p0 [hbm4b:s2+s21], $0xC80, $0x38;
	[tilespmem:$0x1F000] =	vst v63  }
0x5d: {  	s9 =	sadd.s32 $0x5000, s9;
	s22 =	ssub.s32 $0x2, s22;
	s24 =	simm.s32 @!p0 $0x3  }
0x5e: {  	s0 =	sshll.u32 s0, $0xC;
	s22 =	sand.u32 $0xFF, s22;
	_ =	swait.ge @!p0 [sflag:s24], $0xC80  }
0x5f: {  	s13 =	smul.u32 $0x29, s12;
	s22 =	sshll.u32 s22, $0x7;
	[sflag:s24] =	ssyncset.done @!p0 $0x0  }
0x60: {  	s11 =	sor.u32 s22, s0;
	s22 =	simm.s32 $0x2;
	[sflag:s24] =	ssyncadd.s32 @!p0 $0xFFFFF380  }
0x61: {  	[spmem:s1] =	stream.indirect.scatter.add.f32 [tilespmem:s18], [sflag:$0x3], $0x80, s9, s25, $0xb8;
	[tilespmem:$0x1F000] =	vst v63  }
0x62: {  	s21 =	simm.s32 $0x2;
	s0 =	simm.s32 $0x4;
	s9 =	sand.u32 $0xFE, s22  }
0x63: {  	p0 =	sne.s32 s23, $0x0;
	_ =	swait.ge [sflag:s19], $0x2800;
	s2 =	smul.u32 $0x29, s9  }
0x64: {  	s10 =	sadd.s32 @!p0 s10, s7;
	s9 =	simm.s32 @!p0 $0x0;
	[sflag:s19] =	ssyncset.done $0x0  }
0x65: {  	s23 =	sshrl.u32 @!p0 s10, $0x3;
	[sflag:s19] =	ssyncadd.s32 $0xFFFFD800;
	s14 =	sshrl.u32 s2, $0xA  }
0x66: {  	[tilespmem:s18], [sflag:$0x1] =	stream.indirect.gather [hbm4b:s4+s25], $0x80, s11, s25, $0xb8;
	[tilespmem:$0x1F000] =	vst v63  }
0x67: {  	s2 =	sshrl.u32 s13, $0xA;
	s10 =	smul.u32 $0x19, s14;
	_ =	swait.ge [sflag:s29], $0x2800  }
.LBB2_4:
0x68: {  	s11 =	smul.u32 $0x19, s2  }
0x69: {  	s12 =	sadd.s32 @!p0 s5, s23;
	s24 =	smov.u32 s21;
	s21 =	sadd.s32 $0x1, s21  }
0x6a: {  	s23 =	sshll.u32 s2, $0xC;
	s13 =	simm.s32 @!p0 $0x5000;
	s14 =	simm.s32 @!p0 $0x3  }
0x6b: {  	s10 =	ssub.s32 s22, s10;
	s2 =	ssub.s32 s30, s11;
	[sflag:s29] =	ssyncset.done $0x0  }
0x6c: {  	s10 =	sand.u32 $0xFF, s10;
	s2 =	sand.u32 $0xFF, s2;
	[sflag:s29] =	ssyncadd.s32 $0xFFFFD800  }
0x6d: {  	[tilespmem:s13], [sflag:$0x3] =	stream.linear.gather @!p0 [hbm4b:s12+s9], $0xC80, $0x38;
	[tilespmem:$0x1F000] =	vst v63  }
0x6e: {  	s11 =	sshll.u32 s10, $0x7;
	s9 =	sshll.u32 s2, $0x7;
	_ =	swait.ge @!p0 [sflag:s14], $0xC80  }
0x6f: {  	p2 =	sne.s32 s10, $0x0;
	s12 =	sor.u32 s9, s23;
	[sflag:s14] =	ssyncset.done @!p0 $0x0  }
0x70: {  	s10 =	sand.u32 @!p2 $0xFF, s22;
	s13 =	sadd.s32 $0x5000, s31;
	[sflag:s14] =	ssyncadd.s32 @!p0 $0xFFFFF380  }
0x71: {  	[spmem:s1] =	stream.indirect.scatter.add.f32 [tilespmem:s26], [sflag:$0x3], $0x80, s13, s25, $0xb8;
	[tilespmem:$0x1F000] =	vst v63  }
0x72: {  	s10 =	smul.u32 @!p2 $0xA4, s10;
	s13 =	sand.u32 $0xFF, s0;
	_ =	swait.ge [sflag:s19], $0x2800  }
0x73: {  	s14 =	simm.s32 @!p2 $0x3;
	s13 =	smul.u32 $0x29, s13;
	[sflag:s19] =	ssyncset.done $0x0  }
0x74: {  	p1 =	sne.s32 s21, $0x3E;
	s10 =	sand.u32 @!p2 $0xF000, s10;
	[sflag:s19] =	ssyncadd.s32 $0xFFFFD800  }
0x75: {  	s31 =	smov.u32 s9;
	s10 =	sadd.s32 @!p2 s10, s7;
	s13 =	sshrl.u32 s13, $0xA  }
0x76: {  	s9 =	sshrl.u32 @!p2 s10, $0x3;
	s10 =	smul.u32 $0x19, s13  }
0x77: {  	[tilespmem:s26], [sflag:$0x2] =	stream.indirect.gather [hbm4b:s4+s25], $0x80, s12, s25, $0xb8;
	[tilespmem:$0x1F000] =	vst v63  }
0x78: {  	s9 =	sadd.s32 @!p2 s5, s9;
	s0 =	ssub.s32 s0, s10;
	_ =	swait.ge [sflag:s28], $0x2800  }
0x79: {  	s10 =	simm.s32 @!p2 $0x0;
	s12 =	simm.s32 @!p2 $0x5000;
	[sflag:s28] =	ssyncset.done $0x0  }
0x7a: {  	s13 =	sshll.u32 s13, $0xC;
	s0 =	sand.u32 $0xFF, s0;
	[sflag:s28] =	ssyncadd.s32 $0xFFFFD800  }
0x7b: {  	[tilespmem:s12], [sflag:$0x3] =	stream.linear.gather @!p2 [hbm4b:s9+s10], $0xC80, $0x38;
	[tilespmem:$0x1F000] =	vst v63  }
0x7c: {  	s0 =	sshll.u32 s0, $0x7;
	s9 =	sadd.s32 $0x5000, s11;
	_ =	swait.ge @!p2 [sflag:s14], $0xC80  }
0x7d: {  	s10 =	sor.u32 s0, s13;
	[sflag:s14] =	ssyncset.done @!p2 $0x0  }
0x7e: {  	s22 =	sshll.u32 s24, $0x1;
	[sflag:s14] =	ssyncadd.s32 @!p2 $0xFFFFF380  }
0x7f: {  	[spmem:s1] =	stream.indirect.scatter.add.f32 [tilespmem:s18], [sflag:$0x3], $0x80, s9, s25, $0xb8;
	[tilespmem:$0x1F000] =	vst v63  }
0x80: {  	s30 =	sshllo.u32 s24, $0x1;
	s9 =	sand.u32 $0xFE, s22;
	_ =	swait.ge [sflag:s19], $0x2800  }
0x81: {  	s0 =	sadd.s32 $0x2, s22;
	s11 =	smul.u32 $0x29, s9;
	[sflag:s19] =	ssyncset.done $0x0  }
.Ltmp1:
0x82: {  	p0 =	sne.s32 s2, $0x0;
	[sflag:s19] =	ssyncadd.s32 $0xFFFFD800;
	(pc) =	sbr.rel @p1 .LBB2_4-.Ltmp1, $4  }
0x83: {  	s2 =	sand.u32 $0xFF, s30;
	s12 =	sadd.s32 @!p0 s23, s7;
	s9 =	simm.s32 @!p0 $0x0  }
0x84: {  	s2 =	smul.u32 $0x29, s2;
	s23 =	sshrl.u32 @!p0 s12, $0x3;
	s11 =	sshrl.u32 s11, $0xA  }
0x85: {  	[tilespmem:s18], [sflag:$0x1] =	stream.indirect.gather [hbm4b:s4+s25], $0x80, s10, s25, $0xb8;
	[tilespmem:$0x1F000] =	vst v63  }
0x86: {  	s2 =	sshrl.u32 s2, $0xA;
	s10 =	smul.u32 $0x19, s11;
	_ =	swait.ge [sflag:s29], $0x2800  }
0x87: {  	[sflag:s29] =	ssyncset.done $0x0  }
0x88: {  	s11 =	sadd.s32 @!p0 s5, s23;
	s12 =	simm.s32 @!p0 $0x5000;
	[sflag:s29] =	ssyncadd.s32 $0xFFFFD800  }
0x89: {  	[tilespmem:s12], [sflag:$0x3] =	stream.linear.gather @!p0 [hbm4b:s11+s9], $0xC80, $0x38;
	[tilespmem:$0x1F000] =	vst v63  }
0x8a: {  	s14 =	smul.u32 $0x19, s2;
	s10 =	ssub.s32 s22, s10;
	s9 =	simm.s32 @!p0 $0x3  }
0x8b: {  	s21 =	sadd.s32 $0x5000, s31;
	s10 =	sand.u32 $0xFF, s10;
	_ =	swait.ge @!p0 [sflag:s9], $0xC80  }
0x8c: {  	s2 =	sshll.u32 s2, $0xC;
	p1 =	sne.s32 s10, $0x0;
	[sflag:s9] =	ssyncset.done @!p0 $0x0  }
0x8d: {  	s12 =	sand.u32 @!p1 $0xFF, s22;
	s22 =	ssub.s32 s30, s14;
	[sflag:s9] =	ssyncadd.s32 @!p0 $0xFFFFF380  }
0x8e: {  	[spmem:s1] =	stream.indirect.scatter.add.f32 [tilespmem:s26], [sflag:$0x3], $0x80, s21, s25, $0xb8;
	[tilespmem:$0x1F000] =	vst v63  }
0x8f: {  	s11 =	smul.u32 @!p1 $0xA4, s12;
	s9 =	sand.u32 $0xFF, s22;
	_ =	swait.ge [sflag:s19], $0x2800  }
0x90: {  	s24 =	sand.u32 $0xFF, s0;
	s23 =	sshll.u32 s9, $0x7;
	[sflag:s19] =	ssyncset.done $0x0  }
0x91: {  	s11 =	sand.u32 @!p1 $0xF000, s11;
	s13 =	sor.u32 s23, s2;
	[sflag:s19] =	ssyncadd.s32 $0xFFFFD800  }
0x92: {  	[tilespmem:s26], [sflag:$0x2] =	stream.indirect.gather [hbm4b:s4+s25], $0x80, s13, s25, $0xb8;
	[tilespmem:$0x1F000] =	vst v63  }
0x93: {  	s14 =	simm.s32 @!p1 $0x0;
	s11 =	sadd.s32 @!p1 s11, s7;
	_ =	swait.ge [sflag:s28], $0x2800  }
0x94: {  	s21 =	simm.s32 @!p1 $0x5000;
	s11 =	sshrl.u32 @!p1 s11, $0x3;
	[sflag:s28] =	ssyncset.done $0x0  }
0x95: {  	s13 =	smul.u32 $0x29, s24;
	s11 =	sadd.s32 @!p1 s5, s11;
	[sflag:s28] =	ssyncadd.s32 $0xFFFFD800  }
0x96: {  	[tilespmem:s21], [sflag:$0x3] =	stream.linear.gather @!p1 [hbm4b:s11+s14], $0xC80, $0x38;
	[tilespmem:$0x1F000] =	vst v63  }
0x97: {  	s13 =	sshrl.u32 s13, $0xA;
	s11 =	simm.s32 @!p1 $0x3  }
0x98: {  	s30 =	smul.u32 $0x19, s13;
	_ =	swait.ge @!p1 [sflag:s11], $0xC80  }
0x99: {  	s10 =	sshll.u32 s10, $0x7;
	[sflag:s11] =	ssyncset.done @!p1 $0x0  }
0x9a: {  	s10 =	sadd.s32 $0x5000, s10;
	s31 =	ssub.s32 s0, s30;
	[sflag:s11] =	ssyncadd.s32 @!p1 $0xFFFFF380  }
0x9b: {  	[spmem:s1] =	stream.indirect.scatter.add.f32 [tilespmem:s18], [sflag:$0x3], $0x80, s10, s25, $0xb8;
	[tilespmem:$0x1F000] =	vst v63  }
0x9c: {  	s0 =	sand.u32 $0xFF, s31;
	_ =	swait.ge [sflag:s19], $0x2800  }
0x9d: {  	s14 =	sshll.u32 s13, $0xC;
	s0 =	sshll.u32 s0, $0x7;
	[sflag:s19] =	ssyncset.done $0x0  }
0x9e: {  	p0 =	sne.s32 s9, $0x0;
	s0 =	sor.u32 s0, s14;
	[sflag:s19] =	ssyncadd.s32 $0xFFFFD800  }
0x9f: {  	[tilespmem:s18], [sflag:$0x1] =	stream.indirect.gather [hbm4b:s4+s25], $0x80, s0, s25, $0xb8;
	[tilespmem:$0x1F000] =	vst v63  }
0xa0: {  	s0 =	sadd.s32 @!p0 s2, s7;
	_ =	swait.ge [sflag:s29], $0x2800  }
0xa1: {  	s9 =	simm.s32 @!p0 $0x5000;
	s0 =	sshrl.u32 @!p0 s0, $0x3;
	[sflag:s29] =	ssyncset.done $0x0  }
0xa2: {  	s2 =	simm.s32 @!p0 $0x0;
	s0 =	sadd.s32 @!p0 s5, s0;
	[sflag:s29] =	ssyncadd.s32 $0xFFFFD800  }
0xa3: {  	[tilespmem:s9], [sflag:$0x3] =	stream.linear.gather @!p0 [hbm4b:s0+s2], $0xC80, $0x38;
	[tilespmem:$0x1F000] =	vst v63  }
0xa4: {  	s0 =	simm.s32 @!p0 $0x3  }
0xa5: {  	_ =	swait.ge @!p0 [sflag:s0], $0xC80  }
0xa6: {  	[sflag:s0] =	ssyncset.done @!p0 $0x0  }
0xa7: {  	s21 =	sadd.s32 $0x5000, s23;
	[sflag:s0] =	ssyncadd.s32 @!p0 $0xFFFFF380  }
0xa8: {  	[spmem:s1] =	stream.indirect.scatter.add.f32 [tilespmem:s26], [sflag:$0x3], $0x80, s21, s25, $0xb8;
	[tilespmem:$0x1F000] =	vst v63  }
0xa9: {  	_ =	swait.ge [sflag:s19], $0x2800  }
0xaa: {  	[sflag:s19] =	ssyncset.done $0x0  }
0xab: {  	[sflag:s19] =	ssyncadd.s32 $0xFFFFD800  }
0xac: {  	_ =	swait.ge [sflag:s28], $0x2800  }
0xad: {  	[sflag:s28] =	ssyncset.done $0x0  }
0xae: {  	s22 =	simm.s32 $0x5C00;
	[sflag:s28] =	ssyncadd.s32 $0xFFFFD800  }
0xaf: {  	[spmem:s1] =	stream.indirect.scatter.add.f32 [tilespmem:s18], [sflag:$0x3], $0x80, s22, s25, $0xb8;
	[tilespmem:$0x1F000] =	vst v63  }
0xb0: {  	_ =	swait.ge [sflag:s19], $0x2800  }
0xb1: {  	[sflag:s19] =	ssyncset.done $0x0  }
0xb2: {  	s23 =	stileid.u32;
	[sflag:s19] =	ssyncadd.s32 $0xFFFFD800  }
0xb3: {  	s0 =	sshll.u32 s23, $0x6;
	[bflag:$0x0] =	sbarrier.arrive $0xFFFF  }
0xb4: {  	s24 =	sshrl.u32 s8, $0x3;
	s0 =	sor.u32 $0x1C03, s0;
	s30 =	rddreg [dreg:$0x3]  }
0xb5: {  	[hbm:s30], [sflag:s0] =	dma.local [spmem:s24], $0x2800  }
0xb6: {  	_ =	swait.ge [sflag:s19], $0x2800  }
0xb7: {  	s3 =	sadd.s32 $0x1, s3;
	s31 =	rddreg [dreg:$0x4]  }
0xb8: {  	p0 =	sne.s32 s3, s31  }
.Ltmp2:
0xb9: {  	_ = 	snop;
	(pc) =	sbr.rel @p0 .LBB2_1-.Ltmp2, $3  }
0xba: {  	_ =	sdelay $0x1  }
0xbb: {  	[sflag:s19] =	ssyncset.done $0x0  }
0xbc: {  	[sflag:s19] =	ssyncadd.s32 $0xFFFFD800  }
0xbd: {  	_ =	sfence.sel $0x180000  }
0xbe: {  	[bflag:$0x0] =	sbarrier.arrive $0xFFFF  }
0xbf: {  	_ =	strace $0x9000004D  }
0xc0: {  	s0 =	stileid.u32;
	[bflag:$0x2] =	sbarrier.arrive $0xFFFF  }
0xc1: {  	p0 =	sne.s32 s0, $0x0;
	s0 =	rddreg [dreg:$0x2]  }
0xc2: {  	s0 =	sadd.s32 @!p0 $0x100000, s0  }
0xc3: {  	[sflag:s0] =	ssyncadd.tile.s32 @!p0 $0x1;
	_ =	shalt  }
.Lfunc_end2:
_tile_overlayer_lowered:
.L_overlay_start_2:
0xc4: {  	(tag) =	ssettag $0x2  }
0xc5: {  	s0 =	rddreg [dreg:$0x0];
	s2 =	stileid.u32  }
0xc6: {  	s1 =	rddreg [dreg:$0x1];
	p0 =	sne.s32 s2, $0x0  }
0xc7: {  	s3 =	rddreg [dreg:$0x2];
	[bflag:$0x3] =	sbarrier.arrive $0xFFFF;
	s2 =	simm.s32 @!p0 $0x1C03  }
0xc8: {  	[timem:s3], [sflag:s2] =	dma.local @!p0 [hbm:s0], s1  }
0xc9: {  	s0 =	simm.s32 @!p0 $0x3  }
0xca: {  	_ =	swait.ge @!p0 [sflag:s0], s1  }
0xcb: {  	s1 =	ssub.s32 @!p0 $0x0, s1;
	[sflag:s0] =	ssyncset.done @!p0 $0x0  }
0xcc: {  	[sflag:s0] =	ssyncadd.s32 @!p0 s1  }
0xcd: {  	[bflag:$0x3] =	sbarrier.arrive $0xFFFF  }
0xce: {  	_ =	shalt  }

// kernel: kernel.8.cloned.1.call-start
scs
__scs_entry_jumppad:
0x0: {  	(pc) =	sbr.rel $0x88, $3  }
0x1: {  	(tag) =	ssettag $0x0;
	lr =	simm.s32 $0x1  }
0x2: {  	[smem:$0x3F95] =	sst lr;
	_ =	strace $0xD0000000  }
0x3: {  	_ = 	snop  }
0x4: {  	_ = 	snop  }
0x5: {  	_ = 	snop  }
0x6: {  	_ = 	snop  }
0x7: {  	_ = 	snop  }
__scs_overlays_trampoline_lowered:
0x8: {  	[smem:$0x3FA4] =	sst s0  }
0x9: {  	[smem:$0x3FA5] =	sst s1  }
0xa: {  	[smem:$0x3FA6] =	sst s2  }
0xb: {  	[smem:$0x3FA7] =	sst s3  }
0xc: {  	[smem:$0x3FA8] =	sst s4  }
0xd: {  	[smem:$0x3FA9] =	sst s5  }
0xe: {  	[smem:$0x3FAA] =	sst s6  }
0xf: {  	[smem:$0x3FAB] =	sst s7  }
0x10: {  	[smem:$0x3FAC] =	sst s8  }
0x11: {  	[smem:$0x3FAD] =	sst s9;
	s0 =	simm.s32 @!p0 $0x0  }
0x12: {  	s1 =	sld [smem:$0x3F93];
	s0 =	simm.s32 @p0 $0x1  }
0x13: {  	[smem:$0x3FAE] =	sst s0;
	s0 =	simm.s32 @!p1 $0x0  }
0x14: {  	s2 =	sld [smem:$0x3F92];
	s0 =	simm.s32 @p1 $0x1  }
0x15: {  	[smem:$0x3FAF] =	sst s0;
	s0 =	simm.s32 @!p2 $0x0  }
0x16: {  	s3 =	sld [smem:$0x3FDB];
	s0 =	simm.s32 @p2 $0x1  }
0x17: {  	s4 =	simm.s32 $0x1BF5;
	[smem:$0x3FB1] =	sst s0  }
0x18: {  	s0 =	sld [smem:$0x3F94];
	_ =	swait.ge [sflag:s4], $0x0  }
0x19: {  	s7 =	sld [smem:$0x3F95]  }
0x1a: {  	s8 =	sadd.s32 $0xFFFFE003, lr  }
0x1b: {  	s9 =	sadd.s32 $0xFFFFFEF7, lr;
	s5 =	simm.s32 $0xFFFFFFFF;
	p2 =	slt.u32 s8, $0xFFFFF086  }
0x1c: {  	p1 =	slt.u32 s9, $0xF7A;
	s5 =	simm.s32 @!p2 $0x0  }
0x1d: {  	s5 =	simm.s32 @p1 $0x1;
	p0 =	seq.s32 s7, s2  }
0x1e: {  	s7 =	smul.u32 @!p0 $0xF7A, s2;
	p2 =	seq.s32 @!p0 s5, $0x0  }
0x1f: {  	s9 =	smul.u32 $0xF7A, s1;
	s8 =	simm.s32 @!p0 $0x1BF5;
	p2 =	por !p2, p0  }
0x20: {  	[sflag:s8] =	ssyncset.s32 @!p0 $0xFFFFF086;
	s6 =	sadd.s32 @!p0 s3, s7;
	s7 =	simm.s32 @!p0 $0x108  }
0x21: {  	s3 =	sadd.s32 s3, s9;
	s6 =	sadd.s32 @!p0 $0x88, s6;
	s7 =	simm.s32 @p2 $0x1082  }
0x22: {  	[simem:s7], [sflag:s8] =	dma.local @!p0 [hbm:s6], $0xF7A  }
0x23: {  	s9 =	sor.u32 $0xD0000000, s2;
	s6 =	simm.s32 $0x108;
	_ =	swait.ge @!p0 [sflag:s8], $0x0  }
0x24: {  	s3 =	sadd.s32 $0x88, s3;
	s6 =	simm.s32 @!p1 $0x1082;
	[sflag:s4] =	ssyncset.s32 $0xFFFFF086  }
0x25: {  	[simem:s6], [sflag:s4] =	dma.local [hbm:s3], $0xF7A  }
0x26: {  	[smem:$0x3F95] =	sst s1;
	(tag) =	ssettag s2;
	_ =	strace s9  }
0x27: {  	s1 =	sld [smem:$0x3FA5]  }
0x28: {  	s2 =	sld [smem:$0x3FA6]  }
0x29: {  	s4 =	sld [smem:$0x3FA8]  }
0x2a: {  	p0 =	seq.s32 s5, $0x0;
	s5 =	sld [smem:$0x3FA9]  }
0x2b: {  	s6 =	sld [smem:$0x3FAA]  }
0x2c: {  	s7 =	sld [smem:$0x3FAB]  }
0x2d: {  	s3 =	simm.s32 $0x108;
	s8 =	sld [smem:$0x3FAC]  }
0x2e: {  	s3 =	simm.s32 @!p0 $0x1082;
	s9 =	sld [smem:$0x3FAD]  }
0x2f: {  	lr =	sadd.s32 s0, s3;
	s0 =	sld [smem:$0x3FA4]  }
0x30: {  	s3 =	sld [smem:$0x3FA7]  }
0x31: {  	[smem:$0x3FB0] =	sst s10  }
0x32: {  	s10 =	sld [smem:$0x3FAE];
	_ =	sdelay $0x3  }
0x33: {  	p0 =	seq.s32 s10, $0x1;
	s10 =	sld [smem:$0x3FB0];
	_ =	sdelay $0x3  }
0x34: {  	[smem:$0x3FB0] =	sst s10  }
0x35: {  	s10 =	sld [smem:$0x3FAF];
	_ =	sdelay $0x3  }
0x36: {  	p1 =	seq.s32 s10, $0x1;
	s10 =	sld [smem:$0x3FB0];
	_ =	sdelay $0x3  }
0x37: {  	[smem:$0x3FB0] =	sst s10  }
0x38: {  	s10 =	sld [smem:$0x3FB1]  }
0x39: {  	_ = 	snop;
	(pc) =	sbr.ind lr, $3  }
0x3a: {  	_ = 	snop  }
0x3b: {  	_ = 	snop  }
0x3c: {  	p2 =	seq.s32 s10, $0x1;
	s10 =	sld [smem:$0x3FB0]  }
0x3d: {  	_ =	shalt  }
0x3e: {  	_ =	shalt  }
0x3f: {  	_ =	shalt  }
0x40: {  	_ =	shalt  }
0x41: {  	_ =	shalt  }
0x42: {  	_ =	shalt  }
0x43: {  	_ =	shalt  }
0x44: {  	_ =	shalt  }
0x45: {  	_ =	shalt  }
0x46: {  	_ =	shalt  }
0x47: {  	_ =	shalt  }
0x48: {  	_ =	shalt  }
0x49: {  	_ =	shalt  }
0x4a: {  	_ =	shalt  }
0x4b: {  	_ =	shalt  }
0x4c: {  	_ =	shalt  }
0x4d: {  	_ =	shalt  }
0x4e: {  	_ =	shalt  }
0x4f: {  	_ =	shalt  }
0x50: {  	_ =	shalt  }
0x51: {  	_ =	shalt  }
0x52: {  	_ =	shalt  }
0x53: {  	_ =	shalt  }
0x54: {  	_ =	shalt  }
0x55: {  	_ =	shalt  }
0x56: {  	_ =	shalt  }
0x57: {  	_ =	shalt  }
0x58: {  	_ =	shalt  }
0x59: {  	_ =	shalt  }
0x5a: {  	_ =	shalt  }
0x5b: {  	_ =	shalt  }
0x5c: {  	_ =	shalt  }
0x5d: {  	_ =	shalt  }
0x5e: {  	_ =	shalt  }
0x5f: {  	_ =	shalt  }
0x60: {  	_ =	shalt  }
0x61: {  	_ =	shalt  }
0x62: {  	_ =	shalt  }
0x63: {  	_ =	shalt  }
0x64: {  	_ =	shalt  }
0x65: {  	_ =	shalt  }
0x66: {  	_ =	shalt  }
0x67: {  	_ =	shalt  }
0x68: {  	_ =	shalt  }
0x69: {  	_ =	shalt  }
0x6a: {  	_ =	shalt  }
0x6b: {  	_ =	shalt  }
0x6c: {  	_ =	shalt  }
0x6d: {  	_ =	shalt  }
0x6e: {  	_ =	shalt  }
0x6f: {  	_ =	shalt  }
0x70: {  	_ =	shalt  }
0x71: {  	_ =	shalt  }
0x72: {  	_ =	shalt  }
0x73: {  	_ =	shalt  }
0x74: {  	_ =	shalt  }
0x75: {  	_ =	shalt  }
0x76: {  	_ =	shalt  }
0x77: {  	_ =	shalt  }
0x78: {  	_ =	shalt  }
0x79: {  	_ =	shalt  }
0x7a: {  	_ =	shalt  }
0x7b: {  	_ =	shalt  }
0x7c: {  	_ =	shalt  }
0x7d: {  	_ =	shalt  }
0x7e: {  	_ =	shalt  }
0x7f: {  	_ =	shalt  }
0x80: {  	_ =	shalt  }
0x81: {  	_ =	shalt  }
0x82: {  	_ =	shalt  }
0x83: {  	_ =	shalt  }
0x84: {  	_ =	shalt  }
0x85: {  	_ =	shalt  }
0x86: {  	_ =	shalt  }
0x87: {  	_ =	shalt  }
.Lfunc_end0:
.L_simem_size_0:
called_computation_lowered:
.L_overlay_start_0:
0x88: {  	s2 =	sld [smem:$0x3FD9]  }
0x89: {  	s3 =	sld [smem:$0x3FFE];
	_ =	sdelay $0x1  }
0x8a: {  	s1 =	srdreg.scid  }
0x8b: {  	s0 =	sand.u32 $0x1, s1  }
0x8c: {  	s16 =	sshll.u32 s0, $0xA;
	s2 =	sadd.s32 s3, s2  }
0x8d: {  	s2 =	sadd.s32 s2, s16  }
0x8e: {  	[smem:$0x3FBC] =	sst s2  }
0x8f: {  	_ = 	snop  }
0x90: {  	(tm) =	ssettm $0x1  }
0x91: {  	s17 =	sld [smem:$0x3FFB];
	_ =	sdelay $0x3  }
0x92: {  	_ =	strace s17  }
0x93: {  	s2 =	sld [smem:$0x3FFC];
	_ =	sdelay $0x3  }
0x94: {  	_ =	strace s2  }
0x95: {  	s2 =	sld [smem:$0x3FFD];
	_ =	sdelay $0x3  }
0x96: {  	_ =	strace s2  }
0x97: {  	_ =	strace $0x8FFFFFFF  }
0x98: {  	s18 =	sld [smem:$0x3FDB];
	_ =	sdelay $0x1  }
0x99: {  	s19 =	simm.s32 $_scs_section_size  }
0x9a: {  	s4 =	simm.s32 $_size__tile_overlayer_lowered;
	s5 =	simm.s32 $_tile_overlayer_lowered  }
0x9b: {  	s22 =	simm.s32 $0x1BFF;
	s21 =	sshll.u32 s5, $0x1;
	s2 =	sadd.s32 s19, s18  }
0x9c: {  	s6 =	simm.s32 $0x0;
	s20 =	sshll.u32 s4, $0x1;
	s4 =	sadd.s32 s21, s2  }
0x9d: {  	[timem:s6], [sflag:s22] =	dma.local [hbm:s4], s20  }
0x9e: {  	_ =	swait.ge [sflag:s22], s20  }
0x9f: {  	s3 =	ssub.s32 $0x0, s20;
	[sflag:s22] =	ssyncset.done $0x0  }
0xa0: {  	[sflag:s22] =	ssyncadd.s32 s3;
	_ =	sdelay $0x1  }
0xa1: {  	s23 =	simm.s32 $0x1B8B  }
0xa2: {  	_ =	swait.ge [sflag:s23], $0x1  }
0xa3: {  	[sflag:s23] =	ssyncset.done $0x0  }
0xa4: {  	s25 =	simm.s32 $0x1B8E;
	s24 =	sld [smem:$0x3FFE];
	[sflag:s23] =	ssyncadd.s32 $0xFFFFFFFF  }
0xa5: {  	s26 =	simm.s32 $execute0_lowered;
	[smem:$0x3FD2] =	sst s25  }
0xa6: {  	s4 =	sshll.u32 s26, $0x1;
	_ =	strace $0x80000046;
	[dreg:$0x1] =	wrdreg $0xFFFFFFFF  }
0xa7: {  	s28 =	simm.s32 $_size_execute0_lowered;
	s2 =	sadd.s32 s2, s4;
	[dreg:$0x0] =	wrdreg $0x0  }
0xa8: {  	s4 =	sshll.u32 s28, $0x1;
	[dreg:$0x2] =	wrdreg s2  }
0xa9: {  	[dreg:$0x3] =	wrdreg s4  }
0xaa: {  	[dreg:$0x4] =	wrdreg $0xC0  }
0xab: {  	_ =	task [dreg:s6], $0x5FFFF  }
0xac: {  	[dreg:$0x1] =	wrdreg $0xFFFFFFFF  }
0xad: {  	[dreg:$0x0] =	wrdreg $0x60  }
0xae: {  	[dreg:$0x2] =	wrdreg s24  }
0xaf: {  	[dreg:$0x3] =	wrdreg $0xB0000  }
0xb0: {  	[dreg:$0x4] =	wrdreg $0x9  }
0xb1: {  	_ =	task.clear_ibuf [dreg:s6], $0x5FFFF;
	_ =	strace $0x90000046  }
0xb2: {  	s29 =	simm.s32 $0x9;
	_ =	strace $0x80000048  }
0xb3: {  	_ =	swait.ge [sflag:s29], $0x1  }
0xb4: {  	[sflag:s29] =	ssyncadd.s32 $0xFFFFFFFF  }
0xb5: {  	_ =	strace $0x90000048  }
0xb6: {  	_ =	sfence  }
0xb7: {  	s30 =	sld [smem:$0x0];
	_ =	sdelay $0x2  }
0xb8: {  	s31 =	sshll.u32 s1, $0xD;
	s1 =	sshrl.u32 s1, $0x2  }
0xb9: {  	s3 =	sand.u32 $0x4000, s31;
	s1 =	sadd.s32 s1, s30  }
0xba: {  	s0 =	sor.u32 s3, s0;
	s1 =	sshll.u32 s1, $0x11  }
0xbb: {  	s0 =	sor.u32 s1, s0  }
0xbc: {  	s0 =	sadd.s32 $0x8F2B, s0  }
0xbd: {  	[sflag:s0] =	ssyncadd.remote.s32 $0x1  }
0xbe: {  	_ =	sfence.sel $0xFFFF  }
0xbf: {  	[dreg:$0x0] =	wrdreg $0xFFFFFFFF;
	(pc) =	sbr.abs _section_cstart, $3  }
0xc0: {  	[dreg:$0x1] =	wrdreg $0xFFFFFFFF  }
0xc1: {  	_ =	task.clear_ibuf [dreg:s6], $0x2FFFF;
	_ =	strace $0x9FFFFFFF  }
0xc2: {  	(tm) =	ssettm $0x7FFFFFFF  }
0xc3: {  	_ =	shalt  }
tec
execute0_lowered:
.L_overlay_start_1:
0x0: {  	(tag) =	ssettag $0x1  }
0x1: {  	s0 =	srdreg.scid  }
0x2: {  	s1 =	rddreg [dreg:$0x0];
	s11 =	stileid.u32  }
0x3: {  	s2 =	rddreg [dreg:$0x1];
	s5 =	smul.u32 $0x14000, s11  }
0x4: {  	s3 =	simm.s32 $0x0;
	s28 =	simm.s32 $0x5000;
	s16 =	smul.u32 $0x50000, s11  }
0x5: {  	s29 =	simm.s32 $0x5800;
	s0 =	sand.u32 $0x1, s0;
	s20 =	smul.u32 $0x7D000, s11  }
0x6: {  	s30 =	simm.s32 $0x1;
	s6 =	sshll.u32 s11, $0x1;
	s4 =	smul.u32 $0x140000, s0  }
0x7: {  	s6 =	sor.u32 s0, s6;
	s9 =	ssub.s32 $0x2, s0;
	s0 =	smul.u32 $0x3E800, s0  }
0x8: {  	[smem:$0x7FF] =	sst s3;
	s7 =	sadd.s32 $0x50D400, s1;
	s13 =	smul.u32 $0x5000, s6  }
0x9: {  	s31 =	simm.s32 $0x50;
	_ =	strace $0x80000047;
	s6 =	smul.u32 $0x3E800, s6  }
0xa: {  	s10 =	sshrl.u32 s9, $0x1;
	s19 =	sshrl.u32 s16, $0x2;
	s4 =	sadd.s32 s5, s4  }
0xb: {  	s10 =	ssub.s32 s9, s10;
	s9 =	sadd.s32 s19, s2;
	s0 =	sadd.s32 s0, s20  }
0xc: {  	s4 =	sshrl.u32 s4, $0x3;
	s14 =	sshrl.u32 s13, $0x3;
	s15 =	sshrl.u32 s6, $0x3  }
0xd: {  	s23 =	smax.u32 s10, $0x1;
	s24 =	sadd.s32 $0x2800, s9;
	s25 =	sadd.s32 $0x5000, s9  }
0xe: {  	s16 =	sadd.s32 $0xC800, s9;
	s26 =	sadd.s32 $0x2800, s0;
	[dreg:$0x7] =	wrdreg s23  }
0xf: {  	s0 =	sadd.s32 $0x2000, s0;
	s8 =	sadd.s32 s4, s1;
	[dreg:$0x8] =	wrdreg s24  }
0x10: {  	s1 =	sadd.s32 s1, s14;
	s4 =	sadd.s32 s7, s15;
	[dreg:$0x9] =	wrdreg s25  }
0x11: {  	s14 =	sadd.s32 $0x7800, s9;
	s15 =	sadd.s32 $0xA000, s9;
	s0 =	sshrl.u32 s0, $0x3  }
0x12: {  	s23 =	simm.s32 $0x8800;
	s24 =	simm.s32 $0x3;
	s17 =	sadd.s32 $0x100, s4  }
0x13: {  	s25 =	simm.s32 $0x4;
	s18 =	sadd.s32 $0x200, s4;
	[dreg:$0x3] =	wrdreg s17  }
0x14: {  	s5 =	sadd.s32 $0x17400, s1;
	s21 =	sadd.s32 $0x300, s4;
	[dreg:$0x4] =	wrdreg s18  }
0x15: {  	s22 =	sadd.s32 $0x2B400, s8;
	s1 =	sshrl.u32 s26, $0x3;
	[dreg:$0x5] =	wrdreg s21  }
0x16: {  	s10 =	sadd.s32 s0, s7;
	s26 =	simm.s32 $0x2;
	[dreg:$0x6] =	wrdreg s22  }
0x17: {  	s17 =	sadd.s32 $0xF000, s9;
	s18 =	sadd.s32 $0x11800, s9;
	s11 =	sadd.s32 s1, s7  }
0x18: {  	v0 =	vimm.f32 $0.0e+00;
	s21 =	simm.s32 $0x6000;
	s22 =	simm.s32 $0x5;
	s1 =	simm.s32 $0x0  }
.LBB2_1:
0x19: {  	s0 =	simm.s32 $0x70;
	s6 =	simm.s32 $0x3C0  }
.LBB2_2:
0x1a: {  	p0 =	sne.s32 s6, $0x9FC0;
	[tilespmem:s0+$0x6000] =	vst v0  }
0x1b: {  	[tilespmem:s0+$0x5F90] =	vst v0  }
0x1c: {  	[tilespmem:s0+$0x5FA0] =	vst v0  }
.Ltmp0:
0x1d: {  	[tilespmem:s0+$0x5FB0] =	vst v0;
	(pc) =	sbr.rel @p0 .LBB2_2-.Ltmp0, $4  }
0x1e: {  	[tilespmem:s0+$0x5FC0] =	vst v0  }
0x1f: {  	[tilespmem:s0+$0x5FD0] =	vst v0  }
0x20: {  	[tilespmem:s0+$0x5FE0] =	vst v0  }
0x21: {  	[tilespmem:s0+$0x5FF0] =	vst v0;
	s0 =	sshra.s32 s6, $0x2;
	s6 =	sadd.s32 $0x200, s6  }
0x22: {  	[tilespmem:s0+$0x6000] =	vst v0  }
0x23: {  	[tilespmem:s0+$0x5F90] =	vst v0  }
0x24: {  	[tilespmem:s0+$0x5FA0] =	vst v0  }
0x25: {  	[tilespmem:s0+$0x5FB0] =	vst v0  }
0x26: {  	[tilespmem:s0+$0x5FC0] =	vst v0  }
0x27: {  	[tilespmem:s0+$0x5FD0] =	vst v0  }
0x28: {  	[tilespmem:s0+$0x5FE0] =	vst v0  }
0x29: {  	[tilespmem:s0+$0x5FF0] =	vst v0;
	s0 =	simm.s32 $0x70;
	s6 =	simm.s32 $0x3C0  }
.LBB2_4:
0x2a: {  	p0 =	sne.s32 s6, $0x9FC0;
	[tilespmem:s0+$0x8800] =	vst v0  }
0x2b: {  	[tilespmem:s0+$0x8790] =	vst v0  }
0x2c: {  	[tilespmem:s0+$0x87A0] =	vst v0  }
.Ltmp1:
0x2d: {  	[tilespmem:s0+$0x87B0] =	vst v0;
	(pc) =	sbr.rel @p0 .LBB2_4-.Ltmp1, $4  }
0x2e: {  	[tilespmem:s0+$0x87C0] =	vst v0  }
0x2f: {  	[tilespmem:s0+$0x87D0] =	vst v0  }
0x30: {  	[tilespmem:s0+$0x87E0] =	vst v0  }
0x31: {  	[tilespmem:s0+$0x87F0] =	vst v0;
	s0 =	sshra.s32 s6, $0x2;
	s6 =	sadd.s32 $0x200, s6  }
0x32: {  	[tilespmem:s0+$0x8800] =	vst v0  }
0x33: {  	[tilespmem:s0+$0x8790] =	vst v0  }
0x34: {  	[tilespmem:s0+$0x87A0] =	vst v0  }
0x35: {  	[tilespmem:s0+$0x87B0] =	vst v0  }
0x36: {  	[tilespmem:s0+$0x87C0] =	vst v0  }
0x37: {  	[tilespmem:s0+$0x87D0] =	vst v0  }
0x38: {  	[tilespmem:s0+$0x87E0] =	vst v0  }
0x39: {  	[tilespmem:s0+$0x87F0] =	vst v0  }
0x3a: {  	[spmem:s9] =	stream.linear.scatter [tilespmem:s21], [sflag:$0x5], $0x2800, $0x38;
	[tilespmem:$0x1F000] =	vst v63  }
0x3b: {  	_ =	swait.ge [sflag:s22], $0x2800  }
0x3c: {  	[sflag:s22] =	ssyncset.done $0x0  }
0x3d: {  	s6 =	rddreg [dreg:$0x8];
	[sflag:s22] =	ssyncadd.s32 $0xFFFFD800  }
0x3e: {  	[spmem:s6] =	stream.linear.scatter [tilespmem:s21], [sflag:$0x5], $0x2800, $0x38;
	[tilespmem:$0x1F000] =	vst v63  }
0x3f: {  	_ =	swait.ge [sflag:s22], $0x2800  }
0x40: {  	[sflag:s22] =	ssyncset.done $0x0  }
0x41: {  	s7 =	rddreg [dreg:$0x9];
	[sflag:s22] =	ssyncadd.s32 $0xFFFFD800  }
0x42: {  	[spmem:s7] =	stream.linear.scatter [tilespmem:s21], [sflag:$0x5], $0x2800, $0x38;
	[tilespmem:$0x1F000] =	vst v63  }
0x43: {  	_ =	swait.ge [sflag:s22], $0x2800  }
0x44: {  	[sflag:s22] =	ssyncset.done $0x0  }
0x45: {  	[sflag:s22] =	ssyncadd.s32 $0xFFFFD800  }
0x46: {  	[spmem:s14] =	stream.linear.scatter [tilespmem:s21], [sflag:$0x5], $0x2800, $0x38;
	[tilespmem:$0x1F000] =	vst v63  }
0x47: {  	_ =	swait.ge [sflag:s22], $0x2800  }
0x48: {  	[sflag:s22] =	ssyncset.done $0x0  }
0x49: {  	[sflag:s22] =	ssyncadd.s32 $0xFFFFD800  }
0x4a: {  	[spmem:s15] =	stream.linear.scatter [tilespmem:s21], [sflag:$0x5], $0x2800, $0x38;
	[tilespmem:$0x1F000] =	vst v63  }
0x4b: {  	_ =	swait.ge [sflag:s22], $0x2800  }
0x4c: {  	[sflag:s22] =	ssyncset.done $0x0  }
0x4d: {  	[sflag:s22] =	ssyncadd.s32 $0xFFFFD800  }
0x4e: {  	[spmem:s16] =	stream.linear.scatter [tilespmem:s21], [sflag:$0x5], $0x2800, $0x38;
	[tilespmem:$0x1F000] =	vst v63  }
0x4f: {  	_ =	swait.ge [sflag:s22], $0x2800  }
0x50: {  	[sflag:s22] =	ssyncset.done $0x0  }
0x51: {  	[sflag:s22] =	ssyncadd.s32 $0xFFFFD800  }
0x52: {  	[spmem:s17] =	stream.linear.scatter [tilespmem:s21], [sflag:$0x5], $0x2800, $0x38;
	[tilespmem:$0x1F000] =	vst v63  }
0x53: {  	_ =	swait.ge [sflag:s22], $0x2800  }
0x54: {  	[sflag:s22] =	ssyncset.done $0x0  }
0x55: {  	[sflag:s22] =	ssyncadd.s32 $0xFFFFD800  }
0x56: {  	[spmem:s18] =	stream.linear.scatter [tilespmem:s21], [sflag:$0x5], $0x2800, $0x38;
	[tilespmem:$0x1F000] =	vst v63  }
0x57: {  	_ =	swait.ge [sflag:s22], $0x2800  }
0x58: {  	[sflag:s22] =	ssyncset.done $0x0  }
0x59: {  	[sflag:s22] =	ssyncadd.s32 $0xFFFFD800  }
0x5a: {  	[bflag:$0x0] =	sbarrier.arrive $0xFFFF  }
0x5b: {  	[tilespmem:s3], [sflag:$0x5] =	stream.linear.gather [hbm4b:s5+s3], $0xC80, $0x38;
	[tilespmem:$0x1F000] =	vst v63  }
0x5c: {  	s8 =	sadd.s32 $0x200, s5;
	s6 =	simm.s32 $0x1000  }
0x5d: {  	[tilespmem:s6], [sflag:$0x5] =	stream.linear.gather [hbm4b:s8+s3], $0xC80, $0x38;
	[tilespmem:$0x1F000] =	vst v63  }
0x5e: {  	s12 =	sadd.s32 $0x400, s5;
	s13 =	simm.s32 $0x2000  }
0x5f: {  	[tilespmem:s13], [sflag:$0x5] =	stream.linear.gather [hbm4b:s12+s3], $0xC80, $0x38;
	[tilespmem:$0x1F000] =	vst v63  }
0x60: {  	s19 =	sadd.s32 $0x600, s5;
	s20 =	simm.s32 $0x3000  }
0x61: {  	[tilespmem:s20], [sflag:$0x5] =	stream.linear.gather [hbm4b:s19+s3], $0xC80, $0x38;
	[tilespmem:$0x1F000] =	vst v63  }
0x62: {  	s7 =	sadd.s32 $0x800, s5;
	s8 =	simm.s32 $0x4000  }
0x63: {  	[tilespmem:s8], [sflag:$0x5] =	stream.linear.gather [hbm4b:s7+s3], $0xC80, $0x38;
	[tilespmem:$0x1F000] =	vst v63  }
0x64: {  	_ =	swait.ge [sflag:s22], $0x3E80  }
0x65: {  	[sflag:s22] =	ssyncset.done $0x0  }
0x66: {  	[sflag:s22] =	ssyncadd.s32 $0xFFFFC180  }
0x67: {  	[tilespmem:s28], [sflag:$0x1] =	stream.linear.gather [hbm4b:s4+s3], $0x500, $0x38;
	[tilespmem:$0x1F000] =	vst v63  }
0x68: {  	s12 =	rddreg [dreg:$0x3]  }
0x69: {  	[tilespmem:s29], [sflag:$0x2] =	stream.linear.gather [hbm4b:s12+s3], $0x500, $0x38;
	[tilespmem:$0x1F000] =	vst v63  }
0x6a: {  	_ =	swait.ge [sflag:s30], $0x500  }
0x6b: {  	[sflag:s30] =	ssyncset.done $0x0  }
0x6c: {  	[sflag:s30] =	ssyncadd.s32 $0xFFFFFB00  }
0x6d: {  	v1 =	vld [tilespmem:$0x5000]  }
0x6e: {  	v2 =	vld [tilespmem:$0x5010]  }
0x6f: {  	v3 =	vld [tilespmem:$0x5020]  }
0x70: {  	v4 =	vld [tilespmem:$0x5030]  }
0x71: {  	v5 =	vld [tilespmem:$0x5040]  }
0x72: {  	v58 =	vld [tilespmem:$0x5080];
	[tilespmem:$0x6000] =	vst v1  }
0x73: {  	v59 =	vld [tilespmem:$0x5090];
	[tilespmem:$0x6080] =	vst v2  }
0x74: {  	v1 =	vld [tilespmem:$0x5050];
	[tilespmem:$0x6100] =	vst v3  }
0x75: {  	v2 =	vld [tilespmem:$0x5060];
	[tilespmem:$0x6180] =	vst v4  }
0x76: {  	v3 =	vld [tilespmem:$0x5070];
	[tilespmem:$0x6200] =	vst v5  }
0x77: {  	v60 =	vld [tilespmem:$0x50D0];
	[tilespmem:$0x6400] =	vst v58  }
0x78: {  	v61 =	vld [tilespmem:$0x50E0];
	[tilespmem:$0x6480] =	vst v59  }
0x79: {  	[tilespmem:$0x6280] =	vst v1;
	v1 =	vld [tilespmem:$0x50A0]  }
0x7a: {  	[tilespmem:$0x6300] =	vst v2;
	v2 =	vld [tilespmem:$0x50B0]  }
0x7b: {  	[tilespmem:$0x6380] =	vst v3;
	v3 =	vld [tilespmem:$0x50C0]  }
0x7c: {  	v62 =	vld [tilespmem:$0x5120];
	[tilespmem:$0x6680] =	vst v60  }
0x7d: {  	v63 =	vld [tilespmem:$0x5130];
	[tilespmem:$0x6700] =	vst v61  }
0x7e: {  	[tilespmem:$0x6500] =	vst v1;
	v1 =	vld [tilespmem:$0x50F0]  }
0x7f: {  	[tilespmem:$0x6580] =	vst v2;
	v2 =	vld [tilespmem:$0x5100]  }
0x80: {  	[tilespmem:$0x6600] =	vst v3;
	v3 =	vld [tilespmem:$0x5110]  }
0x81: {  	v8 =	vld [tilespmem:$0x5170];
	[tilespmem:$0x6900] =	vst v62  }
0x82: {  	v9 =	vld [tilespmem:$0x5180];
	[tilespmem:$0x6980] =	vst v63  }
0x83: {  	[tilespmem:$0x6780] =	vst v1;
	v1 =	vld [tilespmem:$0x5140]  }
0x84: {  	[tilespmem:$0x6800] =	vst v2;
	v2 =	vld [tilespmem:$0x5150]  }
0x85: {  	[tilespmem:$0x6880] =	vst v3;
	v3 =	vld [tilespmem:$0x5160]  }
0x86: {  	v10 =	vld [tilespmem:$0x51C0];
	[tilespmem:$0x6B80] =	vst v8  }
0x87: {  	v11 =	vld [tilespmem:$0x51D0];
	[tilespmem:$0x6C00] =	vst v9  }
0x88: {  	[tilespmem:$0x6A00] =	vst v1;
	v1 =	vld [tilespmem:$0x5190]  }
0x89: {  	[tilespmem:$0x6A80] =	vst v2;
	v2 =	vld [tilespmem:$0x51A0]  }
0x8a: {  	[tilespmem:$0x6B00] =	vst v3;
	v3 =	vld [tilespmem:$0x51B0]  }
0x8b: {  	v12 =	vld [tilespmem:$0x5210];
	[tilespmem:$0x6E00] =	vst v10  }
0x8c: {  	v13 =	vld [tilespmem:$0x5220];
	[tilespmem:$0x6E80] =	vst v11  }
0x8d: {  	[tilespmem:$0x6C80] =	vst v1;
	v1 =	vld [tilespmem:$0x51E0]  }
0x8e: {  	[tilespmem:$0x6D00] =	vst v2;
	v2 =	vld [tilespmem:$0x51F0]  }
0x8f: {  	[tilespmem:$0x6D80] =	vst v3;
	v3 =	vld [tilespmem:$0x5200]  }
0x90: {  	v14 =	vld [tilespmem:$0x5260];
	[tilespmem:$0x7080] =	vst v12  }
0x91: {  	v15 =	vld [tilespmem:$0x5270];
	[tilespmem:$0x7100] =	vst v13  }
0x92: {  	[tilespmem:$0x6F00] =	vst v1;
	v1 =	vld [tilespmem:$0x5230]  }
0x93: {  	[tilespmem:$0x6F80] =	vst v2;
	v2 =	vld [tilespmem:$0x5240]  }
0x94: {  	[tilespmem:$0x7000] =	vst v3;
	v3 =	vld [tilespmem:$0x5250]  }
0x95: {  	v16 =	vld [tilespmem:$0x52B0];
	[tilespmem:$0x7300] =	vst v14  }
0x96: {  	v17 =	vld [tilespmem:$0x52C0];
	[tilespmem:$0x7380] =	vst v15  }
0x97: {  	[tilespmem:$0x7180] =	vst v1;
	v1 =	vld [tilespmem:$0x5280]  }
0x98: {  	[tilespmem:$0x7200] =	vst v2;
	v2 =	vld [tilespmem:$0x5290]  }
0x99: {  	[tilespmem:$0x7280] =	vst v3;
	v3 =	vld [tilespmem:$0x52A0]  }
0x9a: {  	v18 =	vld [tilespmem:$0x5300];
	[tilespmem:$0x7580] =	vst v16  }
0x9b: {  	v19 =	vld [tilespmem:$0x5310];
	[tilespmem:$0x7600] =	vst v17  }
0x9c: {  	[tilespmem:$0x7400] =	vst v1;
	v1 =	vld [tilespmem:$0x52D0]  }
0x9d: {  	[tilespmem:$0x7480] =	vst v2;
	v2 =	vld [tilespmem:$0x52E0]  }
0x9e: {  	[tilespmem:$0x7500] =	vst v3;
	v3 =	vld [tilespmem:$0x52F0]  }
0x9f: {  	v20 =	vld [tilespmem:$0x5350];
	[tilespmem:$0x7800] =	vst v18  }
0xa0: {  	v21 =	vld [tilespmem:$0x5360];
	[tilespmem:$0x7880] =	vst v19  }
0xa1: {  	[tilespmem:$0x7680] =	vst v1;
	v1 =	vld [tilespmem:$0x5320]  }
0xa2: {  	[tilespmem:$0x7700] =	vst v2;
	v2 =	vld [tilespmem:$0x5330]  }
0xa3: {  	[tilespmem:$0x7780] =	vst v3;
	v3 =	vld [tilespmem:$0x5340]  }
0xa4: {  	v22 =	vld [tilespmem:$0x53A0];
	[tilespmem:$0x7A80] =	vst v20  }
0xa5: {  	v23 =	vld [tilespmem:$0x53B0];
	[tilespmem:$0x7B00] =	vst v21  }
0xa6: {  	[tilespmem:$0x7900] =	vst v1;
	v1 =	vld [tilespmem:$0x5370]  }
0xa7: {  	[tilespmem:$0x7980] =	vst v2;
	v2 =	vld [tilespmem:$0x5380]  }
0xa8: {  	[tilespmem:$0x7A00] =	vst v3;
	v3 =	vld [tilespmem:$0x5390]  }
0xa9: {  	v24 =	vld [tilespmem:$0x53F0];
	[tilespmem:$0x7D00] =	vst v22  }
0xaa: {  	v25 =	vld [tilespmem:$0x5400];
	[tilespmem:$0x7D80] =	vst v23  }
0xab: {  	[tilespmem:$0x7B80] =	vst v1;
	v1 =	vld [tilespmem:$0x53C0]  }
0xac: {  	[tilespmem:$0x7C00] =	vst v2;
	v2 =	vld [tilespmem:$0x53D0]  }
0xad: {  	[tilespmem:$0x7C80] =	vst v3;
	v3 =	vld [tilespmem:$0x53E0]  }
0xae: {  	v26 =	vld [tilespmem:$0x5440];
	[tilespmem:$0x7F80] =	vst v24  }
0xaf: {  	v27 =	vld [tilespmem:$0x5450];
	[tilespmem:$0x8000] =	vst v25  }
0xb0: {  	[tilespmem:$0x7E00] =	vst v1;
	v1 =	vld [tilespmem:$0x5410]  }
0xb1: {  	[tilespmem:$0x7E80] =	vst v2;
	v2 =	vld [tilespmem:$0x5420]  }
0xb2: {  	[tilespmem:$0x7F00] =	vst v3;
	v3 =	vld [tilespmem:$0x5430]  }
0xb3: {  	v28 =	vld [tilespmem:$0x5490];
	[tilespmem:$0x8200] =	vst v26  }
0xb4: {  	v29 =	vld [tilespmem:$0x54A0];
	[tilespmem:$0x8280] =	vst v27  }
0xb5: {  	[tilespmem:$0x8080] =	vst v1;
	v1 =	vld [tilespmem:$0x5460]  }
0xb6: {  	[tilespmem:$0x8100] =	vst v2;
	v2 =	vld [tilespmem:$0x5470]  }
0xb7: {  	[tilespmem:$0x8180] =	vst v3;
	v3 =	vld [tilespmem:$0x5480]  }
0xb8: {  	v30 =	vld [tilespmem:$0x54E0];
	[tilespmem:$0x8480] =	vst v28  }
0xb9: {  	v31 =	vld [tilespmem:$0x54F0];
	[tilespmem:$0x8500] =	vst v29  }
0xba: {  	[tilespmem:$0x8300] =	vst v1;
	v1 =	vld [tilespmem:$0x54B0]  }
0xbb: {  	[tilespmem:$0x8380] =	vst v2;
	v2 =	vld [tilespmem:$0x54C0]  }
0xbc: {  	[tilespmem:$0x8400] =	vst v3;
	v3 =	vld [tilespmem:$0x54D0]  }
0xbd: {  	[tilespmem:$0x8700] =	vst v30  }
0xbe: {  	[tilespmem:$0x8780] =	vst v31  }
0xbf: {  	[tilespmem:$0x8580] =	vst v1  }
0xc0: {  	[tilespmem:$0x8600] =	vst v2  }
0xc1: {  	[tilespmem:$0x8680] =	vst v3  }
0xc2: {  	[spmem:s2] =	stream.indirect.scatter.add.f32 [tilespmem:s21], [sflag:$0x3], $0x80, s3, s31, $0xb8;
	[tilespmem:$0x1F000] =	vst v63  }
0xc3: {  	s0 =	simm.s32 $0x2;
	s13 =	rddreg [dreg:$0x4]  }
0xc4: {  	[tilespmem:s28], [sflag:$0x1] =	stream.linear.gather [hbm4b:s13+s3], $0x500, $0x38;
	[tilespmem:$0x1F000] =	vst v63  }
0xc5: {  	_ =	swait.ge [sflag:s0], $0x500  }
0xc6: {  	[sflag:s0] =	ssyncset.done $0x0  }
0xc7: {  	[sflag:s0] =	ssyncadd.s32 $0xFFFFFB00  }
0xc8: {  	v1 =	vld [tilespmem:$0x5800]  }
0xc9: {  	v2 =	vld [tilespmem:$0x5810]  }
0xca: {  	v3 =	vld [tilespmem:$0x5820]  }
0xcb: {  	v32 =	vld [tilespmem:$0x5830]  }
0xcc: {  	v33 =	vld [tilespmem:$0x5840]  }
0xcd: {  	v34 =	vld [tilespmem:$0x5880];
	[tilespmem:$0x8800] =	vst v1  }
0xce: {  	v35 =	vld [tilespmem:$0x5890];
	[tilespmem:$0x8880] =	vst v2  }
0xcf: {  	v1 =	vld [tilespmem:$0x5850];
	[tilespmem:$0x8900] =	vst v3  }
0xd0: {  	v2 =	vld [tilespmem:$0x5860];
	[tilespmem:$0x8980] =	vst v32  }
0xd1: {  	v3 =	vld [tilespmem:$0x5870];
	[tilespmem:$0x8A00] =	vst v33  }
0xd2: {  	v36 =	vld [tilespmem:$0x58D0];
	[tilespmem:$0x8C00] =	vst v34  }
0xd3: {  	v37 =	vld [tilespmem:$0x58E0];
	[tilespmem:$0x8C80] =	vst v35  }
0xd4: {  	[tilespmem:$0x8A80] =	vst v1;
	v1 =	vld [tilespmem:$0x58A0]  }
0xd5: {  	[tilespmem:$0x8B00] =	vst v2;
	v2 =	vld [tilespmem:$0x58B0]  }
0xd6: {  	[tilespmem:$0x8B80] =	vst v3;
	v3 =	vld [tilespmem:$0x58C0]  }
0xd7: {  	v38 =	vld [tilespmem:$0x5920];
	[tilespmem:$0x8E80] =	vst v36  }
0xd8: {  	v39 =	vld [tilespmem:$0x5930];
	[tilespmem:$0x8F00] =	vst v37  }
0xd9: {  	[tilespmem:$0x8D00] =	vst v1;
	v1 =	vld [tilespmem:$0x58F0]  }
0xda: {  	[tilespmem:$0x8D80] =	vst v2;
	v2 =	vld [tilespmem:$0x5900]  }
0xdb: {  	[tilespmem:$0x8E00] =	vst v3;
	v3 =	vld [tilespmem:$0x5910]  }
0xdc: {  	v40 =	vld [tilespmem:$0x5970];
	[tilespmem:$0x9100] =	vst v38  }
0xdd: {  	v41 =	vld [tilespmem:$0x5980];
	[tilespmem:$0x9180] =	vst v39  }
0xde: {  	[tilespmem:$0x8F80] =	vst v1;
	v1 =	vld [tilespmem:$0x5940]  }
0xdf: {  	[tilespmem:$0x9000] =	vst v2;
	v2 =	vld [tilespmem:$0x5950]  }
0xe0: {  	[tilespmem:$0x9080] =	vst v3;
	v3 =	vld [tilespmem:$0x5960]  }
0xe1: {  	v42 =	vld [tilespmem:$0x59C0];
	[tilespmem:$0x9380] =	vst v40  }
0xe2: {  	v43 =	vld [tilespmem:$0x59D0];
	[tilespmem:$0x9400] =	vst v41  }
0xe3: {  	[tilespmem:$0x9200] =	vst v1;
	v1 =	vld [tilespmem:$0x5990]  }
0xe4: {  	[tilespmem:$0x9280] =	vst v2;
	v2 =	vld [tilespmem:$0x59A0]  }
0xe5: {  	[tilespmem:$0x9300] =	vst v3;
	v3 =	vld [tilespmem:$0x59B0]  }
0xe6: {  	v44 =	vld [tilespmem:$0x5A10];
	[tilespmem:$0x9600] =	vst v42  }
0xe7: {  	v45 =	vld [tilespmem:$0x5A20];
	[tilespmem:$0x9680] =	vst v43  }
0xe8: {  	[tilespmem:$0x9480] =	vst v1;
	v1 =	vld [tilespmem:$0x59E0]  }
0xe9: {  	[tilespmem:$0x9500] =	vst v2;
	v2 =	vld [tilespmem:$0x59F0]  }
0xea: {  	[tilespmem:$0x9580] =	vst v3;
	v3 =	vld [tilespmem:$0x5A00]  }
0xeb: {  	v46 =	vld [tilespmem:$0x5A60];
	[tilespmem:$0x9880] =	vst v44  }
0xec: {  	v47 =	vld [tilespmem:$0x5A70];
	[tilespmem:$0x9900] =	vst v45  }
0xed: {  	[tilespmem:$0x9700] =	vst v1;
	v1 =	vld [tilespmem:$0x5A30]  }
0xee: {  	[tilespmem:$0x9780] =	vst v2;
	v2 =	vld [tilespmem:$0x5A40]  }
0xef: {  	[tilespmem:$0x9800] =	vst v3;
	v3 =	vld [tilespmem:$0x5A50]  }
0xf0: {  	v48 =	vld [tilespmem:$0x5AB0];
	[tilespmem:$0x9B00] =	vst v46  }
0xf1: {  	v49 =	vld [tilespmem:$0x5AC0];
	[tilespmem:$0x9B80] =	vst v47  }
0xf2: {  	[tilespmem:$0x9980] =	vst v1;
	v1 =	vld [tilespmem:$0x5A80]  }
0xf3: {  	[tilespmem:$0x9A00] =	vst v2;
	v2 =	vld [tilespmem:$0x5A90]  }
0xf4: {  	[tilespmem:$0x9A80] =	vst v3;
	v3 =	vld [tilespmem:$0x5AA0]  }
0xf5: {  	v50 =	vld [tilespmem:$0x5B00];
	[tilespmem:$0x9D80] =	vst v48  }
0xf6: {  	v51 =	vld [tilespmem:$0x5B10];
	[tilespmem:$0x9E00] =	vst v49  }
0xf7: {  	[tilespmem:$0x9C00] =	vst v1;
	v1 =	vld [tilespmem:$0x5AD0]  }
0xf8: {  	[tilespmem:$0x9C80] =	vst v2;
	v2 =	vld [tilespmem:$0x5AE0]  }
0xf9: {  	[tilespmem:$0x9D00] =	vst v3;
	v3 =	vld [tilespmem:$0x5AF0]  }
0xfa: {  	v52 =	vld [tilespmem:$0x5B50];
	[tilespmem:$0xA000] =	vst v50  }
0xfb: {  	v53 =	vld [tilespmem:$0x5B60];
	[tilespmem:$0xA080] =	vst v51  }
0xfc: {  	[tilespmem:$0x9E80] =	vst v1;
	v1 =	vld [tilespmem:$0x5B20]  }
0xfd: {  	[tilespmem:$0x9F00] =	vst v2;
	v2 =	vld [tilespmem:$0x5B30]  }
0xfe: {  	[tilespmem:$0x9F80] =	vst v3;
	v3 =	vld [tilespmem:$0x5B40]  }
0xff: {  	v54 =	vld [tilespmem:$0x5BA0];
	[tilespmem:$0xA280] =	vst v52  }
0x100: {  	v55 =	vld [tilespmem:$0x5BB0];
	[tilespmem:$0xA300] =	vst v53  }
0x101: {  	[tilespmem:$0xA100] =	vst v1;
	v1 =	vld [tilespmem:$0x5B70]  }
0x102: {  	[tilespmem:$0xA180] =	vst v2;
	v2 =	vld [tilespmem:$0x5B80]  }
0x103: {  	[tilespmem:$0xA200] =	vst v3;
	v3 =	vld [tilespmem:$0x5B90]  }
0x104: {  	v56 =	vld [tilespmem:$0x5BF0];
	[tilespmem:$0xA500] =	vst v54  }
0x105: {  	v57 =	vld [tilespmem:$0x5C00];
	[tilespmem:$0xA580] =	vst v55  }
0x106: {  	[tilespmem:$0xA380] =	vst v1;
	v1 =	vld [tilespmem:$0x5BC0]  }
0x107: {  	[tilespmem:$0xA400] =	vst v2;
	v2 =	vld [tilespmem:$0x5BD0]  }
0x108: {  	[tilespmem:$0xA480] =	vst v3;
	v3 =	vld [tilespmem:$0x5BE0]  }
0x109: {  	v58 =	vld [tilespmem:$0x5C40];
	[tilespmem:$0xA780] =	vst v56  }
0x10a: {  	v59 =	vld [tilespmem:$0x5C50];
	[tilespmem:$0xA800] =	vst v57  }
0x10b: {  	[tilespmem:$0xA600] =	vst v1;
	v1 =	vld [tilespmem:$0x5C10]  }
0x10c: {  	[tilespmem:$0xA680] =	vst v2;
	v2 =	vld [tilespmem:$0x5C20]  }
0x10d: {  	[tilespmem:$0xA700] =	vst v3;
	v3 =	vld [tilespmem:$0x5C30]  }
0x10e: {  	v60 =	vld [tilespmem:$0x5C90];
	[tilespmem:$0xAA00] =	vst v58  }
0x10f: {  	v61 =	vld [tilespmem:$0x5CA0];
	[tilespmem:$0xAA80] =	vst v59  }
0x110: {  	[tilespmem:$0xA880] =	vst v1;
	v1 =	vld [tilespmem:$0x5C60]  }
0x111: {  	[tilespmem:$0xA900] =	vst v2;
	v2 =	vld [tilespmem:$0x5C70]  }
0x112: {  	[tilespmem:$0xA980] =	vst v3;
	v3 =	vld [tilespmem:$0x5C80]  }
0x113: {  	v62 =	vld [tilespmem:$0x5CE0];
	[tilespmem:$0xAC80] =	vst v60  }
0x114: {  	v63 =	vld [tilespmem:$0x5CF0];
	[tilespmem:$0xAD00] =	vst v61  }
0x115: {  	[tilespmem:$0xAB00] =	vst v1;
	v1 =	vld [tilespmem:$0x5CB0]  }
0x116: {  	[tilespmem:$0xAB80] =	vst v2;
	v2 =	vld [tilespmem:$0x5CC0]  }
0x117: {  	[tilespmem:$0xAC00] =	vst v3;
	v3 =	vld [tilespmem:$0x5CD0]  }
0x118: {  	[tilespmem:$0xAF00] =	vst v62  }
0x119: {  	[tilespmem:$0xAF80] =	vst v63  }
0x11a: {  	[tilespmem:$0xAD80] =	vst v1  }
0x11b: {  	[tilespmem:$0xAE00] =	vst v2  }
0x11c: {  	s19 =	simm.s32 $0x80;
	[tilespmem:$0xAE80] =	vst v3  }
0x11d: {  	[spmem:s2] =	stream.indirect.scatter.add.f32 [tilespmem:s23], [sflag:$0x4], $0x80, s19, s31, $0xb8;
	[tilespmem:$0x1F000] =	vst v63  }
0x11e: {  	s6 =	simm.s32 $0x3;
	s7 =	simm.s32 $0x100;
	s20 =	rddreg [dreg:$0x5]  }
0x11f: {  	[tilespmem:s29], [sflag:$0x2] =	stream.linear.gather [hbm4b:s20+s3], $0x500, $0x38;
	[tilespmem:$0x1F000] =	vst v63  }
0x120: {  	s8 =	simm.s32 $0x180;
	s19 =	smov.u32 s11;
	s20 =	smov.u32 s10  }
.LBB2_6:
0x121: {  	_ =	swait.ge [sflag:s24], $0x2800  }
0x122: {  	[sflag:s24] =	ssyncset.done $0x0  }
0x123: {  	[sflag:s24] =	ssyncadd.s32 $0xFFFFD800  }
0x124: {  	_ =	swait.ge [sflag:s30], $0x500  }
0x125: {  	[sflag:s30] =	ssyncset.done $0x0  }
0x126: {  	[sflag:s30] =	ssyncadd.s32 $0xFFFFFB00  }
0x127: {  	v1 =	vld [tilespmem:$0x5000]  }
0x128: {  	v2 =	vld [tilespmem:$0x5010]  }
0x129: {  	v3 =	vld [tilespmem:$0x5020]  }
0x12a: {  	v4 =	vld [tilespmem:$0x5030]  }
0x12b: {  	v5 =	vld [tilespmem:$0x5040]  }
0x12c: {  	v58 =	vld [tilespmem:$0x5080];
	[tilespmem:$0x6000] =	vst v1  }
0x12d: {  	v59 =	vld [tilespmem:$0x5090];
	[tilespmem:$0x6080] =	vst v2  }
0x12e: {  	v1 =	vld [tilespmem:$0x5050];
	[tilespmem:$0x6100] =	vst v3  }
0x12f: {  	v2 =	vld [tilespmem:$0x5060];
	[tilespmem:$0x6180] =	vst v4  }
0x130: {  	v3 =	vld [tilespmem:$0x5070];
	[tilespmem:$0x6200] =	vst v5  }
0x131: {  	v60 =	vld [tilespmem:$0x50D0];
	[tilespmem:$0x6400] =	vst v58  }
0x132: {  	v61 =	vld [tilespmem:$0x50E0];
	[tilespmem:$0x6480] =	vst v59  }
0x133: {  	[tilespmem:$0x6280] =	vst v1;
	v1 =	vld [tilespmem:$0x50A0]  }
0x134: {  	[tilespmem:$0x6300] =	vst v2;
	v2 =	vld [tilespmem:$0x50B0]  }
0x135: {  	[tilespmem:$0x6380] =	vst v3;
	v3 =	vld [tilespmem:$0x50C0]  }
0x136: {  	v62 =	vld [tilespmem:$0x5120];
	[tilespmem:$0x6680] =	vst v60  }
0x137: {  	v63 =	vld [tilespmem:$0x5130];
	[tilespmem:$0x6700] =	vst v61  }
0x138: {  	[tilespmem:$0x6500] =	vst v1;
	v1 =	vld [tilespmem:$0x50F0]  }
0x139: {  	[tilespmem:$0x6580] =	vst v2;
	v2 =	vld [tilespmem:$0x5100]  }
0x13a: {  	[tilespmem:$0x6600] =	vst v3;
	v3 =	vld [tilespmem:$0x5110]  }
0x13b: {  	v8 =	vld [tilespmem:$0x5170];
	[tilespmem:$0x6900] =	vst v62  }
0x13c: {  	v9 =	vld [tilespmem:$0x5180];
	[tilespmem:$0x6980] =	vst v63  }
0x13d: {  	[tilespmem:$0x6780] =	vst v1;
	v1 =	vld [tilespmem:$0x5140]  }
0x13e: {  	[tilespmem:$0x6800] =	vst v2;
	v2 =	vld [tilespmem:$0x5150]  }
0x13f: {  	[tilespmem:$0x6880] =	vst v3;
	v3 =	vld [tilespmem:$0x5160]  }
0x140: {  	v10 =	vld [tilespmem:$0x51C0];
	[tilespmem:$0x6B80] =	vst v8  }
0x141: {  	v11 =	vld [tilespmem:$0x51D0];
	[tilespmem:$0x6C00] =	vst v9  }
0x142: {  	[tilespmem:$0x6A00] =	vst v1;
	v1 =	vld [tilespmem:$0x5190]  }
0x143: {  	[tilespmem:$0x6A80] =	vst v2;
	v2 =	vld [tilespmem:$0x51A0]  }
0x144: {  	[tilespmem:$0x6B00] =	vst v3;
	v3 =	vld [tilespmem:$0x51B0]  }
0x145: {  	v12 =	vld [tilespmem:$0x5210];
	[tilespmem:$0x6E00] =	vst v10  }
0x146: {  	v13 =	vld [tilespmem:$0x5220];
	[tilespmem:$0x6E80] =	vst v11  }
0x147: {  	[tilespmem:$0x6C80] =	vst v1;
	v1 =	vld [tilespmem:$0x51E0]  }
0x148: {  	[tilespmem:$0x6D00] =	vst v2;
	v2 =	vld [tilespmem:$0x51F0]  }
0x149: {  	[tilespmem:$0x6D80] =	vst v3;
	v3 =	vld [tilespmem:$0x5200]  }
0x14a: {  	v14 =	vld [tilespmem:$0x5260];
	[tilespmem:$0x7080] =	vst v12  }
0x14b: {  	v15 =	vld [tilespmem:$0x5270];
	[tilespmem:$0x7100] =	vst v13  }
0x14c: {  	[tilespmem:$0x6F00] =	vst v1;
	v1 =	vld [tilespmem:$0x5230]  }
0x14d: {  	[tilespmem:$0x6F80] =	vst v2;
	v2 =	vld [tilespmem:$0x5240]  }
0x14e: {  	[tilespmem:$0x7000] =	vst v3;
	v3 =	vld [tilespmem:$0x5250]  }
0x14f: {  	v16 =	vld [tilespmem:$0x52B0];
	[tilespmem:$0x7300] =	vst v14  }
0x150: {  	v17 =	vld [tilespmem:$0x52C0];
	[tilespmem:$0x7380] =	vst v15  }
0x151: {  	[tilespmem:$0x7180] =	vst v1;
	v1 =	vld [tilespmem:$0x5280]  }
0x152: {  	[tilespmem:$0x7200] =	vst v2;
	v2 =	vld [tilespmem:$0x5290]  }
0x153: {  	[tilespmem:$0x7280] =	vst v3;
	v3 =	vld [tilespmem:$0x52A0]  }
0x154: {  	v18 =	vld [tilespmem:$0x5300];
	[tilespmem:$0x7580] =	vst v16  }
0x155: {  	v19 =	vld [tilespmem:$0x5310];
	[tilespmem:$0x7600] =	vst v17  }
0x156: {  	[tilespmem:$0x7400] =	vst v1;
	v1 =	vld [tilespmem:$0x52D0]  }
0x157: {  	[tilespmem:$0x7480] =	vst v2;
	v2 =	vld [tilespmem:$0x52E0]  }
0x158: {  	[tilespmem:$0x7500] =	vst v3;
	v3 =	vld [tilespmem:$0x52F0]  }
0x159: {  	v20 =	vld [tilespmem:$0x5350];
	[tilespmem:$0x7800] =	vst v18  }
0x15a: {  	v21 =	vld [tilespmem:$0x5360];
	[tilespmem:$0x7880] =	vst v19  }
0x15b: {  	[tilespmem:$0x7680] =	vst v1;
	v1 =	vld [tilespmem:$0x5320]  }
0x15c: {  	[tilespmem:$0x7700] =	vst v2;
	v2 =	vld [tilespmem:$0x5330]  }
0x15d: {  	[tilespmem:$0x7780] =	vst v3;
	v3 =	vld [tilespmem:$0x5340]  }
0x15e: {  	v22 =	vld [tilespmem:$0x53A0];
	[tilespmem:$0x7A80] =	vst v20  }
0x15f: {  	v23 =	vld [tilespmem:$0x53B0];
	[tilespmem:$0x7B00] =	vst v21  }
0x160: {  	[tilespmem:$0x7900] =	vst v1;
	v1 =	vld [tilespmem:$0x5370]  }
0x161: {  	[tilespmem:$0x7980] =	vst v2;
	v2 =	vld [tilespmem:$0x5380]  }
0x162: {  	[tilespmem:$0x7A00] =	vst v3;
	v3 =	vld [tilespmem:$0x5390]  }
0x163: {  	v24 =	vld [tilespmem:$0x53F0];
	[tilespmem:$0x7D00] =	vst v22  }
0x164: {  	v25 =	vld [tilespmem:$0x5400];
	[tilespmem:$0x7D80] =	vst v23  }
0x165: {  	[tilespmem:$0x7B80] =	vst v1;
	v1 =	vld [tilespmem:$0x53C0]  }
0x166: {  	[tilespmem:$0x7C00] =	vst v2;
	v2 =	vld [tilespmem:$0x53D0]  }
0x167: {  	[tilespmem:$0x7C80] =	vst v3;
	v3 =	vld [tilespmem:$0x53E0]  }
0x168: {  	v26 =	vld [tilespmem:$0x5440];
	[tilespmem:$0x7F80] =	vst v24  }
0x169: {  	v27 =	vld [tilespmem:$0x5450];
	[tilespmem:$0x8000] =	vst v25  }
0x16a: {  	[tilespmem:$0x7E00] =	vst v1;
	v1 =	vld [tilespmem:$0x5410]  }
0x16b: {  	[tilespmem:$0x7E80] =	vst v2;
	v2 =	vld [tilespmem:$0x5420]  }
0x16c: {  	[tilespmem:$0x7F00] =	vst v3;
	v3 =	vld [tilespmem:$0x5430]  }
0x16d: {  	v28 =	vld [tilespmem:$0x5490];
	[tilespmem:$0x8200] =	vst v26  }
0x16e: {  	v29 =	vld [tilespmem:$0x54A0];
	[tilespmem:$0x8280] =	vst v27  }
0x16f: {  	[tilespmem:$0x8080] =	vst v1;
	v1 =	vld [tilespmem:$0x5460]  }
0x170: {  	[tilespmem:$0x8100] =	vst v2;
	v2 =	vld [tilespmem:$0x5470]  }
0x171: {  	[tilespmem:$0x8180] =	vst v3;
	v3 =	vld [tilespmem:$0x5480]  }
0x172: {  	v30 =	vld [tilespmem:$0x54E0];
	[tilespmem:$0x8480] =	vst v28  }
0x173: {  	v31 =	vld [tilespmem:$0x54F0];
	[tilespmem:$0x8500] =	vst v29  }
0x174: {  	[tilespmem:$0x8300] =	vst v1;
	v1 =	vld [tilespmem:$0x54B0]  }
0x175: {  	s12 =	smulhi.u32 $0x51EB851F, s0;
	[tilespmem:$0x8380] =	vst v2;
	v2 =	vld [tilespmem:$0x54C0]  }
0x176: {  	[tilespmem:$0x8400] =	vst v3;
	v3 =	vld [tilespmem:$0x54D0]  }
0x177: {  	s12 =	sshrl.u32 s12, $0x3;
	[tilespmem:$0x8700] =	vst v30  }
0x178: {  	s12 =	smul.u32 $0xE00, s12;
	[tilespmem:$0x8780] =	vst v31  }
0x179: {  	[tilespmem:$0x8580] =	vst v1  }
0x17a: {  	s12 =	sshra.s32 s12, $0x2;
	[tilespmem:$0x8600] =	vst v2  }
0x17b: {  	s12 =	sadd.s32 s12, s7;
	[tilespmem:$0x8680] =	vst v3  }
0x17c: {  	[spmem:s2] =	stream.indirect.scatter.add.f32 [tilespmem:s21], [sflag:$0x3], $0x80, s12, s31, $0xb8;
	[tilespmem:$0x1F000] =	vst v63  }
0x17d: {  	_ = 	snop  }
0x17e: {  	[tilespmem:s28], [sflag:$0x1] =	stream.linear.gather [hbm4b:s20+s3], $0x500, $0x38;
	[tilespmem:$0x1F000] =	vst v63  }
0x17f: {  	_ =	swait.ge [sflag:s25], $0x2800  }
0x180: {  	[sflag:s25] =	ssyncset.done $0x0  }
0x181: {  	[sflag:s25] =	ssyncadd.s32 $0xFFFFD800  }
0x182: {  	_ =	swait.ge [sflag:s26], $0x500  }
0x183: {  	[sflag:s26] =	ssyncset.done $0x0  }
0x184: {  	[sflag:s26] =	ssyncadd.s32 $0xFFFFFB00  }
0x185: {  	v1 =	vld [tilespmem:$0x5800]  }
0x186: {  	v2 =	vld [tilespmem:$0x5810]  }
0x187: {  	v3 =	vld [tilespmem:$0x5820]  }
0x188: {  	v32 =	vld [tilespmem:$0x5830]  }
0x189: {  	v33 =	vld [tilespmem:$0x5840]  }
0x18a: {  	v34 =	vld [tilespmem:$0x5880];
	[tilespmem:$0x8800] =	vst v1  }
0x18b: {  	v35 =	vld [tilespmem:$0x5890];
	[tilespmem:$0x8880] =	vst v2  }
0x18c: {  	v1 =	vld [tilespmem:$0x5850];
	[tilespmem:$0x8900] =	vst v3  }
0x18d: {  	v2 =	vld [tilespmem:$0x5860];
	[tilespmem:$0x8980] =	vst v32  }
0x18e: {  	v3 =	vld [tilespmem:$0x5870];
	[tilespmem:$0x8A00] =	vst v33  }
0x18f: {  	v36 =	vld [tilespmem:$0x58D0];
	[tilespmem:$0x8C00] =	vst v34  }
0x190: {  	v37 =	vld [tilespmem:$0x58E0];
	[tilespmem:$0x8C80] =	vst v35  }
0x191: {  	[tilespmem:$0x8A80] =	vst v1;
	v1 =	vld [tilespmem:$0x58A0]  }
0x192: {  	[tilespmem:$0x8B00] =	vst v2;
	v2 =	vld [tilespmem:$0x58B0]  }
0x193: {  	[tilespmem:$0x8B80] =	vst v3;
	v3 =	vld [tilespmem:$0x58C0]  }
0x194: {  	v38 =	vld [tilespmem:$0x5920];
	[tilespmem:$0x8E80] =	vst v36  }
0x195: {  	v39 =	vld [tilespmem:$0x5930];
	[tilespmem:$0x8F00] =	vst v37  }
0x196: {  	[tilespmem:$0x8D00] =	vst v1;
	v1 =	vld [tilespmem:$0x58F0]  }
0x197: {  	[tilespmem:$0x8D80] =	vst v2;
	v2 =	vld [tilespmem:$0x5900]  }
0x198: {  	[tilespmem:$0x8E00] =	vst v3;
	v3 =	vld [tilespmem:$0x5910]  }
0x199: {  	v40 =	vld [tilespmem:$0x5970];
	[tilespmem:$0x9100] =	vst v38  }
0x19a: {  	v41 =	vld [tilespmem:$0x5980];
	[tilespmem:$0x9180] =	vst v39  }
0x19b: {  	[tilespmem:$0x8F80] =	vst v1;
	v1 =	vld [tilespmem:$0x5940]  }
0x19c: {  	[tilespmem:$0x9000] =	vst v2;
	v2 =	vld [tilespmem:$0x5950]  }
0x19d: {  	[tilespmem:$0x9080] =	vst v3;
	v3 =	vld [tilespmem:$0x5960]  }
0x19e: {  	v42 =	vld [tilespmem:$0x59C0];
	[tilespmem:$0x9380] =	vst v40  }
0x19f: {  	v43 =	vld [tilespmem:$0x59D0];
	[tilespmem:$0x9400] =	vst v41  }
0x1a0: {  	[tilespmem:$0x9200] =	vst v1;
	v1 =	vld [tilespmem:$0x5990]  }
0x1a1: {  	[tilespmem:$0x9280] =	vst v2;
	v2 =	vld [tilespmem:$0x59A0]  }
0x1a2: {  	[tilespmem:$0x9300] =	vst v3;
	v3 =	vld [tilespmem:$0x59B0]  }
0x1a3: {  	v44 =	vld [tilespmem:$0x5A10];
	[tilespmem:$0x9600] =	vst v42  }
0x1a4: {  	v45 =	vld [tilespmem:$0x5A20];
	[tilespmem:$0x9680] =	vst v43  }
0x1a5: {  	[tilespmem:$0x9480] =	vst v1;
	v1 =	vld [tilespmem:$0x59E0]  }
0x1a6: {  	[tilespmem:$0x9500] =	vst v2;
	v2 =	vld [tilespmem:$0x59F0]  }
0x1a7: {  	[tilespmem:$0x9580] =	vst v3;
	v3 =	vld [tilespmem:$0x5A00]  }
0x1a8: {  	v46 =	vld [tilespmem:$0x5A60];
	[tilespmem:$0x9880] =	vst v44  }
0x1a9: {  	v47 =	vld [tilespmem:$0x5A70];
	[tilespmem:$0x9900] =	vst v45  }
0x1aa: {  	[tilespmem:$0x9700] =	vst v1;
	v1 =	vld [tilespmem:$0x5A30]  }
0x1ab: {  	[tilespmem:$0x9780] =	vst v2;
	v2 =	vld [tilespmem:$0x5A40]  }
0x1ac: {  	[tilespmem:$0x9800] =	vst v3;
	v3 =	vld [tilespmem:$0x5A50]  }
0x1ad: {  	v48 =	vld [tilespmem:$0x5AB0];
	[tilespmem:$0x9B00] =	vst v46  }
0x1ae: {  	v49 =	vld [tilespmem:$0x5AC0];
	[tilespmem:$0x9B80] =	vst v47  }
0x1af: {  	[tilespmem:$0x9980] =	vst v1;
	v1 =	vld [tilespmem:$0x5A80]  }
0x1b0: {  	[tilespmem:$0x9A00] =	vst v2;
	v2 =	vld [tilespmem:$0x5A90]  }
0x1b1: {  	[tilespmem:$0x9A80] =	vst v3;
	v3 =	vld [tilespmem:$0x5AA0]  }
0x1b2: {  	v50 =	vld [tilespmem:$0x5B00];
	[tilespmem:$0x9D80] =	vst v48  }
0x1b3: {  	v51 =	vld [tilespmem:$0x5B10];
	[tilespmem:$0x9E00] =	vst v49  }
0x1b4: {  	[tilespmem:$0x9C00] =	vst v1;
	v1 =	vld [tilespmem:$0x5AD0]  }
0x1b5: {  	[tilespmem:$0x9C80] =	vst v2;
	v2 =	vld [tilespmem:$0x5AE0]  }
0x1b6: {  	[tilespmem:$0x9D00] =	vst v3;
	v3 =	vld [tilespmem:$0x5AF0]  }
0x1b7: {  	v52 =	vld [tilespmem:$0x5B50];
	[tilespmem:$0xA000] =	vst v50  }
0x1b8: {  	v53 =	vld [tilespmem:$0x5B60];
	[tilespmem:$0xA080] =	vst v51  }
0x1b9: {  	[tilespmem:$0x9E80] =	vst v1;
	v1 =	vld [tilespmem:$0x5B20]  }
0x1ba: {  	[tilespmem:$0x9F00] =	vst v2;
	v2 =	vld [tilespmem:$0x5B30]  }
0x1bb: {  	[tilespmem:$0x9F80] =	vst v3;
	v3 =	vld [tilespmem:$0x5B40]  }
0x1bc: {  	v54 =	vld [tilespmem:$0x5BA0];
	[tilespmem:$0xA280] =	vst v52  }
0x1bd: {  	v55 =	vld [tilespmem:$0x5BB0];
	[tilespmem:$0xA300] =	vst v53  }
0x1be: {  	[tilespmem:$0xA100] =	vst v1;
	v1 =	vld [tilespmem:$0x5B70]  }
0x1bf: {  	[tilespmem:$0xA180] =	vst v2;
	v2 =	vld [tilespmem:$0x5B80]  }
0x1c0: {  	[tilespmem:$0xA200] =	vst v3;
	v3 =	vld [tilespmem:$0x5B90]  }
0x1c1: {  	v56 =	vld [tilespmem:$0x5BF0];
	[tilespmem:$0xA500] =	vst v54  }
0x1c2: {  	v57 =	vld [tilespmem:$0x5C00];
	[tilespmem:$0xA580] =	vst v55  }
0x1c3: {  	[tilespmem:$0xA380] =	vst v1;
	v1 =	vld [tilespmem:$0x5BC0]  }
0x1c4: {  	[tilespmem:$0xA400] =	vst v2;
	v2 =	vld [tilespmem:$0x5BD0]  }
0x1c5: {  	[tilespmem:$0xA480] =	vst v3;
	v3 =	vld [tilespmem:$0x5BE0]  }
0x1c6: {  	v58 =	vld [tilespmem:$0x5C40];
	[tilespmem:$0xA780] =	vst v56  }
0x1c7: {  	v59 =	vld [tilespmem:$0x5C50];
	[tilespmem:$0xA800] =	vst v57  }
0x1c8: {  	[tilespmem:$0xA600] =	vst v1;
	v1 =	vld [tilespmem:$0x5C10]  }
0x1c9: {  	[tilespmem:$0xA680] =	vst v2;
	v2 =	vld [tilespmem:$0x5C20]  }
0x1ca: {  	[tilespmem:$0xA700] =	vst v3;
	v3 =	vld [tilespmem:$0x5C30]  }
0x1cb: {  	v60 =	vld [tilespmem:$0x5C90];
	[tilespmem:$0xAA00] =	vst v58  }
0x1cc: {  	v61 =	vld [tilespmem:$0x5CA0];
	[tilespmem:$0xAA80] =	vst v59  }
0x1cd: {  	[tilespmem:$0xA880] =	vst v1;
	v1 =	vld [tilespmem:$0x5C60]  }
0x1ce: {  	[tilespmem:$0xA900] =	vst v2;
	v2 =	vld [tilespmem:$0x5C70]  }
0x1cf: {  	[tilespmem:$0xA980] =	vst v3;
	v3 =	vld [tilespmem:$0x5C80]  }
0x1d0: {  	v62 =	vld [tilespmem:$0x5CE0];
	[tilespmem:$0xAC80] =	vst v60  }
0x1d1: {  	v63 =	vld [tilespmem:$0x5CF0];
	[tilespmem:$0xAD00] =	vst v61  }
0x1d2: {  	[tilespmem:$0xAB00] =	vst v1;
	v1 =	vld [tilespmem:$0x5CB0]  }
0x1d3: {  	s13 =	smulhi.u32 $0x51EB851F, s6;
	[tilespmem:$0xAB80] =	vst v2;
	v2 =	vld [tilespmem:$0x5CC0]  }
0x1d4: {  	[tilespmem:$0xAC00] =	vst v3;
	v3 =	vld [tilespmem:$0x5CD0]  }
0x1d5: {  	p0 =	seq.s32 s6, $0x7B;
	s12 =	sshrl.u32 s13, $0x3;
	[tilespmem:$0xAF00] =	vst v62  }
0x1d6: {  	s6 =	sadd.s32 @!p0 $0x2, s6;
	s12 =	smul.u32 $0xE00, s12;
	[tilespmem:$0xAF80] =	vst v63  }
0x1d7: {  	p1 =	sne.s32 @!p0 s6, $0x7D;
	[tilespmem:$0xAD80] =	vst v1  }
0x1d8: {  	p1 =	por p0, !p1;
	s12 =	sshra.s32 s12, $0x2;
	[tilespmem:$0xAE00] =	vst v2  }
.Ltmp2:
0x1d9: {  	s0 =	sadd.s32 @!p0 $0x2, s0;
	s12 =	sadd.s32 s12, s8;
	[tilespmem:$0xAE80] =	vst v3;
	(pc) =	sbr.rel @!p1 .LBB2_6-.Ltmp2, $4  }
0x1da: {  	[spmem:s2] =	stream.indirect.scatter.add.f32 [tilespmem:s23], [sflag:$0x4], $0x80, s12, s31, $0xb8;
	[tilespmem:$0x1F000] =	vst v63  }
0x1db: {  	s7 =	sadd.s32 @!p0 $0x100, s7;
	s13 =	simm.s32 @!p0 $0x5800;
	s12 =	simm.s32 @!p0 $0x0  }
0x1dc: {  	[tilespmem:s13], [sflag:$0x2] =	stream.linear.gather @!p0 [hbm4b:s19+s12], $0x500, $0x38;
	[tilespmem:$0x1F000] =	vst v63  }
0x1dd: {  	s20 =	sadd.s32 @!p0 $0x200, s20;
	s8 =	sadd.s32 @!p0 $0x100, s8;
	s19 =	sadd.s32 @!p0 $0x200, s19  }
0x1de: {  	_ =	swait.ge [sflag:s24], $0x2800  }
0x1df: {  	[sflag:s24] =	ssyncset.done $0x0  }
0x1e0: {  	[sflag:s24] =	ssyncadd.s32 $0xFFFFD800  }
0x1e1: {  	_ =	swait.ge [sflag:s30], $0x500  }
0x1e2: {  	[sflag:s30] =	ssyncset.done $0x0  }
0x1e3: {  	[sflag:s30] =	ssyncadd.s32 $0xFFFFFB00  }
0x1e4: {  	v1 =	vld [tilespmem:$0x5000]  }
0x1e5: {  	v2 =	vld [tilespmem:$0x5010]  }
0x1e6: {  	v3 =	vld [tilespmem:$0x5020]  }
0x1e7: {  	v4 =	vld [tilespmem:$0x5030]  }
0x1e8: {  	v5 =	vld [tilespmem:$0x5040]  }
0x1e9: {  	v34 =	vld [tilespmem:$0x5080];
	[tilespmem:$0x6000] =	vst v1  }
0x1ea: {  	v35 =	vld [tilespmem:$0x5090];
	[tilespmem:$0x6080] =	vst v2  }
0x1eb: {  	v1 =	vld [tilespmem:$0x5050];
	[tilespmem:$0x6100] =	vst v3  }
0x1ec: {  	v2 =	vld [tilespmem:$0x5060];
	[tilespmem:$0x6180] =	vst v4  }
0x1ed: {  	v3 =	vld [tilespmem:$0x5070];
	[tilespmem:$0x6200] =	vst v5  }
0x1ee: {  	v36 =	vld [tilespmem:$0x50D0];
	[tilespmem:$0x6400] =	vst v34  }
0x1ef: {  	v37 =	vld [tilespmem:$0x50E0];
	[tilespmem:$0x6480] =	vst v35  }
0x1f0: {  	[tilespmem:$0x6280] =	vst v1;
	v1 =	vld [tilespmem:$0x50A0]  }
0x1f1: {  	[tilespmem:$0x6300] =	vst v2;
	v2 =	vld [tilespmem:$0x50B0]  }
0x1f2: {  	[tilespmem:$0x6380] =	vst v3;
	v3 =	vld [tilespmem:$0x50C0]  }
0x1f3: {  	v38 =	vld [tilespmem:$0x5120];
	[tilespmem:$0x6680] =	vst v36  }
0x1f4: {  	v39 =	vld [tilespmem:$0x5130];
	[tilespmem:$0x6700] =	vst v37  }
0x1f5: {  	[tilespmem:$0x6500] =	vst v1;
	v1 =	vld [tilespmem:$0x50F0]  }
0x1f6: {  	[tilespmem:$0x6580] =	vst v2;
	v2 =	vld [tilespmem:$0x5100]  }
0x1f7: {  	[tilespmem:$0x6600] =	vst v3;
	v3 =	vld [tilespmem:$0x5110]  }
0x1f8: {  	v40 =	vld [tilespmem:$0x5170];
	[tilespmem:$0x6900] =	vst v38  }
0x1f9: {  	v41 =	vld [tilespmem:$0x5180];
	[tilespmem:$0x6980] =	vst v39  }
0x1fa: {  	[tilespmem:$0x6780] =	vst v1;
	v1 =	vld [tilespmem:$0x5140]  }
0x1fb: {  	[tilespmem:$0x6800] =	vst v2;
	v2 =	vld [tilespmem:$0x5150]  }
0x1fc: {  	[tilespmem:$0x6880] =	vst v3;
	v3 =	vld [tilespmem:$0x5160]  }
0x1fd: {  	v42 =	vld [tilespmem:$0x51C0];
	[tilespmem:$0x6B80] =	vst v40  }
0x1fe: {  	v43 =	vld [tilespmem:$0x51D0];
	[tilespmem:$0x6C00] =	vst v41  }
0x1ff: {  	[tilespmem:$0x6A00] =	vst v1;
	v1 =	vld [tilespmem:$0x5190]  }
0x200: {  	[tilespmem:$0x6A80] =	vst v2;
	v2 =	vld [tilespmem:$0x51A0]  }
0x201: {  	[tilespmem:$0x6B00] =	vst v3;
	v3 =	vld [tilespmem:$0x51B0]  }
0x202: {  	v44 =	vld [tilespmem:$0x5210];
	[tilespmem:$0x6E00] =	vst v42  }
0x203: {  	v45 =	vld [tilespmem:$0x5220];
	[tilespmem:$0x6E80] =	vst v43  }
0x204: {  	[tilespmem:$0x6C80] =	vst v1;
	v1 =	vld [tilespmem:$0x51E0]  }
0x205: {  	[tilespmem:$0x6D00] =	vst v2;
	v2 =	vld [tilespmem:$0x51F0]  }
0x206: {  	[tilespmem:$0x6D80] =	vst v3;
	v3 =	vld [tilespmem:$0x5200]  }
0x207: {  	v46 =	vld [tilespmem:$0x5260];
	[tilespmem:$0x7080] =	vst v44  }
0x208: {  	v47 =	vld [tilespmem:$0x5270];
	[tilespmem:$0x7100] =	vst v45  }
0x209: {  	[tilespmem:$0x6F00] =	vst v1;
	v1 =	vld [tilespmem:$0x5230]  }
0x20a: {  	[tilespmem:$0x6F80] =	vst v2;
	v2 =	vld [tilespmem:$0x5240]  }
0x20b: {  	[tilespmem:$0x7000] =	vst v3;
	v3 =	vld [tilespmem:$0x5250]  }
0x20c: {  	v48 =	vld [tilespmem:$0x52B0];
	[tilespmem:$0x7300] =	vst v46  }
0x20d: {  	v49 =	vld [tilespmem:$0x52C0];
	[tilespmem:$0x7380] =	vst v47  }
0x20e: {  	[tilespmem:$0x7180] =	vst v1;
	v1 =	vld [tilespmem:$0x5280]  }
0x20f: {  	[tilespmem:$0x7200] =	vst v2;
	v2 =	vld [tilespmem:$0x5290]  }
0x210: {  	[tilespmem:$0x7280] =	vst v3;
	v3 =	vld [tilespmem:$0x52A0]  }
0x211: {  	v50 =	vld [tilespmem:$0x5300];
	[tilespmem:$0x7580] =	vst v48  }
0x212: {  	v51 =	vld [tilespmem:$0x5310];
	[tilespmem:$0x7600] =	vst v49  }
0x213: {  	[tilespmem:$0x7400] =	vst v1;
	v1 =	vld [tilespmem:$0x52D0]  }
0x214: {  	[tilespmem:$0x7480] =	vst v2;
	v2 =	vld [tilespmem:$0x52E0]  }
0x215: {  	[tilespmem:$0x7500] =	vst v3;
	v3 =	vld [tilespmem:$0x52F0]  }
0x216: {  	v52 =	vld [tilespmem:$0x5350];
	[tilespmem:$0x7800] =	vst v50  }
0x217: {  	v53 =	vld [tilespmem:$0x5360];
	[tilespmem:$0x7880] =	vst v51  }
0x218: {  	[tilespmem:$0x7680] =	vst v1;
	v1 =	vld [tilespmem:$0x5320]  }
0x219: {  	[tilespmem:$0x7700] =	vst v2;
	v2 =	vld [tilespmem:$0x5330]  }
0x21a: {  	[tilespmem:$0x7780] =	vst v3;
	v3 =	vld [tilespmem:$0x5340]  }
0x21b: {  	v54 =	vld [tilespmem:$0x53A0];
	[tilespmem:$0x7A80] =	vst v52  }
0x21c: {  	v55 =	vld [tilespmem:$0x53B0];
	[tilespmem:$0x7B00] =	vst v53  }
0x21d: {  	[tilespmem:$0x7900] =	vst v1;
	v1 =	vld [tilespmem:$0x5370]  }
0x21e: {  	[tilespmem:$0x7980] =	vst v2;
	v2 =	vld [tilespmem:$0x5380]  }
0x21f: {  	[tilespmem:$0x7A00] =	vst v3;
	v3 =	vld [tilespmem:$0x5390]  }
0x220: {  	v56 =	vld [tilespmem:$0x53F0];
	[tilespmem:$0x7D00] =	vst v54  }
0x221: {  	v57 =	vld [tilespmem:$0x5400];
	[tilespmem:$0x7D80] =	vst v55  }
0x222: {  	[tilespmem:$0x7B80] =	vst v1;
	v1 =	vld [tilespmem:$0x53C0]  }
0x223: {  	[tilespmem:$0x7C00] =	vst v2;
	v2 =	vld [tilespmem:$0x53D0]  }
0x224: {  	[tilespmem:$0x7C80] =	vst v3;
	v3 =	vld [tilespmem:$0x53E0]  }
0x225: {  	v58 =	vld [tilespmem:$0x5440];
	[tilespmem:$0x7F80] =	vst v56  }
0x226: {  	v59 =	vld [tilespmem:$0x5450];
	[tilespmem:$0x8000] =	vst v57  }
0x227: {  	[tilespmem:$0x7E00] =	vst v1;
	v1 =	vld [tilespmem:$0x5410]  }
0x228: {  	[tilespmem:$0x7E80] =	vst v2;
	v2 =	vld [tilespmem:$0x5420]  }
0x229: {  	[tilespmem:$0x7F00] =	vst v3;
	v3 =	vld [tilespmem:$0x5430]  }
0x22a: {  	v60 =	vld [tilespmem:$0x5490];
	[tilespmem:$0x8200] =	vst v58  }
0x22b: {  	v61 =	vld [tilespmem:$0x54A0];
	[tilespmem:$0x8280] =	vst v59  }
0x22c: {  	[tilespmem:$0x8080] =	vst v1;
	v1 =	vld [tilespmem:$0x5460]  }
0x22d: {  	[tilespmem:$0x8100] =	vst v2;
	v2 =	vld [tilespmem:$0x5470]  }
0x22e: {  	[tilespmem:$0x8180] =	vst v3;
	v3 =	vld [tilespmem:$0x5480]  }
0x22f: {  	v62 =	vld [tilespmem:$0x54E0];
	[tilespmem:$0x8480] =	vst v60  }
0x230: {  	v63 =	vld [tilespmem:$0x54F0];
	[tilespmem:$0x8500] =	vst v61  }
0x231: {  	[tilespmem:$0x8300] =	vst v1;
	v1 =	vld [tilespmem:$0x54B0]  }
0x232: {  	[tilespmem:$0x8380] =	vst v2;
	v2 =	vld [tilespmem:$0x54C0]  }
0x233: {  	[tilespmem:$0x8400] =	vst v3;
	v3 =	vld [tilespmem:$0x54D0]  }
0x234: {  	[tilespmem:$0x8700] =	vst v62  }
0x235: {  	[tilespmem:$0x8780] =	vst v63  }
0x236: {  	[tilespmem:$0x8580] =	vst v1  }
0x237: {  	[tilespmem:$0x8600] =	vst v2  }
0x238: {  	s0 =	simm.s32 $0x4C00;
	[tilespmem:$0x8680] =	vst v3  }
0x239: {  	[spmem:s2] =	stream.indirect.scatter.add.f32 [tilespmem:s21], [sflag:$0x3], $0x80, s0, s31, $0xb8;
	[tilespmem:$0x1F000] =	vst v63  }
0x23a: {  	_ =	swait.ge [sflag:s24], $0x2800  }
0x23b: {  	[sflag:s24] =	ssyncset.done $0x0  }
0x23c: {  	[sflag:s24] =	ssyncadd.s32 $0xFFFFD800  }
0x23d: {  	_ =	swait.ge [sflag:s25], $0x2800  }
0x23e: {  	[sflag:s25] =	ssyncset.done $0x0  }
0x23f: {  	s19 =	stileid.u32;
	[sflag:s25] =	ssyncadd.s32 $0xFFFFD800  }
0x240: {  	s0 =	sshll.u32 s19, $0x6;
	[bflag:$0x0] =	sbarrier.arrive $0xFFFF  }
0x241: {  	s6 =	sshrl.u32 s9, $0x3;
	s0 =	sor.u32 $0x1C05, s0;
	s7 =	rddreg [dreg:$0x6]  }
0x242: {  	[hbm:s7], [sflag:s0] =	dma.local [spmem:s6], $0x2800  }
0x243: {  	_ =	swait.ge [sflag:s22], $0x2800  }
0x244: {  	s1 =	sadd.s32 $0x1, s1;
	s20 =	rddreg [dreg:$0x7]  }
0x245: {  	p0 =	sne.s32 s1, s20  }
.Ltmp3:
0x246: {  	_ = 	snop;
	(pc) =	sbr.rel @p0 .LBB2_1-.Ltmp3, $3  }
0x247: {  	_ =	sdelay $0x1  }
0x248: {  	[sflag:s22] =	ssyncset.done $0x0  }
0x249: {  	[sflag:s22] =	ssyncadd.s32 $0xFFFFD800  }
0x24a: {  	_ =	sfence.sel $0x180000  }
0x24b: {  	[bflag:$0x0] =	sbarrier.arrive $0xFFFF  }
0x24c: {  	_ =	strace $0x90000047  }
0x24d: {  	s0 =	stileid.u32;
	[bflag:$0x2] =	sbarrier.arrive $0xFFFF  }
0x24e: {  	p0 =	sne.s32 s0, $0x0;
	s0 =	rddreg [dreg:$0x2]  }
0x24f: {  	s0 =	sadd.s32 @!p0 $0x100000, s0  }
0x250: {  	[sflag:s0] =	ssyncadd.tile.s32 @!p0 $0x1;
	_ =	shalt  }
.Lfunc_end2:
_tile_overlayer_lowered:
.L_overlay_start_2:
0x251: {  	(tag) =	ssettag $0x2  }
0x252: {  	s0 =	rddreg [dreg:$0x0];
	s2 =	stileid.u32  }
0x253: {  	s1 =	rddreg [dreg:$0x1];
	p0 =	sne.s32 s2, $0x0  }
0x254: {  	s3 =	rddreg [dreg:$0x2];
	[bflag:$0x3] =	sbarrier.arrive $0xFFFF;
	s2 =	simm.s32 @!p0 $0x1C05  }
0x255: {  	[timem:s3], [sflag:s2] =	dma.local @!p0 [hbm:s0], s1  }
0x256: {  	s0 =	simm.s32 @!p0 $0x5  }
0x257: {  	_ =	swait.ge @!p0 [sflag:s0], s1  }
0x258: {  	s1 =	ssub.s32 @!p0 $0x0, s1;
	[sflag:s0] =	ssyncset.done @!p0 $0x0  }
0x259: {  	[sflag:s0] =	ssyncadd.s32 @!p0 s1  }
0x25a: {  	[bflag:$0x3] =	sbarrier.arrive $0xFFFF  }
0x25b: {  	_ =	shalt  }

</sc_bundles>
